<compile_context>
chip_gen: v7x
topology: tpu7x:2x2x1
jax: 0.10.2.dev20260603
libtpu: 0.0.44.dev20260713+nightly
codegen_flags: <defaults>
</compile_context>

<pallas_src>
import functools

import jax
import jax.numpy as jnp
from jax import lax
from jax.experimental import pallas as pl
from jax.experimental.pallas import tpu as pltpu
from jax.experimental.pallas import tpu_sc as plsc

NUM_CORES = 2
NUM_SUBCORES = 16
NLANES = 16
NW = NUM_CORES * NUM_SUBCORES


def _sc_histogram(x_flat, B, L, V):
    rows_per_w = B // NW
    chunk_rows = 64
    n_chunks = rows_per_w // chunk_rows
    n_groups = chunk_rows // NLANES

    mesh = plsc.VectorSubcoreMesh(
        core_axis_name="c", subcore_axis_name="s",
        num_cores=NUM_CORES, num_subcores=NUM_SUBCORES)

    @functools.partial(
        pl.kernel,
        out_type=jax.ShapeDtypeStruct((B * V,), jnp.float32),
        mesh=mesh,
        compiler_params=pltpu.CompilerParams(
            needs_layout_passes=False, disable_bounds_checks=True),
        scratch_types=[
            pltpu.VMEM((chunk_rows * L,), jnp.int32),
            pltpu.VMEM((chunk_rows * L,), jnp.int32),
            pltpu.VMEM((rows_per_w * V,), jnp.float32),
            pltpu.SemaphoreType.DMA,
            pltpu.SemaphoreType.DMA,
        ],
    )
    def hist(x_hbm, out_hbm, xb0, xb1, counts, sem0, sem1):
        wid = lax.axis_index("s") * NUM_CORES + lax.axis_index("c")
        row0 = wid * rows_per_w

        lane = lax.iota(jnp.int32, NLANES)
        laneL = lane * L
        laneV = lane * V
        ones = jnp.full((NLANES,), 1.0, jnp.float32)
        zeros = jnp.zeros((NLANES,), jnp.float32)

        @plsc.parallel_loop(0, (rows_per_w * V) // NLANES, unroll=8)
        def _(j):
            counts[pl.ds(j * NLANES, NLANES)] = zeros

        xbufs = (xb0, xb1)
        sems = (sem0, sem1)

        def start_chunk(c):
            off = (row0 + c * chunk_rows) * L
            return pltpu.async_copy(
                x_hbm.at[pl.ds(off, chunk_rows * L)],
                xbufs[c % 2], sems[c % 2])

        pending = start_chunk(0)
        for c in range(n_chunks):
            pending.wait()
            if c + 1 < n_chunks:
                pending = start_chunk(c + 1)
            xb = xbufs[c % 2]
            for g in range(n_groups):
                src_base = laneL + (g * NLANES * L)
                dst_base = laneV + ((c * chunk_rows + g * NLANES) * V)

                @plsc.parallel_loop(0, L, unroll=8)
                def _(l):
                    v = plsc.load_gather(xb, [src_base + l])
                    plsc.addupdate_scatter(counts, [dst_base + v], ones)

        pltpu.sync_copy(counts,
                        out_hbm.at[pl.ds(row0 * V, rows_per_w * V)])

    return hist(x_flat)


def _tc_mlp(counts, emb, W1, b1, W2, b2, L):
    B, V = counts.shape
    E = emb.shape[1]
    H = W1.shape[1]
    P = W2.shape[1]
    blk = 2048
    inv_l = 1.0 / float(L)

    def body(c_ref, emb_ref, w1_ref, b1_ref, w2_ref, b2_ref, o_ref):
        ew = jnp.dot(emb_ref[...], w1_ref[...],
                     preferred_element_type=jnp.float32) * inv_l
        h = jnp.maximum(
            jnp.dot(c_ref[...].astype(jnp.bfloat16),
                    ew.astype(jnp.bfloat16),
                    preferred_element_type=jnp.float32)
            + b1_ref[...], 0.0)
        o = jnp.dot(h.astype(jnp.bfloat16),
                    w2_ref[...].astype(jnp.bfloat16),
                    preferred_element_type=jnp.float32) + b2_ref[...]
        ss = jnp.sum(o * o, axis=1, keepdims=True)
        o_ref[...] = o / jnp.maximum(jnp.sqrt(ss), 1e-12)

    return pl.pallas_call(
        body,
        grid=(B // blk,),
        in_specs=[
            pl.BlockSpec((blk, V), lambda i: (i, 0)),
            pl.BlockSpec((V, E), lambda i: (0, 0)),
            pl.BlockSpec((E, H), lambda i: (0, 0)),
            pl.BlockSpec((1, H), lambda i: (0, 0)),
            pl.BlockSpec((H, P), lambda i: (0, 0)),
            pl.BlockSpec((1, P), lambda i: (0, 0)),
        ],
        out_specs=pl.BlockSpec((blk, P), lambda i: (i, 0)),
        out_shape=jax.ShapeDtypeStruct((B, P), jnp.float32),
    )(counts, emb, W1, b1.reshape(1, H), W2, b2.reshape(1, P))


def kernel(x, emb, W1, b1, W2, b2):
    B, L = x.shape
    V = emb.shape[0]
    assert B % (NW * NLANES) == 0
    counts = _sc_histogram(x.reshape(-1), B, L, V).reshape(B, V)
    return _tc_mlp(counts, emb, W1, b1, W2, b2, L)

# --- scband reference (transcript-rebuilt; emitter-appended) ---
"""Pipeline reference for scband-codon-encoder-34359738486 (READ-ONLY COPY).

The authoritative reference and input builder live on the scoring server;
editing this copy changes nothing except your own understanding.
"""

import jax, jax.numpy as jnp
import numpy as np

B, L = 16384, 200
V, E, H, P = 64, 48, 128, 64
PAD_IDX = 0  # CODON_TO_INDEX['TTT'] == 0


def setup_inputs(seed: int = 0) -> dict:
    key = jax.random.key(seed)
    k1, k2, k3, k4 = jax.random.split(key, 4)
    x = jax.random.randint(k1, (B, L), 0, V)
    emb = jax.random.normal(k2, (V, E), dtype=jnp.float32)
    # nn.Embedding zero-initializes the padding_idx row
    emb = emb.at[PAD_IDX].set(0.0)
    W1 = jax.random.normal(k3, (E, H), dtype=jnp.float32) * (1.0 / np.sqrt(E))
    b1 = jnp.zeros((H,), dtype=jnp.float32)
    W2 = jax.random.normal(k4, (H, P), dtype=jnp.float32) * (1.0 / np.sqrt(H))
    b2 = jnp.zeros((P,), dtype=jnp.float32)
    return {"x": x, "emb": emb, "W1": W1, "b1": b1, "W2": W2, "b2": b2}


def reference(x, emb, W1, b1, W2, b2):
    # embedding lookup
    e = jnp.take(emb, x, axis=0)            # [B, L, E]
    m = e.mean(axis=1)                       # [B, E]
    h = jax.nn.relu(m @ W1 + b1)             # [B, H]
    out = h @ W2 + b2                        # [B, P]
    # F.normalize(out, dim=1): x / max(||x||_2, eps)
    n = jnp.linalg.norm(out, axis=1, keepdims=True)
    return out / jnp.maximum(n, 1e-12)

if __name__ == "__main__":
    import jax
    _d = setup_inputs()
    print(jax.jit(kernel)(*tuple(_d.values())))

</pallas_src>

<mosaic_0001>
#map = affine_map<(d0, d1) -> (0)>
module attributes {stable_mosaic.version = 14 : i64} {
  func.func @hist(%arg0: i32, %arg1: i32, %arg2: memref<3276800xi32, #tpu.memory_space<hbm>>, %arg3: memref<1048576xf32, #tpu.memory_space<hbm>>, %arg4: memref<12800xi32, #tpu.memory_space<vmem>>, %arg5: memref<12800xi32, #tpu.memory_space<vmem>>, %arg6: memref<32768xf32, #tpu.memory_space<vmem>>, %arg7: memref<!tpu.dma_semaphore, #tpu.memory_space<semaphore_mem>>, %arg8: memref<!tpu.dma_semaphore, #tpu.memory_space<semaphore_mem>>) attributes {dimension_semantics = [#tpu.dimension_semantics<core_parallel>, #tpu.dimension_semantics<subcore_parallel>], iteration_bounds = array<i64: 2, 16>, scalar_prefetch = 0 : i64, scratch_operands = 5 : i64, tpu.core_type = #tpu.core_type<sc_vector_subcore>, window_params = [{transform_indices = #map}, {transform_indices = #map}]} {
    %mul3A = arith.constant 2 : i32
    %mul3A_0 = arith.muli %arg1, %mul3A : i32
    %add3A = arith.addi %mul3A_0, %arg0 : i32
    %mul3A_1 = arith.constant 512 : i32
    %mul3A_2 = arith.muli %add3A, %mul3A_1 : i32
    %iota3A = tpu.iota {dimensions = array<i32: 0>} : vector<16xi32>
    %mul3A_3 = arith.constant 200 : i32
    %mul3A_4 = vector.broadcast %mul3A_3 : i32 to vector<16xi32>
    %mul3A_5 = arith.muli %iota3A, %mul3A_4 : vector<16xi32>
    %mul3A_6 = arith.constant 64 : i32
    %mul3A_7 = vector.broadcast %mul3A_6 : i32 to vector<16xi32>
    %mul3A_8 = arith.muli %iota3A, %mul3A_7 : vector<16xi32>
    %broadcast_in_dim3A = arith.constant 1.000000e+00 : f32
    %broadcast_in_dim3A_9 = vector.broadcast %broadcast_in_dim3A : f32 to vector<16xf32>
    %broadcast_in_dim3A_10 = arith.constant 0.000000e+00 : f32
    %broadcast_in_dim3A_11 = vector.broadcast %broadcast_in_dim3A_10 : f32 to vector<16xf32>
    %parallel_loop3A = arith.constant 0 : i32
    %parallel_loop3A_12 = arith.constant 2048 : i32
    %parallel_loop3A_13 = arith.constant 1 : i32
    scf.for %parallel_loop3A_366 = %parallel_loop3A to %parallel_loop3A_12 step %parallel_loop3A_13  : i32 {
      %parallel_loop3A_367 = arith.constant 16 : i32
      %parallel_loop3A_368 = arith.muli %parallel_loop3A_366, %parallel_loop3A_367 : i32
      %parallel_loop3A_369 = arith.index_cast %parallel_loop3A_368 : i32 to index
      %parallel_loop3A_370 = tpu.vector_load %arg6[%parallel_loop3A_369] {strides = array<i32>} : memref<32768xf32, #tpu.memory_space<vmem>>, vector<16xf32>,
      tpu.vector_store %arg6[%parallel_loop3A_369], %broadcast_in_dim3A_11 {strides = array<i32>} : memref<32768xf32, #tpu.memory_space<vmem>>, vector<16xf32>,
    } {sc.loop_unroll_factor = 8 : i64, sc.parallel_access}
    %add3A_14 = arith.constant 0 : i32
    %add3A_15 = arith.addi %mul3A_2, %add3A_14 : i32
    %mul3A_16 = arith.constant 200 : i32
    %mul3A_17 = arith.muli %add3A_15, %mul3A_16 : i32
    %dma_start3A = tpu.memref_slice %arg2[%mul3A_17] : memref<3276800xi32, #tpu.memory_space<hbm>> -> memref<12800xi32, #tpu.memory_space<hbm>>
    %dma_start3A_18 = tpu.memref_slice %arg2[%mul3A_17] : memref<3276800xi32, #tpu.memory_space<hbm>> -> memref<12800xi32, #tpu.memory_space<hbm>>
    tpu.enqueue_dma source(%dma_start3A_18 : memref<12800xi32, #tpu.memory_space<hbm>>) target(%arg4 : memref<12800xi32, #tpu.memory_space<vmem>>) target_semaphore(%arg7 : memref<!tpu.dma_semaphore, #tpu.memory_space<semaphore_mem>>)
    %dma_wait3A = tpu.memref_slice %arg2[%mul3A_17] : memref<3276800xi32, #tpu.memory_space<hbm>> -> memref<12800xi32, #tpu.memory_space<hbm>>
    %dma_wait3A_19 = tpu.memref_slice %arg2[%mul3A_17] : memref<3276800xi32, #tpu.memory_space<hbm>> -> memref<12800xi32, #tpu.memory_space<hbm>>
    tpu.wait_dma2 semaphore(%arg7 : memref<!tpu.dma_semaphore, #tpu.memory_space<semaphore_mem>>) src(%dma_wait3A_19 : memref<12800xi32, #tpu.memory_space<hbm>>) dst(%arg4 : memref<12800xi32, #tpu.memory_space<vmem>>)
    %add3A_20 = arith.constant 64 : i32
    %add3A_21 = arith.addi %mul3A_2, %add3A_20 : i32
    %mul3A_22 = arith.constant 200 : i32
    %mul3A_23 = arith.muli %add3A_21, %mul3A_22 : i32
    %dma_start3A_24 = tpu.memref_slice %arg2[%mul3A_23] : memref<3276800xi32, #tpu.memory_space<hbm>> -> memref<12800xi32, #tpu.memory_space<hbm>>
    %dma_start3A_25 = tpu.memref_slice %arg2[%mul3A_23] : memref<3276800xi32, #tpu.memory_space<hbm>> -> memref<12800xi32, #tpu.memory_space<hbm>>
    tpu.enqueue_dma source(%dma_start3A_25 : memref<12800xi32, #tpu.memory_space<hbm>>) target(%arg5 : memref<12800xi32, #tpu.memory_space<vmem>>) target_semaphore(%arg8 : memref<!tpu.dma_semaphore, #tpu.memory_space<semaphore_mem>>)
    %add3A_26 = arith.constant 0 : i32
    %add3A_27 = vector.broadcast %add3A_26 : i32 to vector<16xi32>
    %add3A_28 = arith.addi %mul3A_5, %add3A_27 : vector<16xi32>
    %add3A_29 = arith.constant 0 : i32
    %add3A_30 = vector.broadcast %add3A_29 : i32 to vector<16xi32>
    %add3A_31 = arith.addi %mul3A_8, %add3A_30 : vector<16xi32>
    %parallel_loop3A_32 = arith.constant 0 : i32
    %parallel_loop3A_33 = arith.constant 200 : i32
    %parallel_loop3A_34 = arith.constant 1 : i32
    scf.for %parallel_loop3A_366 = %parallel_loop3A_32 to %parallel_loop3A_33 step %parallel_loop3A_34  : i32 {
      %parallel_loop3A_367 = vector.broadcast %parallel_loop3A_366 : i32 to vector<16xi32>
      %parallel_loop3A_368 = arith.addi %add3A_28, %parallel_loop3A_367 : vector<16xi32>
      %parallel_loop3A_369 = tpu.vector_load_idx %arg4[%parallel_loop3A_368] : memref<12800xi32, #tpu.memory_space<vmem>>[vector<16xi32>], vector<16xi32>,
      %parallel_loop3A_370 = arith.addi %add3A_31, %parallel_loop3A_369 : vector<16xi32>
      tpu.vector_store_idx %arg6[%parallel_loop3A_370], %broadcast_in_dim3A_9 {add = true} : memref<32768xf32, #tpu.memory_space<vmem>>[vector<16xi32>], vector<16xf32>,
    } {sc.loop_unroll_factor = 8 : i64, sc.parallel_access}
    %add3A_35 = arith.constant 3200 : i32
    %add3A_36 = vector.broadcast %add3A_35 : i32 to vector<16xi32>
    %add3A_37 = arith.addi %mul3A_5, %add3A_36 : vector<16xi32>
    %add3A_38 = arith.constant 1024 : i32
    %add3A_39 = vector.broadcast %add3A_38 : i32 to vector<16xi32>
    %add3A_40 = arith.addi %mul3A_8, %add3A_39 : vector<16xi32>
    %parallel_loop3A_41 = arith.constant 0 : i32
    %parallel_loop3A_42 = arith.constant 200 : i32
    %parallel_loop3A_43 = arith.constant 1 : i32
    scf.for %parallel_loop3A_366 = %parallel_loop3A_41 to %parallel_loop3A_42 step %parallel_loop3A_43  : i32 {
      %parallel_loop3A_367 = vector.broadcast %parallel_loop3A_366 : i32 to vector<16xi32>
      %parallel_loop3A_368 = arith.addi %add3A_37, %parallel_loop3A_367 : vector<16xi32>
      %parallel_loop3A_369 = tpu.vector_load_idx %arg4[%parallel_loop3A_368] : memref<12800xi32, #tpu.memory_space<vmem>>[vector<16xi32>], vector<16xi32>,
      %parallel_loop3A_370 = arith.addi %add3A_40, %parallel_loop3A_369 : vector<16xi32>
      tpu.vector_store_idx %arg6[%parallel_loop3A_370], %broadcast_in_dim3A_9 {add = true} : memref<32768xf32, #tpu.memory_space<vmem>>[vector<16xi32>], vector<16xf32>,
    } {sc.loop_unroll_factor = 8 : i64, sc.parallel_access}
    %add3A_44 = arith.constant 6400 : i32
    %add3A_45 = vector.broadcast %add3A_44 : i32 to vector<16xi32>
    %add3A_46 = arith.addi %mul3A_5, %add3A_45 : vector<16xi32>
    %add3A_47 = arith.constant 2048 : i32
    %add3A_48 = vector.broadcast %add3A_47 : i32 to vector<16xi32>
    %add3A_49 = arith.addi %mul3A_8, %add3A_48 : vector<16xi32>
    %parallel_loop3A_50 = arith.constant 0 : i32
    %parallel_loop3A_51 = arith.constant 200 : i32
    %parallel_loop3A_52 = arith.constant 1 : i32
    scf.for %parallel_loop3A_366 = %parallel_loop3A_50 to %parallel_loop3A_51 step %parallel_loop3A_52  : i32 {
      %parallel_loop3A_367 = vector.broadcast %parallel_loop3A_366 : i32 to vector<16xi32>
      %parallel_loop3A_368 = arith.addi %add3A_46, %parallel_loop3A_367 : vector<16xi32>
      %parallel_loop3A_369 = tpu.vector_load_idx %arg4[%parallel_loop3A_368] : memref<12800xi32, #tpu.memory_space<vmem>>[vector<16xi32>], vector<16xi32>,
      %parallel_loop3A_370 = arith.addi %add3A_49, %parallel_loop3A_369 : vector<16xi32>
      tpu.vector_store_idx %arg6[%parallel_loop3A_370], %broadcast_in_dim3A_9 {add = true} : memref<32768xf32, #tpu.memory_space<vmem>>[vector<16xi32>], vector<16xf32>,
    } {sc.loop_unroll_factor = 8 : i64, sc.parallel_access}
    %add3A_53 = arith.constant 9600 : i32
    %add3A_54 = vector.broadcast %add3A_53 : i32 to vector<16xi32>
    %add3A_55 = arith.addi %mul3A_5, %add3A_54 : vector<16xi32>
    %add3A_56 = arith.constant 3072 : i32
    %add3A_57 = vector.broadcast %add3A_56 : i32 to vector<16xi32>
    %add3A_58 = arith.addi %mul3A_8, %add3A_57 : vector<16xi32>
    %parallel_loop3A_59 = arith.constant 0 : i32
    %parallel_loop3A_60 = arith.constant 200 : i32
    %parallel_loop3A_61 = arith.constant 1 : i32
    scf.for %parallel_loop3A_366 = %parallel_loop3A_59 to %parallel_loop3A_60 step %parallel_loop3A_61  : i32 {
      %parallel_loop3A_367 = vector.broadcast %parallel_loop3A_366 : i32 to vector<16xi32>
      %parallel_loop3A_368 = arith.addi %add3A_55, %parallel_loop3A_367 : vector<16xi32>
      %parallel_loop3A_369 = tpu.vector_load_idx %arg4[%parallel_loop3A_368] : memref<12800xi32, #tpu.memory_space<vmem>>[vector<16xi32>], vector<16xi32>,
      %parallel_loop3A_370 = arith.addi %add3A_58, %parallel_loop3A_369 : vector<16xi32>
      tpu.vector_store_idx %arg6[%parallel_loop3A_370], %broadcast_in_dim3A_9 {add = true} : memref<32768xf32, #tpu.memory_space<vmem>>[vector<16xi32>], vector<16xf32>,
    } {sc.loop_unroll_factor = 8 : i64, sc.parallel_access}
    %dma_wait3A_62 = tpu.memref_slice %arg2[%mul3A_23] : memref<3276800xi32, #tpu.memory_space<hbm>> -> memref<12800xi32, #tpu.memory_space<hbm>>
    %dma_wait3A_63 = tpu.memref_slice %arg2[%mul3A_23] : memref<3276800xi32, #tpu.memory_space<hbm>> -> memref<12800xi32, #tpu.memory_space<hbm>>
    tpu.wait_dma2 semaphore(%arg8 : memref<!tpu.dma_semaphore, #tpu.memory_space<semaphore_mem>>) src(%dma_wait3A_63 : memref<12800xi32, #tpu.memory_space<hbm>>) dst(%arg5 : memref<12800xi32, #tpu.memory_space<vmem>>)
    %add3A_64 = arith.constant 128 : i32
    %add3A_65 = arith.addi %mul3A_2, %add3A_64 : i32
    %mul3A_66 = arith.constant 200 : i32
    %mul3A_67 = arith.muli %add3A_65, %mul3A_66 : i32
    %dma_start3A_68 = tpu.memref_slice %arg2[%mul3A_67] : memref<3276800xi32, #tpu.memory_space<hbm>> -> memref<12800xi32, #tpu.memory_space<hbm>>
    %dma_start3A_69 = tpu.memref_slice %arg2[%mul3A_67] : memref<3276800xi32, #tpu.memory_space<hbm>> -> memref<12800xi32, #tpu.memory_space<hbm>>
    tpu.enqueue_dma source(%dma_start3A_69 : memref<12800xi32, #tpu.memory_space<hbm>>) target(%arg4 : memref<12800xi32, #tpu.memory_space<vmem>>) target_semaphore(%arg7 : memref<!tpu.dma_semaphore, #tpu.memory_space<semaphore_mem>>)
    %add3A_70 = arith.constant 0 : i32
    %add3A_71 = vector.broadcast %add3A_70 : i32 to vector<16xi32>
    %add3A_72 = arith.addi %mul3A_5, %add3A_71 : vector<16xi32>
    %add3A_73 = arith.constant 4096 : i32
    %add3A_74 = vector.broadcast %add3A_73 : i32 to vector<16xi32>
    %add3A_75 = arith.addi %mul3A_8, %add3A_74 : vector<16xi32>
    %parallel_loop3A_76 = arith.constant 0 : i32
    %parallel_loop3A_77 = arith.constant 200 : i32
    %parallel_loop3A_78 = arith.constant 1 : i32
    scf.for %parallel_loop3A_366 = %parallel_loop3A_76 to %parallel_loop3A_77 step %parallel_loop3A_78  : i32 {
      %parallel_loop3A_367 = vector.broadcast %parallel_loop3A_366 : i32 to vector<16xi32>
      %parallel_loop3A_368 = arith.addi %add3A_72, %parallel_loop3A_367 : vector<16xi32>
      %parallel_loop3A_369 = tpu.vector_load_idx %arg5[%parallel_loop3A_368] : memref<12800xi32, #tpu.memory_space<vmem>>[vector<16xi32>], vector<16xi32>,
      %parallel_loop3A_370 = arith.addi %add3A_75, %parallel_loop3A_369 : vector<16xi32>
      tpu.vector_store_idx %arg6[%parallel_loop3A_370], %broadcast_in_dim3A_9 {add = true} : memref<32768xf32, #tpu.memory_space<vmem>>[vector<16xi32>], vector<16xf32>,
    } {sc.loop_unroll_factor = 8 : i64, sc.parallel_access}
    %add3A_79 = arith.constant 3200 : i32
    %add3A_80 = vector.broadcast %add3A_79 : i32 to vector<16xi32>
    %add3A_81 = arith.addi %mul3A_5, %add3A_80 : vector<16xi32>
    %add3A_82 = arith.constant 5120 : i32
    %add3A_83 = vector.broadcast %add3A_82 : i32 to vector<16xi32>
    %add3A_84 = arith.addi %mul3A_8, %add3A_83 : vector<16xi32>
    %parallel_loop3A_85 = arith.constant 0 : i32
    %parallel_loop3A_86 = arith.constant 200 : i32
    %parallel_loop3A_87 = arith.constant 1 : i32
    scf.for %parallel_loop3A_366 = %parallel_loop3A_85 to %parallel_loop3A_86 step %parallel_loop3A_87  : i32 {
      %parallel_loop3A_367 = vector.broadcast %parallel_loop3A_366 : i32 to vector<16xi32>
      %parallel_loop3A_368 = arith.addi %add3A_81, %parallel_loop3A_367 : vector<16xi32>
      %parallel_loop3A_369 = tpu.vector_load_idx %arg5[%parallel_loop3A_368] : memref<12800xi32, #tpu.memory_space<vmem>>[vector<16xi32>], vector<16xi32>,
      %parallel_loop3A_370 = arith.addi %add3A_84, %parallel_loop3A_369 : vector<16xi32>
      tpu.vector_store_idx %arg6[%parallel_loop3A_370], %broadcast_in_dim3A_9 {add = true} : memref<32768xf32, #tpu.memory_space<vmem>>[vector<16xi32>], vector<16xf32>,
    } {sc.loop_unroll_factor = 8 : i64, sc.parallel_access}
    %add3A_88 = arith.constant 6400 : i32
    %add3A_89 = vector.broadcast %add3A_88 : i32 to vector<16xi32>
    %add3A_90 = arith.addi %mul3A_5, %add3A_89 : vector<16xi32>
    %add3A_91 = arith.constant 6144 : i32
    %add3A_92 = vector.broadcast %add3A_91 : i32 to vector<16xi32>
    %add3A_93 = arith.addi %mul3A_8, %add3A_92 : vector<16xi32>
    %parallel_loop3A_94 = arith.constant 0 : i32
    %parallel_loop3A_95 = arith.constant 200 : i32
    %parallel_loop3A_96 = arith.constant 1 : i32
    scf.for %parallel_loop3A_366 = %parallel_loop3A_94 to %parallel_loop3A_95 step %parallel_loop3A_96  : i32 {
      %parallel_loop3A_367 = vector.broadcast %parallel_loop3A_366 : i32 to vector<16xi32>
      %parallel_loop3A_368 = arith.addi %add3A_90, %parallel_loop3A_367 : vector<16xi32>
      %parallel_loop3A_369 = tpu.vector_load_idx %arg5[%parallel_loop3A_368] : memref<12800xi32, #tpu.memory_space<vmem>>[vector<16xi32>], vector<16xi32>,
      %parallel_loop3A_370 = arith.addi %add3A_93, %parallel_loop3A_369 : vector<16xi32>
      tpu.vector_store_idx %arg6[%parallel_loop3A_370], %broadcast_in_dim3A_9 {add = true} : memref<32768xf32, #tpu.memory_space<vmem>>[vector<16xi32>], vector<16xf32>,
    } {sc.loop_unroll_factor = 8 : i64, sc.parallel_access}
    %add3A_97 = arith.constant 9600 : i32
    %add3A_98 = vector.broadcast %add3A_97 : i32 to vector<16xi32>
    %add3A_99 = arith.addi %mul3A_5, %add3A_98 : vector<16xi32>
    %add3A_100 = arith.constant 7168 : i32
    %add3A_101 = vector.broadcast %add3A_100 : i32 to vector<16xi32>
    %add3A_102 = arith.addi %mul3A_8, %add3A_101 : vector<16xi32>
    %parallel_loop3A_103 = arith.constant 0 : i32
    %parallel_loop3A_104 = arith.constant 200 : i32
    %parallel_loop3A_105 = arith.constant 1 : i32
    scf.for %parallel_loop3A_366 = %parallel_loop3A_103 to %parallel_loop3A_104 step %parallel_loop3A_105  : i32 {
      %parallel_loop3A_367 = vector.broadcast %parallel_loop3A_366 : i32 to vector<16xi32>
      %parallel_loop3A_368 = arith.addi %add3A_99, %parallel_loop3A_367 : vector<16xi32>
      %parallel_loop3A_369 = tpu.vector_load_idx %arg5[%parallel_loop3A_368] : memref<12800xi32, #tpu.memory_space<vmem>>[vector<16xi32>], vector<16xi32>,
      %parallel_loop3A_370 = arith.addi %add3A_102, %parallel_loop3A_369 : vector<16xi32>
      tpu.vector_store_idx %arg6[%parallel_loop3A_370], %broadcast_in_dim3A_9 {add = true} : memref<32768xf32, #tpu.memory_space<vmem>>[vector<16xi32>], vector<16xf32>,
    } {sc.loop_unroll_factor = 8 : i64, sc.parallel_access}
    %dma_wait3A_106 = tpu.memref_slice %arg2[%mul3A_67] : memref<3276800xi32, #tpu.memory_space<hbm>> -> memref<12800xi32, #tpu.memory_space<hbm>>
    %dma_wait3A_107 = tpu.memref_slice %arg2[%mul3A_67] : memref<3276800xi32, #tpu.memory_space<hbm>> -> memref<12800xi32, #tpu.memory_space<hbm>>
    tpu.wait_dma2 semaphore(%arg7 : memref<!tpu.dma_semaphore, #tpu.memory_space<semaphore_mem>>) src(%dma_wait3A_107 : memref<12800xi32, #tpu.memory_space<hbm>>) dst(%arg4 : memref<12800xi32, #tpu.memory_space<vmem>>)
    %add3A_108 = arith.constant 192 : i32
    %add3A_109 = arith.addi %mul3A_2, %add3A_108 : i32
    %mul3A_110 = arith.constant 200 : i32
    %mul3A_111 = arith.muli %add3A_109, %mul3A_110 : i32
    %dma_start3A_112 = tpu.memref_slice %arg2[%mul3A_111] : memref<3276800xi32, #tpu.memory_space<hbm>> -> memref<12800xi32, #tpu.memory_space<hbm>>
    %dma_start3A_113 = tpu.memref_slice %arg2[%mul3A_111] : memref<3276800xi32, #tpu.memory_space<hbm>> -> memref<12800xi32, #tpu.memory_space<hbm>>
    tpu.enqueue_dma source(%dma_start3A_113 : memref<12800xi32, #tpu.memory_space<hbm>>) target(%arg5 : memref<12800xi32, #tpu.memory_space<vmem>>) target_semaphore(%arg8 : memref<!tpu.dma_semaphore, #tpu.memory_space<semaphore_mem>>)
    %add3A_114 = arith.constant 0 : i32
    %add3A_115 = vector.broadcast %add3A_114 : i32 to vector<16xi32>
    %add3A_116 = arith.addi %mul3A_5, %add3A_115 : vector<16xi32>
    %add3A_117 = arith.constant 8192 : i32
    %add3A_118 = vector.broadcast %add3A_117 : i32 to vector<16xi32>
    %add3A_119 = arith.addi %mul3A_8, %add3A_118 : vector<16xi32>
    %parallel_loop3A_120 = arith.constant 0 : i32
    %parallel_loop3A_121 = arith.constant 200 : i32
    %parallel_loop3A_122 = arith.constant 1 : i32
    scf.for %parallel_loop3A_366 = %parallel_loop3A_120 to %parallel_loop3A_121 step %parallel_loop3A_122  : i32 {
      %parallel_loop3A_367 = vector.broadcast %parallel_loop3A_366 : i32 to vector<16xi32>
      %parallel_loop3A_368 = arith.addi %add3A_116, %parallel_loop3A_367 : vector<16xi32>
      %parallel_loop3A_369 = tpu.vector_load_idx %arg4[%parallel_loop3A_368] : memref<12800xi32, #tpu.memory_space<vmem>>[vector<16xi32>], vector<16xi32>,
      %parallel_loop3A_370 = arith.addi %add3A_119, %parallel_loop3A_369 : vector<16xi32>
      tpu.vector_store_idx %arg6[%parallel_loop3A_370], %broadcast_in_dim3A_9 {add = true} : memref<32768xf32, #tpu.memory_space<vmem>>[vector<16xi32>], vector<16xf32>,
    } {sc.loop_unroll_factor = 8 : i64, sc.parallel_access}
    %add3A_123 = arith.constant 3200 : i32
    %add3A_124 = vector.broadcast %add3A_123 : i32 to vector<16xi32>
    %add3A_125 = arith.addi %mul3A_5, %add3A_124 : vector<16xi32>
    %add3A_126 = arith.constant 9216 : i32
    %add3A_127 = vector.broadcast %add3A_126 : i32 to vector<16xi32>
    %add3A_128 = arith.addi %mul3A_8, %add3A_127 : vector<16xi32>
    %parallel_loop3A_129 = arith.constant 0 : i32
    %parallel_loop3A_130 = arith.constant 200 : i32
    %parallel_loop3A_131 = arith.constant 1 : i32
    scf.for %parallel_loop3A_366 = %parallel_loop3A_129 to %parallel_loop3A_130 step %parallel_loop3A_131  : i32 {
      %parallel_loop3A_367 = vector.broadcast %parallel_loop3A_366 : i32 to vector<16xi32>
      %parallel_loop3A_368 = arith.addi %add3A_125, %parallel_loop3A_367 : vector<16xi32>
      %parallel_loop3A_369 = tpu.vector_load_idx %arg4[%parallel_loop3A_368] : memref<12800xi32, #tpu.memory_space<vmem>>[vector<16xi32>], vector<16xi32>,
      %parallel_loop3A_370 = arith.addi %add3A_128, %parallel_loop3A_369 : vector<16xi32>
      tpu.vector_store_idx %arg6[%parallel_loop3A_370], %broadcast_in_dim3A_9 {add = true} : memref<32768xf32, #tpu.memory_space<vmem>>[vector<16xi32>], vector<16xf32>,
    } {sc.loop_unroll_factor = 8 : i64, sc.parallel_access}
    %add3A_132 = arith.constant 6400 : i32
    %add3A_133 = vector.broadcast %add3A_132 : i32 to vector<16xi32>
    %add3A_134 = arith.addi %mul3A_5, %add3A_133 : vector<16xi32>
    %add3A_135 = arith.constant 10240 : i32
    %add3A_136 = vector.broadcast %add3A_135 : i32 to vector<16xi32>
    %add3A_137 = arith.addi %mul3A_8, %add3A_136 : vector<16xi32>
    %parallel_loop3A_138 = arith.constant 0 : i32
    %parallel_loop3A_139 = arith.constant 200 : i32
    %parallel_loop3A_140 = arith.constant 1 : i32
    scf.for %parallel_loop3A_366 = %parallel_loop3A_138 to %parallel_loop3A_139 step %parallel_loop3A_140  : i32 {
      %parallel_loop3A_367 = vector.broadcast %parallel_loop3A_366 : i32 to vector<16xi32>
      %parallel_loop3A_368 = arith.addi %add3A_134, %parallel_loop3A_367 : vector<16xi32>
      %parallel_loop3A_369 = tpu.vector_load_idx %arg4[%parallel_loop3A_368] : memref<12800xi32, #tpu.memory_space<vmem>>[vector<16xi32>], vector<16xi32>,
      %parallel_loop3A_370 = arith.addi %add3A_137, %parallel_loop3A_369 : vector<16xi32>
      tpu.vector_store_idx %arg6[%parallel_loop3A_370], %broadcast_in_dim3A_9 {add = true} : memref<32768xf32, #tpu.memory_space<vmem>>[vector<16xi32>], vector<16xf32>,
    } {sc.loop_unroll_factor = 8 : i64, sc.parallel_access}
    %add3A_141 = arith.constant 9600 : i32
    %add3A_142 = vector.broadcast %add3A_141 : i32 to vector<16xi32>
    %add3A_143 = arith.addi %mul3A_5, %add3A_142 : vector<16xi32>
    %add3A_144 = arith.constant 11264 : i32
    %add3A_145 = vector.broadcast %add3A_144 : i32 to vector<16xi32>
    %add3A_146 = arith.addi %mul3A_8, %add3A_145 : vector<16xi32>
    %parallel_loop3A_147 = arith.constant 0 : i32
    %parallel_loop3A_148 = arith.constant 200 : i32
    %parallel_loop3A_149 = arith.constant 1 : i32
    scf.for %parallel_loop3A_366 = %parallel_loop3A_147 to %parallel_loop3A_148 step %parallel_loop3A_149  : i32 {
      %parallel_loop3A_367 = vector.broadcast %parallel_loop3A_366 : i32 to vector<16xi32>
      %parallel_loop3A_368 = arith.addi %add3A_143, %parallel_loop3A_367 : vector<16xi32>
      %parallel_loop3A_369 = tpu.vector_load_idx %arg4[%parallel_loop3A_368] : memref<12800xi32, #tpu.memory_space<vmem>>[vector<16xi32>], vector<16xi32>,
      %parallel_loop3A_370 = arith.addi %add3A_146, %parallel_loop3A_369 : vector<16xi32>
      tpu.vector_store_idx %arg6[%parallel_loop3A_370], %broadcast_in_dim3A_9 {add = true} : memref<32768xf32, #tpu.memory_space<vmem>>[vector<16xi32>], vector<16xf32>,
    } {sc.loop_unroll_factor = 8 : i64, sc.parallel_access}
    %dma_wait3A_150 = tpu.memref_slice %arg2[%mul3A_111] : memref<3276800xi32, #tpu.memory_space<hbm>> -> memref<12800xi32, #tpu.memory_space<hbm>>
    %dma_wait3A_151 = tpu.memref_slice %arg2[%mul3A_111] : memref<3276800xi32, #tpu.memory_space<hbm>> -> memref<12800xi32, #tpu.memory_space<hbm>>
    tpu.wait_dma2 semaphore(%arg8 : memref<!tpu.dma_semaphore, #tpu.memory_space<semaphore_mem>>) src(%dma_wait3A_151 : memref<12800xi32, #tpu.memory_space<hbm>>) dst(%arg5 : memref<12800xi32, #tpu.memory_space<vmem>>)
    %add3A_152 = arith.constant 256 : i32
    %add3A_153 = arith.addi %mul3A_2, %add3A_152 : i32
    %mul3A_154 = arith.constant 200 : i32
    %mul3A_155 = arith.muli %add3A_153, %mul3A_154 : i32
    %dma_start3A_156 = tpu.memref_slice %arg2[%mul3A_155] : memref<3276800xi32, #tpu.memory_space<hbm>> -> memref<12800xi32, #tpu.memory_space<hbm>>
    %dma_start3A_157 = tpu.memref_slice %arg2[%mul3A_155] : memref<3276800xi32, #tpu.memory_space<hbm>> -> memref<12800xi32, #tpu.memory_space<hbm>>
    tpu.enqueue_dma source(%dma_start3A_157 : memref<12800xi32, #tpu.memory_space<hbm>>) target(%arg4 : memref<12800xi32, #tpu.memory_space<vmem>>) target_semaphore(%arg7 : memref<!tpu.dma_semaphore, #tpu.memory_space<semaphore_mem>>)
    %add3A_158 = arith.constant 0 : i32
    %add3A_159 = vector.broadcast %add3A_158 : i32 to vector<16xi32>
    %add3A_160 = arith.addi %mul3A_5, %add3A_159 : vector<16xi32>
    %add3A_161 = arith.constant 12288 : i32
    %add3A_162 = vector.broadcast %add3A_161 : i32 to vector<16xi32>
    %add3A_163 = arith.addi %mul3A_8, %add3A_162 : vector<16xi32>
    %parallel_loop3A_164 = arith.constant 0 : i32
    %parallel_loop3A_165 = arith.constant 200 : i32
    %parallel_loop3A_166 = arith.constant 1 : i32
    scf.for %parallel_loop3A_366 = %parallel_loop3A_164 to %parallel_loop3A_165 step %parallel_loop3A_166  : i32 {
      %parallel_loop3A_367 = vector.broadcast %parallel_loop3A_366 : i32 to vector<16xi32>
      %parallel_loop3A_368 = arith.addi %add3A_160, %parallel_loop3A_367 : vector<16xi32>
      %parallel_loop3A_369 = tpu.vector_load_idx %arg5[%parallel_loop3A_368] : memref<12800xi32, #tpu.memory_space<vmem>>[vector<16xi32>], vector<16xi32>,
      %parallel_loop3A_370 = arith.addi %add3A_163, %parallel_loop3A_369 : vector<16xi32>
      tpu.vector_store_idx %arg6[%parallel_loop3A_370], %broadcast_in_dim3A_9 {add = true} : memref<32768xf32, #tpu.memory_space<vmem>>[vector<16xi32>], vector<16xf32>,
    } {sc.loop_unroll_factor = 8 : i64, sc.parallel_access}
    %add3A_167 = arith.constant 3200 : i32
    %add3A_168 = vector.broadcast %add3A_167 : i32 to vector<16xi32>
    %add3A_169 = arith.addi %mul3A_5, %add3A_168 : vector<16xi32>
    %add3A_170 = arith.constant 13312 : i32
    %add3A_171 = vector.broadcast %add3A_170 : i32 to vector<16xi32>
    %add3A_172 = arith.addi %mul3A_8, %add3A_171 : vector<16xi32>
    %parallel_loop3A_173 = arith.constant 0 : i32
    %parallel_loop3A_174 = arith.constant 200 : i32
    %parallel_loop3A_175 = arith.constant 1 : i32
    scf.for %parallel_loop3A_366 = %parallel_loop3A_173 to %parallel_loop3A_174 step %parallel_loop3A_175  : i32 {
      %parallel_loop3A_367 = vector.broadcast %parallel_loop3A_366 : i32 to vector<16xi32>
      %parallel_loop3A_368 = arith.addi %add3A_169, %parallel_loop3A_367 : vector<16xi32>
      %parallel_loop3A_369 = tpu.vector_load_idx %arg5[%parallel_loop3A_368] : memref<12800xi32, #tpu.memory_space<vmem>>[vector<16xi32>], vector<16xi32>,
      %parallel_loop3A_370 = arith.addi %add3A_172, %parallel_loop3A_369 : vector<16xi32>
      tpu.vector_store_idx %arg6[%parallel_loop3A_370], %broadcast_in_dim3A_9 {add = true} : memref<32768xf32, #tpu.memory_space<vmem>>[vector<16xi32>], vector<16xf32>,
    } {sc.loop_unroll_factor = 8 : i64, sc.parallel_access}
    %add3A_176 = arith.constant 6400 : i32
    %add3A_177 = vector.broadcast %add3A_176 : i32 to vector<16xi32>
    %add3A_178 = arith.addi %mul3A_5, %add3A_177 : vector<16xi32>
    %add3A_179 = arith.constant 14336 : i32
    %add3A_180 = vector.broadcast %add3A_179 : i32 to vector<16xi32>
    %add3A_181 = arith.addi %mul3A_8, %add3A_180 : vector<16xi32>
    %parallel_loop3A_182 = arith.constant 0 : i32
    %parallel_loop3A_183 = arith.constant 200 : i32
    %parallel_loop3A_184 = arith.constant 1 : i32
    scf.for %parallel_loop3A_366 = %parallel_loop3A_182 to %parallel_loop3A_183 step %parallel_loop3A_184  : i32 {
      %parallel_loop3A_367 = vector.broadcast %parallel_loop3A_366 : i32 to vector<16xi32>
      %parallel_loop3A_368 = arith.addi %add3A_178, %parallel_loop3A_367 : vector<16xi32>
      %parallel_loop3A_369 = tpu.vector_load_idx %arg5[%parallel_loop3A_368] : memref<12800xi32, #tpu.memory_space<vmem>>[vector<16xi32>], vector<16xi32>,
      %parallel_loop3A_370 = arith.addi %add3A_181, %parallel_loop3A_369 : vector<16xi32>
      tpu.vector_store_idx %arg6[%parallel_loop3A_370], %broadcast_in_dim3A_9 {add = true} : memref<32768xf32, #tpu.memory_space<vmem>>[vector<16xi32>], vector<16xf32>,
    } {sc.loop_unroll_factor = 8 : i64, sc.parallel_access}
    %add3A_185 = arith.constant 9600 : i32
    %add3A_186 = vector.broadcast %add3A_185 : i32 to vector<16xi32>
    %add3A_187 = arith.addi %mul3A_5, %add3A_186 : vector<16xi32>
    %add3A_188 = arith.constant 15360 : i32
    %add3A_189 = vector.broadcast %add3A_188 : i32 to vector<16xi32>
    %add3A_190 = arith.addi %mul3A_8, %add3A_189 : vector<16xi32>
    %parallel_loop3A_191 = arith.constant 0 : i32
    %parallel_loop3A_192 = arith.constant 200 : i32
    %parallel_loop3A_193 = arith.constant 1 : i32
    scf.for %parallel_loop3A_366 = %parallel_loop3A_191 to %parallel_loop3A_192 step %parallel_loop3A_193  : i32 {
      %parallel_loop3A_367 = vector.broadcast %parallel_loop3A_366 : i32 to vector<16xi32>
      %parallel_loop3A_368 = arith.addi %add3A_187, %parallel_loop3A_367 : vector<16xi32>
      %parallel_loop3A_369 = tpu.vector_load_idx %arg5[%parallel_loop3A_368] : memref<12800xi32, #tpu.memory_space<vmem>>[vector<16xi32>], vector<16xi32>,
      %parallel_loop3A_370 = arith.addi %add3A_190, %parallel_loop3A_369 : vector<16xi32>
      tpu.vector_store_idx %arg6[%parallel_loop3A_370], %broadcast_in_dim3A_9 {add = true} : memref<32768xf32, #tpu.memory_space<vmem>>[vector<16xi32>], vector<16xf32>,
    } {sc.loop_unroll_factor = 8 : i64, sc.parallel_access}
    %dma_wait3A_194 = tpu.memref_slice %arg2[%mul3A_155] : memref<3276800xi32, #tpu.memory_space<hbm>> -> memref<12800xi32, #tpu.memory_space<hbm>>
    %dma_wait3A_195 = tpu.memref_slice %arg2[%mul3A_155] : memref<3276800xi32, #tpu.memory_space<hbm>> -> memref<12800xi32, #tpu.memory_space<hbm>>
    tpu.wait_dma2 semaphore(%arg7 : memref<!tpu.dma_semaphore, #tpu.memory_space<semaphore_mem>>) src(%dma_wait3A_195 : memref<12800xi32, #tpu.memory_space<hbm>>) dst(%arg4 : memref<12800xi32, #tpu.memory_space<vmem>>)
    %add3A_196 = arith.constant 320 : i32
    %add3A_197 = arith.addi %mul3A_2, %add3A_196 : i32
    %mul3A_198 = arith.constant 200 : i32
    %mul3A_199 = arith.muli %add3A_197, %mul3A_198 : i32
    %dma_start3A_200 = tpu.memref_slice %arg2[%mul3A_199] : memref<3276800xi32, #tpu.memory_space<hbm>> -> memref<12800xi32, #tpu.memory_space<hbm>>
    %dma_start3A_201 = tpu.memref_slice %arg2[%mul3A_199] : memref<3276800xi32, #tpu.memory_space<hbm>> -> memref<12800xi32, #tpu.memory_space<hbm>>
    tpu.enqueue_dma source(%dma_start3A_201 : memref<12800xi32, #tpu.memory_space<hbm>>) target(%arg5 : memref<12800xi32, #tpu.memory_space<vmem>>) target_semaphore(%arg8 : memref<!tpu.dma_semaphore, #tpu.memory_space<semaphore_mem>>)
    %add3A_202 = arith.constant 0 : i32
    %add3A_203 = vector.broadcast %add3A_202 : i32 to vector<16xi32>
    %add3A_204 = arith.addi %mul3A_5, %add3A_203 : vector<16xi32>
    %add3A_205 = arith.constant 16384 : i32
    %add3A_206 = vector.broadcast %add3A_205 : i32 to vector<16xi32>
    %add3A_207 = arith.addi %mul3A_8, %add3A_206 : vector<16xi32>
    %parallel_loop3A_208 = arith.constant 0 : i32
    %parallel_loop3A_209 = arith.constant 200 : i32
    %parallel_loop3A_210 = arith.constant 1 : i32
    scf.for %parallel_loop3A_366 = %parallel_loop3A_208 to %parallel_loop3A_209 step %parallel_loop3A_210  : i32 {
      %parallel_loop3A_367 = vector.broadcast %parallel_loop3A_366 : i32 to vector<16xi32>
      %parallel_loop3A_368 = arith.addi %add3A_204, %parallel_loop3A_367 : vector<16xi32>
      %parallel_loop3A_369 = tpu.vector_load_idx %arg4[%parallel_loop3A_368] : memref<12800xi32, #tpu.memory_space<vmem>>[vector<16xi32>], vector<16xi32>,
      %parallel_loop3A_370 = arith.addi %add3A_207, %parallel_loop3A_369 : vector<16xi32>
      tpu.vector_store_idx %arg6[%parallel_loop3A_370], %broadcast_in_dim3A_9 {add = true} : memref<32768xf32, #tpu.memory_space<vmem>>[vector<16xi32>], vector<16xf32>,
    } {sc.loop_unroll_factor = 8 : i64, sc.parallel_access}
    %add3A_211 = arith.constant 3200 : i32
    %add3A_212 = vector.broadcast %add3A_211 : i32 to vector<16xi32>
    %add3A_213 = arith.addi %mul3A_5, %add3A_212 : vector<16xi32>
    %add3A_214 = arith.constant 17408 : i32
    %add3A_215 = vector.broadcast %add3A_214 : i32 to vector<16xi32>
    %add3A_216 = arith.addi %mul3A_8, %add3A_215 : vector<16xi32>
    %parallel_loop3A_217 = arith.constant 0 : i32
    %parallel_loop3A_218 = arith.constant 200 : i32
    %parallel_loop3A_219 = arith.constant 1 : i32
    scf.for %parallel_loop3A_366 = %parallel_loop3A_217 to %parallel_loop3A_218 step %parallel_loop3A_219  : i32 {
      %parallel_loop3A_367 = vector.broadcast %parallel_loop3A_366 : i32 to vector<16xi32>
      %parallel_loop3A_368 = arith.addi %add3A_213, %parallel_loop3A_367 : vector<16xi32>
      %parallel_loop3A_369 = tpu.vector_load_idx %arg4[%parallel_loop3A_368] : memref<12800xi32, #tpu.memory_space<vmem>>[vector<16xi32>], vector<16xi32>,
      %parallel_loop3A_370 = arith.addi %add3A_216, %parallel_loop3A_369 : vector<16xi32>
      tpu.vector_store_idx %arg6[%parallel_loop3A_370], %broadcast_in_dim3A_9 {add = true} : memref<32768xf32, #tpu.memory_space<vmem>>[vector<16xi32>], vector<16xf32>,
    } {sc.loop_unroll_factor = 8 : i64, sc.parallel_access}
    %add3A_220 = arith.constant 6400 : i32
    %add3A_221 = vector.broadcast %add3A_220 : i32 to vector<16xi32>
    %add3A_222 = arith.addi %mul3A_5, %add3A_221 : vector<16xi32>
    %add3A_223 = arith.constant 18432 : i32
    %add3A_224 = vector.broadcast %add3A_223 : i32 to vector<16xi32>
    %add3A_225 = arith.addi %mul3A_8, %add3A_224 : vector<16xi32>
    %parallel_loop3A_226 = arith.constant 0 : i32
    %parallel_loop3A_227 = arith.constant 200 : i32
    %parallel_loop3A_228 = arith.constant 1 : i32
    scf.for %parallel_loop3A_366 = %parallel_loop3A_226 to %parallel_loop3A_227 step %parallel_loop3A_228  : i32 {
      %parallel_loop3A_367 = vector.broadcast %parallel_loop3A_366 : i32 to vector<16xi32>
      %parallel_loop3A_368 = arith.addi %add3A_222, %parallel_loop3A_367 : vector<16xi32>
      %parallel_loop3A_369 = tpu.vector_load_idx %arg4[%parallel_loop3A_368] : memref<12800xi32, #tpu.memory_space<vmem>>[vector<16xi32>], vector<16xi32>,
      %parallel_loop3A_370 = arith.addi %add3A_225, %parallel_loop3A_369 : vector<16xi32>
      tpu.vector_store_idx %arg6[%parallel_loop3A_370], %broadcast_in_dim3A_9 {add = true} : memref<32768xf32, #tpu.memory_space<vmem>>[vector<16xi32>], vector<16xf32>,
    } {sc.loop_unroll_factor = 8 : i64, sc.parallel_access}
    %add3A_229 = arith.constant 9600 : i32
    %add3A_230 = vector.broadcast %add3A_229 : i32 to vector<16xi32>
    %add3A_231 = arith.addi %mul3A_5, %add3A_230 : vector<16xi32>
    %add3A_232 = arith.constant 19456 : i32
    %add3A_233 = vector.broadcast %add3A_232 : i32 to vector<16xi32>
    %add3A_234 = arith.addi %mul3A_8, %add3A_233 : vector<16xi32>
    %parallel_loop3A_235 = arith.constant 0 : i32
    %parallel_loop3A_236 = arith.constant 200 : i32
    %parallel_loop3A_237 = arith.constant 1 : i32
    scf.for %parallel_loop3A_366 = %parallel_loop3A_235 to %parallel_loop3A_236 step %parallel_loop3A_237  : i32 {
      %parallel_loop3A_367 = vector.broadcast %parallel_loop3A_366 : i32 to vector<16xi32>
      %parallel_loop3A_368 = arith.addi %add3A_231, %parallel_loop3A_367 : vector<16xi32>
      %parallel_loop3A_369 = tpu.vector_load_idx %arg4[%parallel_loop3A_368] : memref<12800xi32, #tpu.memory_space<vmem>>[vector<16xi32>], vector<16xi32>,
      %parallel_loop3A_370 = arith.addi %add3A_234, %parallel_loop3A_369 : vector<16xi32>
      tpu.vector_store_idx %arg6[%parallel_loop3A_370], %broadcast_in_dim3A_9 {add = true} : memref<32768xf32, #tpu.memory_space<vmem>>[vector<16xi32>], vector<16xf32>,
    } {sc.loop_unroll_factor = 8 : i64, sc.parallel_access}
    %dma_wait3A_238 = tpu.memref_slice %arg2[%mul3A_199] : memref<3276800xi32, #tpu.memory_space<hbm>> -> memref<12800xi32, #tpu.memory_space<hbm>>
    %dma_wait3A_239 = tpu.memref_slice %arg2[%mul3A_199] : memref<3276800xi32, #tpu.memory_space<hbm>> -> memref<12800xi32, #tpu.memory_space<hbm>>
    tpu.wait_dma2 semaphore(%arg8 : memref<!tpu.dma_semaphore, #tpu.memory_space<semaphore_mem>>) src(%dma_wait3A_239 : memref<12800xi32, #tpu.memory_space<hbm>>) dst(%arg5 : memref<12800xi32, #tpu.memory_space<vmem>>)
    %add3A_240 = arith.constant 384 : i32
    %add3A_241 = arith.addi %mul3A_2, %add3A_240 : i32
    %mul3A_242 = arith.constant 200 : i32
    %mul3A_243 = arith.muli %add3A_241, %mul3A_242 : i32
    %dma_start3A_244 = tpu.memref_slice %arg2[%mul3A_243] : memref<3276800xi32, #tpu.memory_space<hbm>> -> memref<12800xi32, #tpu.memory_space<hbm>>
    %dma_start3A_245 = tpu.memref_slice %arg2[%mul3A_243] : memref<3276800xi32, #tpu.memory_space<hbm>> -> memref<12800xi32, #tpu.memory_space<hbm>>
    tpu.enqueue_dma source(%dma_start3A_245 : memref<12800xi32, #tpu.memory_space<hbm>>) target(%arg4 : memref<12800xi32, #tpu.memory_space<vmem>>) target_semaphore(%arg7 : memref<!tpu.dma_semaphore, #tpu.memory_space<semaphore_mem>>)
    %add3A_246 = arith.constant 0 : i32
    %add3A_247 = vector.broadcast %add3A_246 : i32 to vector<16xi32>
    %add3A_248 = arith.addi %mul3A_5, %add3A_247 : vector<16xi32>
    %add3A_249 = arith.constant 20480 : i32
    %add3A_250 = vector.broadcast %add3A_249 : i32 to vector<16xi32>
    %add3A_251 = arith.addi %mul3A_8, %add3A_250 : vector<16xi32>
    %parallel_loop3A_252 = arith.constant 0 : i32
    %parallel_loop3A_253 = arith.constant 200 : i32
    %parallel_loop3A_254 = arith.constant 1 : i32
    scf.for %parallel_loop3A_366 = %parallel_loop3A_252 to %parallel_loop3A_253 step %parallel_loop3A_254  : i32 {
      %parallel_loop3A_367 = vector.broadcast %parallel_loop3A_366 : i32 to vector<16xi32>
      %parallel_loop3A_368 = arith.addi %add3A_248, %parallel_loop3A_367 : vector<16xi32>
      %parallel_loop3A_369 = tpu.vector_load_idx %arg5[%parallel_loop3A_368] : memref<12800xi32, #tpu.memory_space<vmem>>[vector<16xi32>], vector<16xi32>,
      %parallel_loop3A_370 = arith.addi %add3A_251, %parallel_loop3A_369 : vector<16xi32>
      tpu.vector_store_idx %arg6[%parallel_loop3A_370], %broadcast_in_dim3A_9 {add = true} : memref<32768xf32, #tpu.memory_space<vmem>>[vector<16xi32>], vector<16xf32>,
    } {sc.loop_unroll_factor = 8 : i64, sc.parallel_access}
    %add3A_255 = arith.constant 3200 : i32
    %add3A_256 = vector.broadcast %add3A_255 : i32 to vector<16xi32>
    %add3A_257 = arith.addi %mul3A_5, %add3A_256 : vector<16xi32>
    %add3A_258 = arith.constant 21504 : i32
    %add3A_259 = vector.broadcast %add3A_258 : i32 to vector<16xi32>
    %add3A_260 = arith.addi %mul3A_8, %add3A_259 : vector<16xi32>
    %parallel_loop3A_261 = arith.constant 0 : i32
    %parallel_loop3A_262 = arith.constant 200 : i32
    %parallel_loop3A_263 = arith.constant 1 : i32
    scf.for %parallel_loop3A_366 = %parallel_loop3A_261 to %parallel_loop3A_262 step %parallel_loop3A_263  : i32 {
      %parallel_loop3A_367 = vector.broadcast %parallel_loop3A_366 : i32 to vector<16xi32>
      %parallel_loop3A_368 = arith.addi %add3A_257, %parallel_loop3A_367 : vector<16xi32>
      %parallel_loop3A_369 = tpu.vector_load_idx %arg5[%parallel_loop3A_368] : memref<12800xi32, #tpu.memory_space<vmem>>[vector<16xi32>], vector<16xi32>,
      %parallel_loop3A_370 = arith.addi %add3A_260, %parallel_loop3A_369 : vector<16xi32>
      tpu.vector_store_idx %arg6[%parallel_loop3A_370], %broadcast_in_dim3A_9 {add = true} : memref<32768xf32, #tpu.memory_space<vmem>>[vector<16xi32>], vector<16xf32>,
    } {sc.loop_unroll_factor = 8 : i64, sc.parallel_access}
    %add3A_264 = arith.constant 6400 : i32
    %add3A_265 = vector.broadcast %add3A_264 : i32 to vector<16xi32>
    %add3A_266 = arith.addi %mul3A_5, %add3A_265 : vector<16xi32>
    %add3A_267 = arith.constant 22528 : i32
    %add3A_268 = vector.broadcast %add3A_267 : i32 to vector<16xi32>
    %add3A_269 = arith.addi %mul3A_8, %add3A_268 : vector<16xi32>
    %parallel_loop3A_270 = arith.constant 0 : i32
    %parallel_loop3A_271 = arith.constant 200 : i32
    %parallel_loop3A_272 = arith.constant 1 : i32
    scf.for %parallel_loop3A_366 = %parallel_loop3A_270 to %parallel_loop3A_271 step %parallel_loop3A_272  : i32 {
      %parallel_loop3A_367 = vector.broadcast %parallel_loop3A_366 : i32 to vector<16xi32>
      %parallel_loop3A_368 = arith.addi %add3A_266, %parallel_loop3A_367 : vector<16xi32>
      %parallel_loop3A_369 = tpu.vector_load_idx %arg5[%parallel_loop3A_368] : memref<12800xi32, #tpu.memory_space<vmem>>[vector<16xi32>], vector<16xi32>,
      %parallel_loop3A_370 = arith.addi %add3A_269, %parallel_loop3A_369 : vector<16xi32>
      tpu.vector_store_idx %arg6[%parallel_loop3A_370], %broadcast_in_dim3A_9 {add = true} : memref<32768xf32, #tpu.memory_space<vmem>>[vector<16xi32>], vector<16xf32>,
    } {sc.loop_unroll_factor = 8 : i64, sc.parallel_access}
    %add3A_273 = arith.constant 9600 : i32
    %add3A_274 = vector.broadcast %add3A_273 : i32 to vector<16xi32>
    %add3A_275 = arith.addi %mul3A_5, %add3A_274 : vector<16xi32>
    %add3A_276 = arith.constant 23552 : i32
    %add3A_277 = vector.broadcast %add3A_276 : i32 to vector<16xi32>
    %add3A_278 = arith.addi %mul3A_8, %add3A_277 : vector<16xi32>
    %parallel_loop3A_279 = arith.constant 0 : i32
    %parallel_loop3A_280 = arith.constant 200 : i32
    %parallel_loop3A_281 = arith.constant 1 : i32
    scf.for %parallel_loop3A_366 = %parallel_loop3A_279 to %parallel_loop3A_280 step %parallel_loop3A_281  : i32 {
      %parallel_loop3A_367 = vector.broadcast %parallel_loop3A_366 : i32 to vector<16xi32>
      %parallel_loop3A_368 = arith.addi %add3A_275, %parallel_loop3A_367 : vector<16xi32>
      %parallel_loop3A_369 = tpu.vector_load_idx %arg5[%parallel_loop3A_368] : memref<12800xi32, #tpu.memory_space<vmem>>[vector<16xi32>], vector<16xi32>,
      %parallel_loop3A_370 = arith.addi %add3A_278, %parallel_loop3A_369 : vector<16xi32>
      tpu.vector_store_idx %arg6[%parallel_loop3A_370], %broadcast_in_dim3A_9 {add = true} : memref<32768xf32, #tpu.memory_space<vmem>>[vector<16xi32>], vector<16xf32>,
    } {sc.loop_unroll_factor = 8 : i64, sc.parallel_access}
    %dma_wait3A_282 = tpu.memref_slice %arg2[%mul3A_243] : memref<3276800xi32, #tpu.memory_space<hbm>> -> memref<12800xi32, #tpu.memory_space<hbm>>
    %dma_wait3A_283 = tpu.memref_slice %arg2[%mul3A_243] : memref<3276800xi32, #tpu.memory_space<hbm>> -> memref<12800xi32, #tpu.memory_space<hbm>>
    tpu.wait_dma2 semaphore(%arg7 : memref<!tpu.dma_semaphore, #tpu.memory_space<semaphore_mem>>) src(%dma_wait3A_283 : memref<12800xi32, #tpu.memory_space<hbm>>) dst(%arg4 : memref<12800xi32, #tpu.memory_space<vmem>>)
    %add3A_284 = arith.constant 448 : i32
    %add3A_285 = arith.addi %mul3A_2, %add3A_284 : i32
    %mul3A_286 = arith.constant 200 : i32
    %mul3A_287 = arith.muli %add3A_285, %mul3A_286 : i32
    %dma_start3A_288 = tpu.memref_slice %arg2[%mul3A_287] : memref<3276800xi32, #tpu.memory_space<hbm>> -> memref<12800xi32, #tpu.memory_space<hbm>>
    %dma_start3A_289 = tpu.memref_slice %arg2[%mul3A_287] : memref<3276800xi32, #tpu.memory_space<hbm>> -> memref<12800xi32, #tpu.memory_space<hbm>>
    tpu.enqueue_dma source(%dma_start3A_289 : memref<12800xi32, #tpu.memory_space<hbm>>) target(%arg5 : memref<12800xi32, #tpu.memory_space<vmem>>) target_semaphore(%arg8 : memref<!tpu.dma_semaphore, #tpu.memory_space<semaphore_mem>>)
    %add3A_290 = arith.constant 0 : i32
    %add3A_291 = vector.broadcast %add3A_290 : i32 to vector<16xi32>
    %add3A_292 = arith.addi %mul3A_5, %add3A_291 : vector<16xi32>
    %add3A_293 = arith.constant 24576 : i32
    %add3A_294 = vector.broadcast %add3A_293 : i32 to vector<16xi32>
    %add3A_295 = arith.addi %mul3A_8, %add3A_294 : vector<16xi32>
    %parallel_loop3A_296 = arith.constant 0 : i32
    %parallel_loop3A_297 = arith.constant 200 : i32
    %parallel_loop3A_298 = arith.constant 1 : i32
    scf.for %parallel_loop3A_366 = %parallel_loop3A_296 to %parallel_loop3A_297 step %parallel_loop3A_298  : i32 {
      %parallel_loop3A_367 = vector.broadcast %parallel_loop3A_366 : i32 to vector<16xi32>
      %parallel_loop3A_368 = arith.addi %add3A_292, %parallel_loop3A_367 : vector<16xi32>
      %parallel_loop3A_369 = tpu.vector_load_idx %arg4[%parallel_loop3A_368] : memref<12800xi32, #tpu.memory_space<vmem>>[vector<16xi32>], vector<16xi32>,
      %parallel_loop3A_370 = arith.addi %add3A_295, %parallel_loop3A_369 : vector<16xi32>
      tpu.vector_store_idx %arg6[%parallel_loop3A_370], %broadcast_in_dim3A_9 {add = true} : memref<32768xf32, #tpu.memory_space<vmem>>[vector<16xi32>], vector<16xf32>,
    } {sc.loop_unroll_factor = 8 : i64, sc.parallel_access}
    %add3A_299 = arith.constant 3200 : i32
    %add3A_300 = vector.broadcast %add3A_299 : i32 to vector<16xi32>
    %add3A_301 = arith.addi %mul3A_5, %add3A_300 : vector<16xi32>
    %add3A_302 = arith.constant 25600 : i32
    %add3A_303 = vector.broadcast %add3A_302 : i32 to vector<16xi32>
    %add3A_304 = arith.addi %mul3A_8, %add3A_303 : vector<16xi32>
    %parallel_loop3A_305 = arith.constant 0 : i32
    %parallel_loop3A_306 = arith.constant 200 : i32
    %parallel_loop3A_307 = arith.constant 1 : i32
    scf.for %parallel_loop3A_366 = %parallel_loop3A_305 to %parallel_loop3A_306 step %parallel_loop3A_307  : i32 {
      %parallel_loop3A_367 = vector.broadcast %parallel_loop3A_366 : i32 to vector<16xi32>
      %parallel_loop3A_368 = arith.addi %add3A_301, %parallel_loop3A_367 : vector<16xi32>
      %parallel_loop3A_369 = tpu.vector_load_idx %arg4[%parallel_loop3A_368] : memref<12800xi32, #tpu.memory_space<vmem>>[vector<16xi32>], vector<16xi32>,
      %parallel_loop3A_370 = arith.addi %add3A_304, %parallel_loop3A_369 : vector<16xi32>
      tpu.vector_store_idx %arg6[%parallel_loop3A_370], %broadcast_in_dim3A_9 {add = true} : memref<32768xf32, #tpu.memory_space<vmem>>[vector<16xi32>], vector<16xf32>,
    } {sc.loop_unroll_factor = 8 : i64, sc.parallel_access}
    %add3A_308 = arith.constant 6400 : i32
    %add3A_309 = vector.broadcast %add3A_308 : i32 to vector<16xi32>
    %add3A_310 = arith.addi %mul3A_5, %add3A_309 : vector<16xi32>
    %add3A_311 = arith.constant 26624 : i32
    %add3A_312 = vector.broadcast %add3A_311 : i32 to vector<16xi32>
    %add3A_313 = arith.addi %mul3A_8, %add3A_312 : vector<16xi32>
    %parallel_loop3A_314 = arith.constant 0 : i32
    %parallel_loop3A_315 = arith.constant 200 : i32
    %parallel_loop3A_316 = arith.constant 1 : i32
    scf.for %parallel_loop3A_366 = %parallel_loop3A_314 to %parallel_loop3A_315 step %parallel_loop3A_316  : i32 {
      %parallel_loop3A_367 = vector.broadcast %parallel_loop3A_366 : i32 to vector<16xi32>
      %parallel_loop3A_368 = arith.addi %add3A_310, %parallel_loop3A_367 : vector<16xi32>
      %parallel_loop3A_369 = tpu.vector_load_idx %arg4[%parallel_loop3A_368] : memref<12800xi32, #tpu.memory_space<vmem>>[vector<16xi32>], vector<16xi32>,
      %parallel_loop3A_370 = arith.addi %add3A_313, %parallel_loop3A_369 : vector<16xi32>
      tpu.vector_store_idx %arg6[%parallel_loop3A_370], %broadcast_in_dim3A_9 {add = true} : memref<32768xf32, #tpu.memory_space<vmem>>[vector<16xi32>], vector<16xf32>,
    } {sc.loop_unroll_factor = 8 : i64, sc.parallel_access}
    %add3A_317 = arith.constant 9600 : i32
    %add3A_318 = vector.broadcast %add3A_317 : i32 to vector<16xi32>
    %add3A_319 = arith.addi %mul3A_5, %add3A_318 : vector<16xi32>
    %add3A_320 = arith.constant 27648 : i32
    %add3A_321 = vector.broadcast %add3A_320 : i32 to vector<16xi32>
    %add3A_322 = arith.addi %mul3A_8, %add3A_321 : vector<16xi32>
    %parallel_loop3A_323 = arith.constant 0 : i32
    %parallel_loop3A_324 = arith.constant 200 : i32
    %parallel_loop3A_325 = arith.constant 1 : i32
    scf.for %parallel_loop3A_366 = %parallel_loop3A_323 to %parallel_loop3A_324 step %parallel_loop3A_325  : i32 {
      %parallel_loop3A_367 = vector.broadcast %parallel_loop3A_366 : i32 to vector<16xi32>
      %parallel_loop3A_368 = arith.addi %add3A_319, %parallel_loop3A_367 : vector<16xi32>
      %parallel_loop3A_369 = tpu.vector_load_idx %arg4[%parallel_loop3A_368] : memref<12800xi32, #tpu.memory_space<vmem>>[vector<16xi32>], vector<16xi32>,
      %parallel_loop3A_370 = arith.addi %add3A_322, %parallel_loop3A_369 : vector<16xi32>
      tpu.vector_store_idx %arg6[%parallel_loop3A_370], %broadcast_in_dim3A_9 {add = true} : memref<32768xf32, #tpu.memory_space<vmem>>[vector<16xi32>], vector<16xf32>,
    } {sc.loop_unroll_factor = 8 : i64, sc.parallel_access}
    %dma_wait3A_326 = tpu.memref_slice %arg2[%mul3A_287] : memref<3276800xi32, #tpu.memory_space<hbm>> -> memref<12800xi32, #tpu.memory_space<hbm>>
    %dma_wait3A_327 = tpu.memref_slice %arg2[%mul3A_287] : memref<3276800xi32, #tpu.memory_space<hbm>> -> memref<12800xi32, #tpu.memory_space<hbm>>
    tpu.wait_dma2 semaphore(%arg8 : memref<!tpu.dma_semaphore, #tpu.memory_space<semaphore_mem>>) src(%dma_wait3A_327 : memref<12800xi32, #tpu.memory_space<hbm>>) dst(%arg5 : memref<12800xi32, #tpu.memory_space<vmem>>)
    %add3A_328 = arith.constant 0 : i32
    %add3A_329 = vector.broadcast %add3A_328 : i32 to vector<16xi32>
    %add3A_330 = arith.addi %mul3A_5, %add3A_329 : vector<16xi32>
    %add3A_331 = arith.constant 28672 : i32
    %add3A_332 = vector.broadcast %add3A_331 : i32 to vector<16xi32>
    %add3A_333 = arith.addi %mul3A_8, %add3A_332 : vector<16xi32>
    %parallel_loop3A_334 = arith.constant 0 : i32
    %parallel_loop3A_335 = arith.constant 200 : i32
    %parallel_loop3A_336 = arith.constant 1 : i32
    scf.for %parallel_loop3A_366 = %parallel_loop3A_334 to %parallel_loop3A_335 step %parallel_loop3A_336  : i32 {
      %parallel_loop3A_367 = vector.broadcast %parallel_loop3A_366 : i32 to vector<16xi32>
      %parallel_loop3A_368 = arith.addi %add3A_330, %parallel_loop3A_367 : vector<16xi32>
      %parallel_loop3A_369 = tpu.vector_load_idx %arg5[%parallel_loop3A_368] : memref<12800xi32, #tpu.memory_space<vmem>>[vector<16xi32>], vector<16xi32>,
      %parallel_loop3A_370 = arith.addi %add3A_333, %parallel_loop3A_369 : vector<16xi32>
      tpu.vector_store_idx %arg6[%parallel_loop3A_370], %broadcast_in_dim3A_9 {add = true} : memref<32768xf32, #tpu.memory_space<vmem>>[vector<16xi32>], vector<16xf32>,
    } {sc.loop_unroll_factor = 8 : i64, sc.parallel_access}
    %add3A_337 = arith.constant 3200 : i32
    %add3A_338 = vector.broadcast %add3A_337 : i32 to vector<16xi32>
    %add3A_339 = arith.addi %mul3A_5, %add3A_338 : vector<16xi32>
    %add3A_340 = arith.constant 29696 : i32
    %add3A_341 = vector.broadcast %add3A_340 : i32 to vector<16xi32>
    %add3A_342 = arith.addi %mul3A_8, %add3A_341 : vector<16xi32>
    %parallel_loop3A_343 = arith.constant 0 : i32
    %parallel_loop3A_344 = arith.constant 200 : i32
    %parallel_loop3A_345 = arith.constant 1 : i32
    scf.for %parallel_loop3A_366 = %parallel_loop3A_343 to %parallel_loop3A_344 step %parallel_loop3A_345  : i32 {
      %parallel_loop3A_367 = vector.broadcast %parallel_loop3A_366 : i32 to vector<16xi32>
      %parallel_loop3A_368 = arith.addi %add3A_339, %parallel_loop3A_367 : vector<16xi32>
      %parallel_loop3A_369 = tpu.vector_load_idx %arg5[%parallel_loop3A_368] : memref<12800xi32, #tpu.memory_space<vmem>>[vector<16xi32>], vector<16xi32>,
      %parallel_loop3A_370 = arith.addi %add3A_342, %parallel_loop3A_369 : vector<16xi32>
      tpu.vector_store_idx %arg6[%parallel_loop3A_370], %broadcast_in_dim3A_9 {add = true} : memref<32768xf32, #tpu.memory_space<vmem>>[vector<16xi32>], vector<16xf32>,
    } {sc.loop_unroll_factor = 8 : i64, sc.parallel_access}
    %add3A_346 = arith.constant 6400 : i32
    %add3A_347 = vector.broadcast %add3A_346 : i32 to vector<16xi32>
    %add3A_348 = arith.addi %mul3A_5, %add3A_347 : vector<16xi32>
    %add3A_349 = arith.constant 30720 : i32
    %add3A_350 = vector.broadcast %add3A_349 : i32 to vector<16xi32>
    %add3A_351 = arith.addi %mul3A_8, %add3A_350 : vector<16xi32>
    %parallel_loop3A_352 = arith.constant 0 : i32
    %parallel_loop3A_353 = arith.constant 200 : i32
    %parallel_loop3A_354 = arith.constant 1 : i32
    scf.for %parallel_loop3A_366 = %parallel_loop3A_352 to %parallel_loop3A_353 step %parallel_loop3A_354  : i32 {
      %parallel_loop3A_367 = vector.broadcast %parallel_loop3A_366 : i32 to vector<16xi32>
      %parallel_loop3A_368 = arith.addi %add3A_348, %parallel_loop3A_367 : vector<16xi32>
      %parallel_loop3A_369 = tpu.vector_load_idx %arg5[%parallel_loop3A_368] : memref<12800xi32, #tpu.memory_space<vmem>>[vector<16xi32>], vector<16xi32>,
      %parallel_loop3A_370 = arith.addi %add3A_351, %parallel_loop3A_369 : vector<16xi32>
      tpu.vector_store_idx %arg6[%parallel_loop3A_370], %broadcast_in_dim3A_9 {add = true} : memref<32768xf32, #tpu.memory_space<vmem>>[vector<16xi32>], vector<16xf32>,
    } {sc.loop_unroll_factor = 8 : i64, sc.parallel_access}
    %add3A_355 = arith.constant 9600 : i32
    %add3A_356 = vector.broadcast %add3A_355 : i32 to vector<16xi32>
    %add3A_357 = arith.addi %mul3A_5, %add3A_356 : vector<16xi32>
    %add3A_358 = arith.constant 31744 : i32
    %add3A_359 = vector.broadcast %add3A_358 : i32 to vector<16xi32>
    %add3A_360 = arith.addi %mul3A_8, %add3A_359 : vector<16xi32>
    %parallel_loop3A_361 = arith.constant 0 : i32
    %parallel_loop3A_362 = arith.constant 200 : i32
    %parallel_loop3A_363 = arith.constant 1 : i32
    scf.for %parallel_loop3A_366 = %parallel_loop3A_361 to %parallel_loop3A_362 step %parallel_loop3A_363  : i32 {
      %parallel_loop3A_367 = vector.broadcast %parallel_loop3A_366 : i32 to vector<16xi32>
      %parallel_loop3A_368 = arith.addi %add3A_357, %parallel_loop3A_367 : vector<16xi32>
      %parallel_loop3A_369 = tpu.vector_load_idx %arg5[%parallel_loop3A_368] : memref<12800xi32, #tpu.memory_space<vmem>>[vector<16xi32>], vector<16xi32>,
      %parallel_loop3A_370 = arith.addi %add3A_360, %parallel_loop3A_369 : vector<16xi32>
      tpu.vector_store_idx %arg6[%parallel_loop3A_370], %broadcast_in_dim3A_9 {add = true} : memref<32768xf32, #tpu.memory_space<vmem>>[vector<16xi32>], vector<16xf32>,
    } {sc.loop_unroll_factor = 8 : i64, sc.parallel_access}
    %mul3A_364 = arith.constant 64 : i32
    %mul3A_365 = arith.muli %mul3A_2, %mul3A_364 : i32
    "tpu.region"() ({
      %run_scoped3A = tpu.sem_alloc : memref<!tpu.dma_semaphore, #tpu.memory_space<semaphore_mem>>
      %dma_start3A_366 = tpu.memref_slice %arg3[%mul3A_365] : memref<1048576xf32, #tpu.memory_space<hbm>> -> memref<32768xf32, #tpu.memory_space<hbm>>
      %dma_start3A_367 = tpu.memref_slice %arg3[%mul3A_365] : memref<1048576xf32, #tpu.memory_space<hbm>> -> memref<32768xf32, #tpu.memory_space<hbm>>
      tpu.enqueue_dma source(%arg6 : memref<32768xf32, #tpu.memory_space<vmem>>) target(%dma_start3A_367 : memref<32768xf32, #tpu.memory_space<hbm>>) target_semaphore(%run_scoped3A : memref<!tpu.dma_semaphore, #tpu.memory_space<semaphore_mem>>)
      %dma_wait3A_368 = tpu.memref_slice %arg3[%mul3A_365] : memref<1048576xf32, #tpu.memory_space<hbm>> -> memref<32768xf32, #tpu.memory_space<hbm>>
      %dma_wait3A_369 = tpu.memref_slice %arg3[%mul3A_365] : memref<1048576xf32, #tpu.memory_space<hbm>> -> memref<32768xf32, #tpu.memory_space<hbm>>
      tpu.wait_dma2 semaphore(%run_scoped3A : memref<!tpu.dma_semaphore, #tpu.memory_space<semaphore_mem>>) src(%arg6 : memref<32768xf32, #tpu.memory_space<vmem>>) dst(%dma_wait3A_369 : memref<32768xf32, #tpu.memory_space<hbm>>)
      tpu.yield
    }) : () -> ()
    return
  }
}

module attributes {stable_mosaic.version = 14 : i64} {
  func.func @body(%arg0: i32, %arg1: memref<2048x64xf32, #tpu.memory_space<vmem>>, %arg2: memref<64x48xf32, #tpu.memory_space<vmem>>, %arg3: memref<48x128xf32, #tpu.memory_space<vmem>>, %arg4: memref<1x128xf32, #tpu.memory_space<vmem>>, %arg5: memref<128x64xf32, #tpu.memory_space<vmem>>, %arg6: memref<1x64xf32, #tpu.memory_space<vmem>>, %arg7: memref<2048x64xf32, #tpu.memory_space<vmem>>) attributes {dimension_semantics = [#tpu.dimension_semantics<arbitrary>], iteration_bounds = array<i64: 8>, scalar_prefetch = 0 : i64, scratch_operands = 0 : i64, tpu.core_type = #tpu.core_type<tc>, window_params = [{transform_indices = @transform_0, window_bounds = array<i64: 2048, 64>}, {pipeline_mode = #tpu.pipeline_mode<synchronous>, transform_indices = @transform_1, window_bounds = array<i64: 64, 48>}, {pipeline_mode = #tpu.pipeline_mode<synchronous>, transform_indices = @transform_2, window_bounds = array<i64: 48, 128>}, {pipeline_mode = #tpu.pipeline_mode<synchronous>, transform_indices = @transform_3, window_bounds = array<i64: 1, 128>}, {pipeline_mode = #tpu.pipeline_mode<synchronous>, transform_indices = @transform_4, window_bounds = array<i64: 128, 64>}, {pipeline_mode = #tpu.pipeline_mode<synchronous>, transform_indices = @transform_5, window_bounds = array<i64: 1, 64>}, {transform_indices = @transform_6, window_bounds = array<i64: 2048, 64>}]} {
    %get3A = arith.constant 0 : index
    %get3A_0 = arith.constant 0 : index
    %get3A_1 = vector.load %arg2[%get3A, %get3A_0] : memref<64x48xf32, #tpu.memory_space<vmem>>, vector<64x48xf32>
    %get3A_2 = arith.constant 0 : index
    %get3A_3 = arith.constant 0 : index
    %get3A_4 = vector.load %arg3[%get3A_2, %get3A_3] : memref<48x128xf32, #tpu.memory_space<vmem>>, vector<48x128xf32>
    %dot_general3A = arith.constant dense<0.000000e+00> : vector<64x128xf32>
    %dot_general3A_5 = tpu.matmul %get3A_1, %get3A_4, %dot_general3A {dimension_numbers = #tpu.dot_dimension_numbers<[1], [0], [0], [1], [0, 0, 1, 1], [], []>, transpose_lhs_hint = false} : vector<64x48xf32>, vector<48x128xf32>, vector<64x128xf32> -> vector<64x128xf32>
    %mul3A = arith.constant 5.000000e-03 : f32
    %mul3A_6 = vector.broadcast %mul3A : f32 to vector<64x128xf32>
    %mul3A_7 = arith.mulf %dot_general3A_5, %mul3A_6 : vector<64x128xf32>
    %get3A_8 = arith.constant 0 : index
    %get3A_9 = arith.constant 0 : index
    %get3A_10 = vector.load %arg1[%get3A_8, %get3A_9] : memref<2048x64xf32, #tpu.memory_space<vmem>>, vector<2048x64xf32>
    %convert_element_type3A = arith.truncf %get3A_10 : vector<2048x64xf32> to vector<2048x64xbf16>
    %convert_element_type3A_11 = arith.truncf %mul3A_7 : vector<64x128xf32> to vector<64x128xbf16>
    %dot_general3A_12 = arith.constant dense<0.000000e+00> : vector<2048x128xf32>
    %dot_general3A_13 = tpu.matmul %convert_element_type3A, %convert_element_type3A_11, %dot_general3A_12 {dimension_numbers = #tpu.dot_dimension_numbers<[1], [0], [0], [1], [0, 0, 1, 1], [], []>, transpose_lhs_hint = false} : vector<2048x64xbf16>, vector<64x128xbf16>, vector<2048x128xf32> -> vector<2048x128xf32>
    %get3A_14 = arith.constant 0 : index
    %get3A_15 = arith.constant 0 : index
    %get3A_16 = vector.load %arg4[%get3A_14, %get3A_15] : memref<1x128xf32, #tpu.memory_space<vmem>>, vector<1x128xf32>
    %add3A = vector.broadcast %get3A_16 : vector<1x128xf32> to vector<2048x128xf32>
    %add3A_17 = arith.addf %dot_general3A_13, %add3A : vector<2048x128xf32>
    %max3A = arith.constant 0.000000e+00 : f32
    %max3A_18 = vector.broadcast %max3A : f32 to vector<2048x128xf32>
    %max3A_19 = arith.maximumf %add3A_17, %max3A_18 : vector<2048x128xf32>
    %convert_element_type3A_20 = arith.truncf %max3A_19 : vector<2048x128xf32> to vector<2048x128xbf16>
    %get3A_21 = arith.constant 0 : index
    %get3A_22 = arith.constant 0 : index
    %get3A_23 = vector.load %arg5[%get3A_21, %get3A_22] : memref<128x64xf32, #tpu.memory_space<vmem>>, vector<128x64xf32>
    %convert_element_type3A_24 = arith.truncf %get3A_23 : vector<128x64xf32> to vector<128x64xbf16>
    %dot_general3A_25 = arith.constant dense<0.000000e+00> : vector<2048x64xf32>
    %dot_general3A_26 = tpu.matmul %convert_element_type3A_20, %convert_element_type3A_24, %dot_general3A_25 {dimension_numbers = #tpu.dot_dimension_numbers<[1], [0], [0], [1], [0, 0, 1, 1], [], []>, transpose_lhs_hint = false} : vector<2048x128xbf16>, vector<128x64xbf16>, vector<2048x64xf32> -> vector<2048x64xf32>
    %get3A_27 = arith.constant 0 : index
    %get3A_28 = arith.constant 0 : index
    %get3A_29 = vector.load %arg6[%get3A_27, %get3A_28] : memref<1x64xf32, #tpu.memory_space<vmem>>, vector<1x64xf32>
    %add3A_30 = vector.broadcast %get3A_29 : vector<1x64xf32> to vector<2048x64xf32>
    %add3A_31 = arith.addf %dot_general3A_26, %add3A_30 : vector<2048x64xf32>
    %mul3A_32 = arith.mulf %add3A_31, %add3A_31 : vector<2048x64xf32>
    %reduce_sum3A = arith.constant dense<0.000000e+00> : vector<2048xf32>
    %reduce_sum3A_33 = vector.multi_reduction <add>, %mul3A_32, %reduce_sum3A [1] : vector<2048x64xf32> to vector<2048xf32>
    %broadcast_in_dim3A = vector.shape_cast %reduce_sum3A_33 : vector<2048xf32> to vector<2048x1xf32>
    %sqrt3A = math.sqrt %broadcast_in_dim3A : vector<2048x1xf32>
    %max3A_34 = arith.constant 9.99999996E-13 : f32
    %max3A_35 = vector.broadcast %max3A_34 : f32 to vector<2048x1xf32>
    %max3A_36 = arith.maximumf %sqrt3A, %max3A_35 : vector<2048x1xf32>
    %div3A = vector.broadcast %max3A_36 : vector<2048x1xf32> to vector<2048x64xf32>
    %div3A_37 = arith.divf %add3A_31, %div3A : vector<2048x64xf32>
    %swap3A = arith.constant 0 : index
    %swap3A_38 = arith.constant 0 : index
    %swap3A_39 = vector.load %arg7[%swap3A, %swap3A_38] : memref<2048x64xf32, #tpu.memory_space<vmem>>, vector<2048x64xf32>
    tpu.vector_store %arg7[%swap3A, %swap3A_38], %div3A_37 {strides = array<i32>} : memref<2048x64xf32, #tpu.memory_space<vmem>>, vector<2048x64xf32>,
    return
  }
  func.func @transform_0(%arg0: i32) -> (i32, i32) {
    %c0_i32 = arith.constant 0 : i32
    %c0_i32_0 = arith.constant 0 : i32
    return %arg0, %c0_i32 : i32, i32
  }
  func.func @transform_1(%arg0: i32) -> (i32, i32) {
    %c0_i32 = arith.constant 0 : i32
    %c0_i32_0 = arith.constant 0 : i32
    %c0_i32_1 = arith.constant 0 : i32
    return %c0_i32, %c0_i32_0 : i32, i32
  }
  func.func @transform_2(%arg0: i32) -> (i32, i32) {
    %c0_i32 = arith.constant 0 : i32
    %c0_i32_0 = arith.constant 0 : i32
    %c0_i32_1 = arith.constant 0 : i32
    return %c0_i32, %c0_i32_0 : i32, i32
  }
  func.func @transform_3(%arg0: i32) -> (i32, i32) {
    %c0_i32 = arith.constant 0 : i32
    %c0_i32_0 = arith.constant 0 : i32
    %c0_i32_1 = arith.constant 0 : i32
    return %c0_i32, %c0_i32_0 : i32, i32
  }
  func.func @transform_4(%arg0: i32) -> (i32, i32) {
    %c0_i32 = arith.constant 0 : i32
    %c0_i32_0 = arith.constant 0 : i32
    %c0_i32_1 = arith.constant 0 : i32
    return %c0_i32, %c0_i32_0 : i32, i32
  }
  func.func @transform_5(%arg0: i32) -> (i32, i32) {
    %c0_i32 = arith.constant 0 : i32
    %c0_i32_0 = arith.constant 0 : i32
    %c0_i32_1 = arith.constant 0 : i32
    return %c0_i32, %c0_i32_0 : i32, i32
  }
  func.func @transform_6(%arg0: i32) -> (i32, i32) {
    %c0_i32 = arith.constant 0 : i32
    %c0_i32_0 = arith.constant 0 : i32
    return %arg0, %c0_i32 : i32, i32
  }
}

</mosaic_0001>

<sc_bundles>
// kernel: kernel.4.cloned.1.call-start
scs
__scs_entry_jumppad:
0x0: {  	(pc) =	sbr.rel $0x88, $3  }
0x1: {  	(tag) =	ssettag $0x0;
	lr =	simm.s32 $0x1  }
0x2: {  	[smem:$0x3F9B] =	sst lr;
	_ =	strace $0xD0000000  }
0x3: {  	_ = 	snop  }
0x4: {  	_ = 	snop  }
0x5: {  	_ = 	snop  }
0x6: {  	_ = 	snop  }
0x7: {  	_ = 	snop  }
__scs_overlays_trampoline_lowered:
0x8: {  	[smem:$0x3FAA] =	sst s0  }
0x9: {  	[smem:$0x3FAB] =	sst s1  }
0xa: {  	[smem:$0x3FAC] =	sst s2  }
0xb: {  	[smem:$0x3FAD] =	sst s3  }
0xc: {  	[smem:$0x3FAE] =	sst s4  }
0xd: {  	[smem:$0x3FAF] =	sst s5  }
0xe: {  	[smem:$0x3FB0] =	sst s6  }
0xf: {  	[smem:$0x3FB1] =	sst s7  }
0x10: {  	[smem:$0x3FB2] =	sst s8  }
0x11: {  	[smem:$0x3FB3] =	sst s9;
	s0 =	simm.s32 @!p0 $0x0  }
0x12: {  	s1 =	sld [smem:$0x3F99];
	s0 =	simm.s32 @p0 $0x1  }
0x13: {  	[smem:$0x3FB4] =	sst s0;
	s0 =	simm.s32 @!p1 $0x0  }
0x14: {  	s2 =	sld [smem:$0x3F98];
	s0 =	simm.s32 @p1 $0x1  }
0x15: {  	[smem:$0x3FB5] =	sst s0;
	s0 =	simm.s32 @!p2 $0x0  }
0x16: {  	s3 =	sld [smem:$0x3FDB];
	s0 =	simm.s32 @p2 $0x1  }
0x17: {  	s4 =	simm.s32 $0x1BF5;
	[smem:$0x3FB7] =	sst s0  }
0x18: {  	s0 =	sld [smem:$0x3F9A];
	_ =	swait.ge [sflag:s4], $0x0  }
0x19: {  	s7 =	sld [smem:$0x3F9B]  }
0x1a: {  	s8 =	sadd.s32 $0xFFFFE003, lr  }
0x1b: {  	s9 =	sadd.s32 $0xFFFFFEF7, lr;
	s5 =	simm.s32 $0xFFFFFFFF;
	p2 =	slt.u32 s8, $0xFFFFF086  }
0x1c: {  	p1 =	slt.u32 s9, $0xF7A;
	s5 =	simm.s32 @!p2 $0x0  }
0x1d: {  	s5 =	simm.s32 @p1 $0x1;
	p0 =	seq.s32 s7, s2  }
0x1e: {  	s7 =	smul.u32 @!p0 $0xF7A, s2;
	p2 =	seq.s32 @!p0 s5, $0x0  }
0x1f: {  	s9 =	smul.u32 $0xF7A, s1;
	s8 =	simm.s32 @!p0 $0x1BF5;
	p2 =	por !p2, p0  }
0x20: {  	[sflag:s8] =	ssyncset.s32 @!p0 $0xFFFFF086;
	s6 =	sadd.s32 @!p0 s3, s7;
	s7 =	simm.s32 @!p0 $0x108  }
0x21: {  	s3 =	sadd.s32 s3, s9;
	s6 =	sadd.s32 @!p0 $0x88, s6;
	s7 =	simm.s32 @p2 $0x1082  }
0x22: {  	[simem:s7], [sflag:s8] =	dma.local @!p0 [hbm:s6], $0xF7A  }
0x23: {  	s9 =	sor.u32 $0xD0000000, s2;
	s6 =	simm.s32 $0x108;
	_ =	swait.ge @!p0 [sflag:s8], $0x0  }
0x24: {  	s3 =	sadd.s32 $0x88, s3;
	s6 =	simm.s32 @!p1 $0x1082;
	[sflag:s4] =	ssyncset.s32 $0xFFFFF086  }
0x25: {  	[simem:s6], [sflag:s4] =	dma.local [hbm:s3], $0xF7A  }
0x26: {  	[smem:$0x3F9B] =	sst s1;
	(tag) =	ssettag s2;
	_ =	strace s9  }
0x27: {  	s1 =	sld [smem:$0x3FAB]  }
0x28: {  	s2 =	sld [smem:$0x3FAC]  }
0x29: {  	s4 =	sld [smem:$0x3FAE]  }
0x2a: {  	p0 =	seq.s32 s5, $0x0;
	s5 =	sld [smem:$0x3FAF]  }
0x2b: {  	s6 =	sld [smem:$0x3FB0]  }
0x2c: {  	s7 =	sld [smem:$0x3FB1]  }
0x2d: {  	s3 =	simm.s32 $0x108;
	s8 =	sld [smem:$0x3FB2]  }
0x2e: {  	s3 =	simm.s32 @!p0 $0x1082;
	s9 =	sld [smem:$0x3FB3]  }
0x2f: {  	lr =	sadd.s32 s0, s3;
	s0 =	sld [smem:$0x3FAA]  }
0x30: {  	s3 =	sld [smem:$0x3FAD]  }
0x31: {  	[smem:$0x3FB6] =	sst s10  }
0x32: {  	s10 =	sld [smem:$0x3FB4];
	_ =	sdelay $0x3  }
0x33: {  	p0 =	seq.s32 s10, $0x1;
	s10 =	sld [smem:$0x3FB6];
	_ =	sdelay $0x3  }
0x34: {  	[smem:$0x3FB6] =	sst s10  }
0x35: {  	s10 =	sld [smem:$0x3FB5];
	_ =	sdelay $0x3  }
0x36: {  	p1 =	seq.s32 s10, $0x1;
	s10 =	sld [smem:$0x3FB6];
	_ =	sdelay $0x3  }
0x37: {  	[smem:$0x3FB6] =	sst s10  }
0x38: {  	s10 =	sld [smem:$0x3FB7]  }
0x39: {  	_ = 	snop;
	(pc) =	sbr.ind lr, $3  }
0x3a: {  	_ = 	snop  }
0x3b: {  	_ = 	snop  }
0x3c: {  	p2 =	seq.s32 s10, $0x1;
	s10 =	sld [smem:$0x3FB6]  }
0x3d: {  	_ =	shalt  }
0x3e: {  	_ =	shalt  }
0x3f: {  	_ =	shalt  }
0x40: {  	_ =	shalt  }
0x41: {  	_ =	shalt  }
0x42: {  	_ =	shalt  }
0x43: {  	_ =	shalt  }
0x44: {  	_ =	shalt  }
0x45: {  	_ =	shalt  }
0x46: {  	_ =	shalt  }
0x47: {  	_ =	shalt  }
0x48: {  	_ =	shalt  }
0x49: {  	_ =	shalt  }
0x4a: {  	_ =	shalt  }
0x4b: {  	_ =	shalt  }
0x4c: {  	_ =	shalt  }
0x4d: {  	_ =	shalt  }
0x4e: {  	_ =	shalt  }
0x4f: {  	_ =	shalt  }
0x50: {  	_ =	shalt  }
0x51: {  	_ =	shalt  }
0x52: {  	_ =	shalt  }
0x53: {  	_ =	shalt  }
0x54: {  	_ =	shalt  }
0x55: {  	_ =	shalt  }
0x56: {  	_ =	shalt  }
0x57: {  	_ =	shalt  }
0x58: {  	_ =	shalt  }
0x59: {  	_ =	shalt  }
0x5a: {  	_ =	shalt  }
0x5b: {  	_ =	shalt  }
0x5c: {  	_ =	shalt  }
0x5d: {  	_ =	shalt  }
0x5e: {  	_ =	shalt  }
0x5f: {  	_ =	shalt  }
0x60: {  	_ =	shalt  }
0x61: {  	_ =	shalt  }
0x62: {  	_ =	shalt  }
0x63: {  	_ =	shalt  }
0x64: {  	_ =	shalt  }
0x65: {  	_ =	shalt  }
0x66: {  	_ =	shalt  }
0x67: {  	_ =	shalt  }
0x68: {  	_ =	shalt  }
0x69: {  	_ =	shalt  }
0x6a: {  	_ =	shalt  }
0x6b: {  	_ =	shalt  }
0x6c: {  	_ =	shalt  }
0x6d: {  	_ =	shalt  }
0x6e: {  	_ =	shalt  }
0x6f: {  	_ =	shalt  }
0x70: {  	_ =	shalt  }
0x71: {  	_ =	shalt  }
0x72: {  	_ =	shalt  }
0x73: {  	_ =	shalt  }
0x74: {  	_ =	shalt  }
0x75: {  	_ =	shalt  }
0x76: {  	_ =	shalt  }
0x77: {  	_ =	shalt  }
0x78: {  	_ =	shalt  }
0x79: {  	_ =	shalt  }
0x7a: {  	_ =	shalt  }
0x7b: {  	_ =	shalt  }
0x7c: {  	_ =	shalt  }
0x7d: {  	_ =	shalt  }
0x7e: {  	_ =	shalt  }
0x7f: {  	_ =	shalt  }
0x80: {  	_ =	shalt  }
0x81: {  	_ =	shalt  }
0x82: {  	_ =	shalt  }
0x83: {  	_ =	shalt  }
0x84: {  	_ =	shalt  }
0x85: {  	_ =	shalt  }
0x86: {  	_ =	shalt  }
0x87: {  	_ =	shalt  }
.Lfunc_end0:
.L_simem_size_0:
called_computation_lowered:
.L_overlay_start_0:
0x88: {  	s2 =	sld [smem:$0x3FD9]  }
0x89: {  	s3 =	sld [smem:$0x3FFE];
	_ =	sdelay $0x1  }
0x8a: {  	s1 =	srdreg.scid  }
0x8b: {  	s0 =	sand.u32 $0x1, s1  }
0x8c: {  	s17 =	sshll.u32 s0, $0xA;
	s2 =	sadd.s32 s3, s2  }
0x8d: {  	s2 =	sadd.s32 s2, s17  }
0x8e: {  	[smem:$0x3FC2] =	sst s2  }
0x8f: {  	_ = 	snop  }
0x90: {  	s2 =	sld [smem:$0x3FD0];
	(tm) =	ssettm $0x1  }
0x91: {  	s18 =	sld [smem:$0x3FFB];
	_ =	sdelay $0x3  }
0x92: {  	_ =	strace s18  }
0x93: {  	s3 =	sld [smem:$0x3FFC];
	_ =	sdelay $0x3  }
0x94: {  	_ =	strace s3  }
0x95: {  	s3 =	sld [smem:$0x3FFD];
	_ =	sdelay $0x3  }
0x96: {  	_ =	strace s3  }
0x97: {  	_ =	strace $0x8FFFFFFF  }
0x98: {  	s19 =	sld [smem:$0x3FDB];
	_ =	sdelay $0x1  }
0x99: {  	s4 =	simm.s32 $_scs_section_size  }
0x9a: {  	s5 =	simm.s32 $_size__tile_overlayer_lowered;
	s6 =	simm.s32 $_tile_overlayer_lowered  }
0x9b: {  	s22 =	simm.s32 $0x1BFF;
	s21 =	sshll.u32 s6, $0x1;
	s3 =	sadd.s32 s4, s19  }
0x9c: {  	s7 =	simm.s32 $0x0;
	s20 =	sshll.u32 s5, $0x1;
	s5 =	sadd.s32 s21, s3  }
0x9d: {  	[timem:s7], [sflag:s22] =	dma.local [hbm:s5], s20  }
0x9e: {  	_ =	swait.ge [sflag:s22], s20  }
0x9f: {  	s4 =	ssub.s32 $0x0, s20;
	[sflag:s22] =	ssyncset.done $0x0  }
0xa0: {  	[sflag:s22] =	ssyncadd.s32 s4;
	_ =	sdelay $0x1  }
0xa1: {  	s23 =	simm.s32 $0x1B8B  }
0xa2: {  	_ =	swait.ge [sflag:s23], $0x1  }
0xa3: {  	[sflag:s23] =	ssyncset.done $0x0  }
0xa4: {  	s25 =	simm.s32 $0x1B8E;
	s24 =	sld [smem:$0x3FFE];
	[sflag:s23] =	ssyncadd.s32 $0xFFFFFFFF  }
0xa5: {  	s26 =	simm.s32 $execute0_lowered;
	[smem:$0x3FD2] =	sst s25  }
0xa6: {  	s5 =	sshll.u32 s26, $0x1;
	_ =	strace $0x80000046;
	[dreg:$0x1] =	wrdreg $0xFFFFFFFF  }
0xa7: {  	s28 =	simm.s32 $_size_execute0_lowered;
	s3 =	sadd.s32 s3, s5;
	[dreg:$0x0] =	wrdreg $0x0  }
0xa8: {  	s5 =	sshll.u32 s28, $0x1;
	[dreg:$0x2] =	wrdreg s3  }
0xa9: {  	[dreg:$0x3] =	wrdreg s5  }
0xaa: {  	[dreg:$0x4] =	wrdreg $0xC0  }
0xab: {  	_ =	task [dreg:s7], $0x5FFFF  }
0xac: {  	[dreg:$0x1] =	wrdreg $0xFFFFFFFF  }
0xad: {  	[dreg:$0x0] =	wrdreg $0x60  }
0xae: {  	[dreg:$0x2] =	wrdreg s24  }
0xaf: {  	[dreg:$0x3] =	wrdreg s2  }
0xb0: {  	[dreg:$0x4] =	wrdreg $0x9  }
0xb1: {  	_ =	task.clear_ibuf [dreg:s7], $0x5FFFF;
	_ =	strace $0x90000046  }
0xb2: {  	s29 =	simm.s32 $0x9;
	_ =	strace $0x80000048  }
0xb3: {  	_ =	swait.ge [sflag:s29], $0x1  }
0xb4: {  	[sflag:s29] =	ssyncadd.s32 $0xFFFFFFFF  }
0xb5: {  	_ =	strace $0x90000048  }
0xb6: {  	_ =	sfence  }
0xb7: {  	s30 =	sld [smem:$0x0];
	_ =	sdelay $0x2  }
0xb8: {  	s31 =	sshll.u32 s1, $0xD;
	s1 =	sshrl.u32 s1, $0x2  }
0xb9: {  	s3 =	sand.u32 $0x4000, s31;
	s1 =	sadd.s32 s1, s30  }
0xba: {  	s0 =	sor.u32 s3, s0;
	s1 =	sshll.u32 s1, $0x11  }
0xbb: {  	s0 =	sor.u32 s1, s0  }
0xbc: {  	s0 =	sadd.s32 $0x8F2B, s0  }
0xbd: {  	[sflag:s0] =	ssyncadd.remote.s32 $0x1  }
0xbe: {  	_ =	sfence.sel $0xFFFF  }
0xbf: {  	[dreg:$0x0] =	wrdreg $0xFFFFFFFF;
	(pc) =	sbr.abs _section_cstart, $3  }
0xc0: {  	[dreg:$0x1] =	wrdreg $0xFFFFFFFF  }
0xc1: {  	_ =	task.clear_ibuf [dreg:s7], $0x2FFFF;
	_ =	strace $0x9FFFFFFF  }
0xc2: {  	(tm) =	ssettm $0x7FFFFFFF  }
0xc3: {  	_ =	shalt  }
tec
execute0_lowered:
.L_overlay_start_1:
0x0: {  	(tag) =	ssettag $0x1  }
0x1: {  	v1 =	vlaneseq.u32  }
0x2: {  	s0 =	srdreg.scid;
	v0 =	vmul.u32 $0xC8, v1  }
0x3: {  	s2 =	stileid.u32;
	s1 =	rddreg [dreg:$0x0];
	v1 =	vmul.u32 $0x40, v1  }
0x4: {  	v2 =	vimm.f32 $0.0e+00;
	v3 =	vimm.f32 $1.000000000e+00;
	s3 =	rddreg [dreg:$0x1];
	s13 =	simm.s32 $0x1;
	s14 =	simm.s32 $0x3200;
	v4 =	vadd.s32 $0xC80, v0  }
0x5: {  	s15 =	simm.s32 $0x6400;
	s16 =	simm.s32 $0x2;
	s17 =	simm.s32 $0x3;
	v5 =	vor.u32 $0x400, v1;
	v6 =	vadd.s32 $0x1900, v0;
	v7 =	vor.u32 $0x800, v1  }
0x6: {  	s18 =	simm.s32 $0x0;
	s0 =	sand.u32 $0x1, s0;
	s2 =	sshll.u32 s2, $0x1;
	v8 =	vadd.s32 $0x2580, v0;
	v9 =	vor.u32 $0xC00, v1;
	v10 =	vor.u32 $0x1000, v1  }
0x7: {  	s1 =	sadd.s32 $0xE00, s1;
	s4 =	sor.u32 s0, s2;
	s2 =	simm.s32 $0x0;
	v11 =	vor.u32 $0x1400, v1;
	v12 =	vor.u32 $0x1800, v1;
	v13 =	vor.u32 $0x1C00, v1  }
0x8: {  	s0 =	ssub.s32 $0x2, s0;
	s5 =	smul.u32 $0x19000, s4;
	[smem:$0x7FF] =	sst s2;
	v14 =	vor.u32 $0x2000, v1;
	v15 =	vor.u32 $0x2400, v1;
	v16 =	vor.u32 $0x2800, v1  }
0x9: {  	s6 =	smul.u32 $0x3200, s4;
	s7 =	sshrl.u32 s0, $0x1;
	v17 =	vor.u32 $0x2C00, v1;
	v18 =	vor.u32 $0x3000, v1;
	v19 =	vor.u32 $0x3400, v1;
	s31 =	sshll.u32 s4, $0xC  }
0xa: {  	v20 =	vor.u32 $0x3800, v1;
	v21 =	vor.u32 $0x3C00, v1;
	v22 =	vor.u32 $0x4000, v1;
	_ =	strace $0x80000047;
	s0 =	ssub.s32 s0, s7;
	s5 =	sshrl.u32 s5, $0x3  }
0xb: {  	v23 =	vor.u32 $0x4400, v1;
	v24 =	vor.u32 $0x4800, v1;
	v25 =	vor.u32 $0x4C00, v1;
	s11 =	sadd.s32 s3, s31;
	s5 =	sadd.s32 s1, s5;
	s1 =	sadd.s32 s1, s6  }
0xc: {  	v26 =	vor.u32 $0x5000, v1;
	v27 =	vor.u32 $0x5400, v1;
	v28 =	vor.u32 $0x5800, v1;
	s12 =	smax.u32 s0, $0x1;
	[dreg:$0x3] =	wrdreg s1;
	s28 =	sadd.s32 $0x640, s5  }
0xd: {  	v29 =	vor.u32 $0x5C00, v1;
	v30 =	vor.u32 $0x6000, v1;
	v31 =	vor.u32 $0x6400, v1;
	s29 =	sadd.s32 $0xC80, s5;
	s30 =	sadd.s32 $0x12C0, s5;
	[dreg:$0x4] =	wrdreg s28  }
0xe: {  	v32 =	vor.u32 $0x6800, v1;
	v33 =	vor.u32 $0x6C00, v1;
	v34 =	vor.u32 $0x7000, v1;
	s7 =	sadd.s32 $0x1900, s5;
	s8 =	sadd.s32 $0x1F40, s5;
	[dreg:$0x5] =	wrdreg s29  }
0xf: {  	v35 =	vor.u32 $0x7400, v1;
	v36 =	vor.u32 $0x7800, v1;
	v37 =	vor.u32 $0x7C00, v1;
	s9 =	sadd.s32 $0x2580, s5;
	s10 =	sadd.s32 $0x2BC0, s5;
	[dreg:$0x6] =	wrdreg s30  }
.LBB2_1:
0x10: {  	s0 =	simm.s32 $0x6440  }
0x11: {  	[tilespmem:s0+$0xFFFFFFC0] =	vst v2  }
0x12: {  	[tilespmem:s0+$0x30] =	vst v2  }
0x13: {  	[tilespmem:s0+$0x20] =	vst v2  }
0x14: {  	[tilespmem:s0+$0x10] =	vst v2  }
0x15: {  	[tilespmem:s0+$0x0] =	vst v2  }
0x16: {  	[tilespmem:s0+$0xFFFFFFF0] =	vst v2  }
0x17: {  	s1 =	simm.s32 $0x0;
	[tilespmem:s0+$0xFFFFFFE0] =	vst v2  }
.LBB2_2:
0x18: {  	s1 =	sadd.s32 $0x8, s1;
	[tilespmem:s0+$0xFFFFFFD0] =	vst v2;
	s0 =	sadd.s32 $0x80, s0  }
0x19: {  	[tilespmem:s0+$0xFFFFFFC0] =	vst v2;
	p0 =	slt.u32 s1, $0x7F8  }
0x1a: {  	[tilespmem:s0+$0x30] =	vst v2  }
.Ltmp0:
0x1b: {  	[tilespmem:s0+$0x20] =	vst v2;
	(pc) =	sbr.rel @p0 .LBB2_2-.Ltmp0, $4  }
0x1c: {  	[tilespmem:s0+$0x10] =	vst v2  }
0x1d: {  	[tilespmem:s0+$0x0] =	vst v2  }
0x1e: {  	[tilespmem:s0+$0xFFFFFFF0] =	vst v2  }
0x1f: {  	[tilespmem:s0+$0xFFFFFFE0] =	vst v2  }
0x20: {  	[tilespmem:s0+$0xFFFFFFD0] =	vst v2  }
0x21: {  	s20 =	simm.s32 $0x0;
	s19 =	simm.s32 $0x7;
	s0 =	rddreg [dreg:$0x3]  }
0x22: {  	v38 =	vadd.s32 s20, v0;
	[tilespmem:s20], [sflag:$0x1] =	stream.linear.gather [hbm4b:s0+s20], $0x3200, $0x38;
	[tilespmem:$0xE400] =	vst v63  }
0x23: {  	s21 =	simm.s32 $0x6;
	v39 =	vadd.s32 s19, v0;
	_ =	swait.ge [sflag:s13], $0x3200  }
0x24: {  	s22 =	simm.s32 $0x5;
	s1 =	simm.s32 $0x4;
	v40 =	vadd.s32 s21, v0;
	[sflag:s13] =	ssyncset.done $0x0  }
0x25: {  	s23 =	simm.s32 $0x3;
	v41 =	vadd.s32 s22, v0;
	s6 =	rddreg [dreg:$0x4];
	[sflag:s13] =	ssyncadd.s32 $0xFFFFCE00  }
0x26: {  	v42 =	vadd.s32 s1, v0;
	[tilespmem:s14], [sflag:$0x2] =	stream.linear.gather [hbm4b:s6+s20], $0x3200, $0x38;
	[tilespmem:$0xE400] =	vst v63  }
0x27: {  	s24 =	simm.s32 $0x2;
	v43 =	vadd.s32 s23, v0;
	v38 =	vld.idx.msk [tilespmem:v38+s20+$0x0], $0xffff  }
0x28: {  	s25 =	simm.s32 $0x1;
	v44 =	vadd.s32 s24, v0;
	v39 =	vld.idx.msk [tilespmem:v39+s20+$0x0], $0xffff  }
0x29: {  	s19 =	simm.s32 $0x8;
	v45 =	vadd.s32 s25, v0;
	v40 =	vld.idx.msk [tilespmem:v40+s20+$0x0], $0xffff  }
0x2a: {  	s28 =	simm.s32 $0xE;
	v46 =	vadd.s32 s19, v0;
	v41 =	vld.idx.msk [tilespmem:v41+s20+$0x0], $0xffff  }
0x2b: {  	v49 =	vadd.s32 s28, v0;
	v42 =	vld.idx.msk [tilespmem:v42+s20+$0x0], $0xffff  }
0x2c: {  	s26 =	simm.s32 $0xF;
	v43 =	vld.idx.msk [tilespmem:v43+s20+$0x0], $0xffff;
	v38 =	vadd.s32 v1, v38  }
0x2d: {  	v47 =	vadd.s32 s26, v0;
	v44 =	vld.idx.msk [tilespmem:v44+s20+$0x0], $0xffff  }
0x2e: {  	v45 =	vld.idx.msk [tilespmem:v45+s20+$0x0], $0xffff;
	v48 =	vadd.s32 v1, v39  }
0x2f: {  	v39 =	vld.idx.msk [tilespmem:v46+s20+$0x0], $0xffff;
	v41 =	vadd.s32 v1, v41  }
0x30: {  	v61 =	vadd.s32 v1, v40;
	v42 =	vadd.s32 v1, v42;
	v40 =	vld.idx.msk [tilespmem:v49+s20+$0x0], $0xffff  }
0x31: {  	[tilespmem:v38+s15+$0x0] =	vst.idx.add.f32.msk $0xffff, v3  }
0x32: {  	v62 =	vadd.s32 v1, v43;
	v38 =	vld.idx.msk [tilespmem:v47+s20+$0x0], $0xffff  }
0x33: {  	v63 =	vadd.s32 v1, v44;
	[tilespmem:v48+s15+$0x0] =	vst.idx.add.f32.msk $0xffff, v3  }
0x34: {  	s29 =	simm.s32 $0xD;
	[tilespmem:v41+s15+$0x0] =	vst.idx.add.f32.msk $0xffff, v3;
	v41 =	vadd.s32 v1, v45  }
0x35: {  	s30 =	simm.s32 $0xC;
	[tilespmem:v42+s15+$0x0] =	vst.idx.add.f32.msk $0xffff, v3;
	v42 =	vadd.s32 s29, v0  }
0x36: {  	s31 =	simm.s32 $0xB;
	v43 =	vadd.s32 s30, v0;
	[tilespmem:v61+s15+$0x0] =	vst.idx.add.f32.msk $0xffff, v3  }
0x37: {  	s3 =	simm.s32 $0xA;
	v44 =	vadd.s32 s31, v0;
	[tilespmem:v62+s15+$0x0] =	vst.idx.add.f32.msk $0xffff, v3  }
0x38: {  	s1 =	simm.s32 $0x9;
	s0 =	simm.s32 $0x10;
	v45 =	vadd.s32 s3, v0;
	[tilespmem:v63+s15+$0x0] =	vst.idx.add.f32.msk $0xffff, v3  }
.LBB2_4:
0x39: {  	p0 =	slt.u32 s0, $0xC0;
	v46 =	vadd.s32 s1, v0;
	[tilespmem:v41+s15+$0x0] =	vst.idx.add.f32.msk $0xffff, v3  }
0x3a: {  	v41 =	vadd.s32 s0, v0;
	v42 =	vld.idx.msk [tilespmem:v42+s20+$0x0], $0xffff  }
0x3b: {  	s1 =	sadd.s32 $0x7, s0;
	v47 =	vadd.s32 v1, v39;
	v43 =	vld.idx.msk [tilespmem:v43+s20+$0x0], $0xffff  }
0x3c: {  	v48 =	vadd.s32 s1, v0;
	v44 =	vld.idx.msk [tilespmem:v44+s20+$0x0], $0xffff  }
0x3d: {  	v49 =	vadd.s32 v1, v38;
	s1 =	sadd.s32 $0x6, s0;
	v45 =	vld.idx.msk [tilespmem:v45+s20+$0x0], $0xffff  }
0x3e: {  	v50 =	vadd.s32 s1, v0;
	v46 =	vld.idx.msk [tilespmem:v46+s20+$0x0], $0xffff  }
0x3f: {  	v51 =	vadd.s32 v1, v40;
	v39 =	vld.idx.msk [tilespmem:v41+s20+$0x0], $0xffff  }
0x40: {  	[tilespmem:v47+s15+$0x0] =	vst.idx.add.f32.msk $0xffff, v3;
	v47 =	vadd.s32 v1, v42  }
0x41: {  	v38 =	vld.idx.msk [tilespmem:v48+s20+$0x0], $0xffff;
	v48 =	vadd.s32 v1, v43  }
0x42: {  	v52 =	vadd.s32 v1, v44;
	[tilespmem:v49+s15+$0x0] =	vst.idx.add.f32.msk $0xffff, v3  }
0x43: {  	v49 =	vadd.s32 v1, v45;
	v40 =	vld.idx.msk [tilespmem:v50+s20+$0x0], $0xffff  }
.Ltmp1:
0x44: {  	s1 =	sadd.s32 $0x5, s0;
	v41 =	vadd.s32 v1, v46;
	[tilespmem:v51+s15+$0x0] =	vst.idx.add.f32.msk $0xffff, v3;
	(pc) =	sbr.rel @p0 .LBB2_4-.Ltmp1, $4  }
0x45: {  	s3 =	sadd.s32 $0x4, s0;
	v42 =	vadd.s32 s1, v0;
	[tilespmem:v47+s15+$0x0] =	vst.idx.add.f32.msk $0xffff, v3  }
0x46: {  	s1 =	sadd.s32 $0x3, s0;
	v43 =	vadd.s32 s3, v0;
	[tilespmem:v48+s15+$0x0] =	vst.idx.add.f32.msk $0xffff, v3  }
0x47: {  	s3 =	sadd.s32 $0x2, s0;
	v44 =	vadd.s32 s1, v0;
	[tilespmem:v52+s15+$0x0] =	vst.idx.add.f32.msk $0xffff, v3  }
0x48: {  	s1 =	sadd.s32 $0x1, s0;
	s0 =	sadd.s32 $0x8, s0;
	v45 =	vadd.s32 s3, v0;
	[tilespmem:v49+s15+$0x0] =	vst.idx.add.f32.msk $0xffff, v3  }
0x49: {  	_ =	sdelay $0x2  }
0x4a: {  	v46 =	vadd.s32 s1, v0  }
0x4b: {  	v42 =	vld.idx.msk [tilespmem:v42+s20+$0x0], $0xffff  }
0x4c: {  	v43 =	vld.idx.msk [tilespmem:v43+s20+$0x0], $0xffff  }
0x4d: {  	v39 =	vadd.s32 v1, v39;
	v44 =	vld.idx.msk [tilespmem:v44+s20+$0x0], $0xffff  }
0x4e: {  	v45 =	vld.idx.msk [tilespmem:v45+s20+$0x0], $0xffff;
	v38 =	vadd.s32 v1, v38  }
0x4f: {  	v40 =	vadd.s32 v1, v40;
	v46 =	vld.idx.msk [tilespmem:v46+s20+$0x0], $0xffff  }
0x50: {  	v42 =	vadd.s32 v1, v42  }
0x51: {  	[tilespmem:v41+s15+$0x0] =	vst.idx.add.f32.msk $0xffff, v3;
	v52 =	vadd.s32 v1, v43  }
0x52: {  	[tilespmem:v39+s15+$0x0] =	vst.idx.add.f32.msk $0xffff, v3;
	v53 =	vadd.s32 v1, v44  }
0x53: {  	[tilespmem:v38+s15+$0x0] =	vst.idx.add.f32.msk $0xffff, v3;
	v54 =	vadd.s32 v1, v45  }
0x54: {  	s0 =	simm.s32 $0x7;
	[tilespmem:v40+s15+$0x0] =	vst.idx.add.f32.msk $0xffff, v3;
	v55 =	vadd.s32 v1, v46  }
0x55: {  	s25 =	simm.s32 $0x1;
	v56 =	vadd.s32 s0, v4;
	[tilespmem:v42+s15+$0x0] =	vst.idx.add.f32.msk $0xffff, v3  }
0x56: {  	s26 =	simm.s32 $0x2;
	v57 =	vadd.s32 s25, v4;
	[tilespmem:v52+s15+$0x0] =	vst.idx.add.f32.msk $0xffff, v3  }
0x57: {  	s28 =	simm.s32 $0x3;
	v58 =	vadd.s32 s26, v4;
	[tilespmem:v53+s15+$0x0] =	vst.idx.add.f32.msk $0xffff, v3  }
0x58: {  	s29 =	simm.s32 $0x4;
	v59 =	vadd.s32 s28, v4;
	[tilespmem:v54+s15+$0x0] =	vst.idx.add.f32.msk $0xffff, v3  }
0x59: {  	s30 =	simm.s32 $0x5;
	s0 =	simm.s32 $0x0;
	v60 =	vadd.s32 s29, v4;
	[tilespmem:v55+s15+$0x0] =	vst.idx.add.f32.msk $0xffff, v3  }
0x5a: {  	s31 =	simm.s32 $0x6;
	v61 =	vadd.s32 s30, v4;
	v43 =	vld.idx.msk [tilespmem:v56+s0+$0x0], $0xffff  }
0x5b: {  	v63 =	vadd.s32 s31, v4;
	v41 =	vld.idx.msk [tilespmem:v57+s0+$0x0], $0xffff  }
0x5c: {  	v48 =	vadd.s32 s20, v4;
	v62 =	vld.idx.msk [tilespmem:v58+s0+$0x0], $0xffff  }
0x5d: {  	v47 =	vld.idx.msk [tilespmem:v59+s0+$0x0], $0xffff  }
0x5e: {  	v42 =	vld.idx.msk [tilespmem:v60+s0+$0x0], $0xffff  }
0x5f: {  	v40 =	vld.idx.msk [tilespmem:v61+s0+$0x0], $0xffff;
	v45 =	vadd.s32 v5, v43  }
0x60: {  	v38 =	vld.idx.msk [tilespmem:v63+s0+$0x0], $0xffff;
	v44 =	vadd.s32 v5, v41  }
0x61: {  	v39 =	vld.idx.msk [tilespmem:v48+s0+$0x0], $0xffff;
	v43 =	vadd.s32 v5, v62  }
0x62: {  	v41 =	vadd.s32 v5, v47  }
0x63: {  	s3 =	simm.s32 $0xF;
	s1 =	simm.s32 $0x10;
	v42 =	vadd.s32 v5, v42  }
.LBB2_6:
0x64: {  	p0 =	slt.u32 s1, $0xC0;
	s4 =	sadd.s32 $0x1, s19;
	v46 =	vadd.s32 s3, v4;
	v47 =	vadd.s32 v5, v40;
	[tilespmem:v45+s15+$0x0] =	vst.idx.add.f32.msk $0xffff, v3  }
0x65: {  	s3 =	sadd.s32 $0x2, s19;
	v48 =	vadd.s32 v5, v38;
	v40 =	vadd.s32 s4, v4;
	[tilespmem:v44+s15+$0x0] =	vst.idx.add.f32.msk $0xffff, v3  }
0x66: {  	v38 =	vadd.s32 s3, v4;
	s3 =	sadd.s32 $0x3, s19;
	v49 =	vadd.s32 v5, v39;
	[tilespmem:v43+s15+$0x0] =	vst.idx.add.f32.msk $0xffff, v3  }
0x67: {  	v39 =	vadd.s32 s3, v4;
	s3 =	sadd.s32 $0x4, s19;
	[tilespmem:v41+s15+$0x0] =	vst.idx.add.f32.msk $0xffff, v3  }
0x68: {  	v41 =	vadd.s32 s3, v4;
	s3 =	sadd.s32 $0x5, s19;
	[tilespmem:v42+s15+$0x0] =	vst.idx.add.f32.msk $0xffff, v3  }
0x69: {  	v42 =	vadd.s32 s3, v4;
	s3 =	sadd.s32 $0x6, s19;
	v43 =	vld.idx.msk [tilespmem:v46+s0+$0x0], $0xffff  }
0x6a: {  	v45 =	vadd.s32 s3, v4;
	v44 =	vld.idx.msk [tilespmem:v40+s0+$0x0], $0xffff  }
0x6b: {  	v46 =	vadd.s32 s19, v4;
	s19 =	smov.u32 s1;
	v50 =	vld.idx.msk [tilespmem:v38+s0+$0x0], $0xffff  }
0x6c: {  	v51 =	vld.idx.msk [tilespmem:v39+s0+$0x0], $0xffff  }
0x6d: {  	v52 =	vld.idx.msk [tilespmem:v41+s0+$0x0], $0xffff  }
0x6e: {  	v40 =	vld.idx.msk [tilespmem:v42+s0+$0x0], $0xffff  }
.Ltmp2:
0x6f: {  	v38 =	vld.idx.msk [tilespmem:v45+s0+$0x0], $0xffff;
	v45 =	vadd.s32 v5, v43;
	(pc) =	sbr.rel @p0 .LBB2_6-.Ltmp2, $4  }
0x70: {  	v44 =	vadd.s32 v5, v44;
	v39 =	vld.idx.msk [tilespmem:v46+s0+$0x0], $0xffff  }
0x71: {  	v43 =	vadd.s32 v5, v50;
	[tilespmem:v47+s15+$0x0] =	vst.idx.add.f32.msk $0xffff, v3  }
0x72: {  	v41 =	vadd.s32 v5, v51;
	[tilespmem:v48+s15+$0x0] =	vst.idx.add.f32.msk $0xffff, v3  }
0x73: {  	s1 =	sadd.s32 $0x8, s1;
	s3 =	sadd.s32 $0x7, s19;
	v42 =	vadd.s32 v5, v52;
	[tilespmem:v49+s15+$0x0] =	vst.idx.add.f32.msk $0xffff, v3  }
0x74: {  	_ =	sdelay $0x3  }
0x75: {  	v46 =	vadd.s32 s3, v4;
	[tilespmem:v45+s15+$0x0] =	vst.idx.add.f32.msk $0xffff, v3  }
0x76: {  	[tilespmem:v44+s15+$0x0] =	vst.idx.add.f32.msk $0xffff, v3;
	v48 =	vadd.s32 s19, v4  }
0x77: {  	s0 =	sadd.s32 $0x1, s19;
	[tilespmem:v43+s15+$0x0] =	vst.idx.add.f32.msk $0xffff, v3;
	v40 =	vadd.s32 v5, v40  }
0x78: {  	s25 =	sadd.s32 $0x2, s19;
	[tilespmem:v41+s15+$0x0] =	vst.idx.add.f32.msk $0xffff, v3;
	v51 =	vadd.s32 s0, v4  }
0x79: {  	s26 =	sadd.s32 $0x3, s19;
	s20 =	simm.s32 $0x0;
	[tilespmem:v42+s15+$0x0] =	vst.idx.add.f32.msk $0xffff, v3;
	v52 =	vadd.s32 s25, v4  }
0x7a: {  	s29 =	sadd.s32 $0x4, s19;
	v53 =	vadd.s32 s26, v4;
	v46 =	vld.idx.msk [tilespmem:v46+s20+$0x0], $0xffff  }
0x7b: {  	s30 =	sadd.s32 $0x5, s19;
	v54 =	vadd.s32 s29, v4;
	v48 =	vld.idx.msk [tilespmem:v48+s20+$0x0], $0xffff  }
0x7c: {  	s31 =	sadd.s32 $0x6, s19;
	v55 =	vadd.s32 s30, v4;
	[tilespmem:v40+s15+$0x0] =	vst.idx.add.f32.msk $0xffff, v3  }
0x7d: {  	v47 =	vadd.s32 s31, v4;
	v45 =	vld.idx.msk [tilespmem:v51+s20+$0x0], $0xffff  }
0x7e: {  	v38 =	vadd.s32 v5, v38;
	v44 =	vld.idx.msk [tilespmem:v52+s20+$0x0], $0xffff  }
0x7f: {  	v39 =	vadd.s32 v5, v39;
	v43 =	vld.idx.msk [tilespmem:v53+s20+$0x0], $0xffff  }
0x80: {  	v41 =	vld.idx.msk [tilespmem:v54+s20+$0x0], $0xffff;
	v46 =	vadd.s32 v5, v46  }
0x81: {  	v42 =	vld.idx.msk [tilespmem:v55+s20+$0x0], $0xffff;
	v60 =	vadd.s32 v5, v48  }
0x82: {  	v47 =	vld.idx.msk [tilespmem:v47+s20+$0x0], $0xffff;
	v45 =	vadd.s32 v5, v45  }
0x83: {  	[tilespmem:v38+s15+$0x0] =	vst.idx.add.f32.msk $0xffff, v3;
	v44 =	vadd.s32 v5, v44  }
0x84: {  	[tilespmem:v39+s15+$0x0] =	vst.idx.add.f32.msk $0xffff, v3;
	v56 =	vadd.s32 v5, v43  }
0x85: {  	v57 =	vadd.s32 v5, v41;
	[tilespmem:v46+s15+$0x0] =	vst.idx.add.f32.msk $0xffff, v3  }
0x86: {  	v58 =	vadd.s32 v5, v42;
	[tilespmem:v60+s15+$0x0] =	vst.idx.add.f32.msk $0xffff, v3  }
0x87: {  	v59 =	vadd.s32 v5, v47;
	[tilespmem:v45+s15+$0x0] =	vst.idx.add.f32.msk $0xffff, v3  }
0x88: {  	s21 =	simm.s32 $0x7;
	v61 =	vadd.s32 s20, v6;
	[tilespmem:v44+s15+$0x0] =	vst.idx.add.f32.msk $0xffff, v3  }
0x89: {  	s22 =	simm.s32 $0x6;
	v62 =	vadd.s32 s21, v6;
	[tilespmem:v56+s15+$0x0] =	vst.idx.add.f32.msk $0xffff, v3  }
0x8a: {  	p1 =	por $0x1, $0x1;
	v63 =	vadd.s32 s22, v6;
	[tilespmem:v57+s15+$0x0] =	vst.idx.add.f32.msk $0xffff, v3  }
.Ltmp3:
0x8b: {  	[tilespmem:v58+s15+$0x0] =	vst.idx.add.f32.msk $0xffff, v3;
	(pc) =	sbr.rel @!p1 .LBB2_8-.Ltmp3, $4  }
0x8c: {  	[tilespmem:v59+s15+$0x0] =	vst.idx.add.f32.msk $0xffff, v3  }
0x8d: {  	s23 =	simm.s32 $0x5;
	v40 =	vld.idx.msk [tilespmem:v61+s20+$0x0], $0xffff  }
0x8e: {  	s24 =	simm.s32 $0x4;
	s25 =	simm.s32 $0x3;
	s26 =	simm.s32 $0x2;
	v41 =	vadd.s32 s23, v6;
	v38 =	vld.idx.msk [tilespmem:v62+s20+$0x0], $0xffff  }
0x8f: {  	s19 =	simm.s32 $0x1;
	s28 =	simm.s32 $0x8;
	p0 =	por $0x0, $0x0;
	v42 =	vadd.s32 s24, v6;
	v43 =	vadd.s32 s25, v6;
	v44 =	vadd.s32 s26, v6;
	v39 =	vld.idx.msk [tilespmem:v63+s20+$0x0], $0xffff  }
0x90: {  	_ =	sdelay $0x2  }
0x91: {  	v45 =	vadd.s32 s19, v6  }
0x92: {  	v46 =	vadd.s32 s28, v6;
	v41 =	vld.idx.msk [tilespmem:v41+s20+$0x0], $0xffff;
	s0 =	simm.s32 $0xF  }
0x93: {  	v42 =	vld.idx.msk [tilespmem:v42+s20+$0x0], $0xffff;
	s29 =	simm.s32 $0xE;
	v48 =	vadd.s32 s0, v6  }
0x94: {  	v43 =	vld.idx.msk [tilespmem:v43+s20+$0x0], $0xffff;
	v50 =	vadd.s32 s29, v6  }
0x95: {  	v44 =	vld.idx.msk [tilespmem:v44+s20+$0x0], $0xffff;
	v47 =	vadd.s32 v7, v40  }
0x96: {  	v49 =	vadd.s32 v7, v38;
	v45 =	vld.idx.msk [tilespmem:v45+s20+$0x0], $0xffff  }
0x97: {  	v62 =	vadd.s32 v7, v39;
	v40 =	vld.idx.msk [tilespmem:v46+s20+$0x0], $0xffff  }
0x98: {  	v41 =	vadd.s32 v7, v41;
	v38 =	vld.idx.msk [tilespmem:v48+s20+$0x0], $0xffff  }
0x99: {  	v42 =	vadd.s32 v7, v42;
	v39 =	vld.idx.msk [tilespmem:v50+s20+$0x0], $0xffff  }
0x9a: {  	v43 =	vadd.s32 v7, v43;
	[tilespmem:v47+s15+$0x0] =	vst.idx.add.f32.msk $0xffff, v3  }
0x9b: {  	p3 =	por $0x1, $0x1;
	v63 =	vadd.s32 v7, v44;
	[tilespmem:v49+s15+$0x0] =	vst.idx.add.f32.msk $0xffff, v3  }
.Ltmp4:
0x9c: {  	s30 =	simm.s32 $0xD;
	[tilespmem:v62+s15+$0x0] =	vst.idx.add.f32.msk $0xffff, v3;
	v45 =	vadd.s32 v7, v45;
	(pc) =	sbr.rel @!p3 .LBB2_11-.Ltmp4, $4  }
0x9d: {  	s1 =	simm.s32 $0xC;
	[tilespmem:v41+s15+$0x0] =	vst.idx.add.f32.msk $0xffff, v3;
	v41 =	vadd.s32 s30, v6  }
0x9e: {  	s31 =	simm.s32 $0xB;
	[tilespmem:v42+s15+$0x0] =	vst.idx.add.f32.msk $0xffff, v3;
	v42 =	vadd.s32 s1, v6  }
0x9f: {  	s3 =	simm.s32 $0xA;
	[tilespmem:v43+s15+$0x0] =	vst.idx.add.f32.msk $0xffff, v3;
	v43 =	vadd.s32 s31, v6  }
0xa0: {  	p2 =	por $0x1, $0x1;
	s0 =	simm.s32 $0x10;
	v44 =	vadd.s32 s3, v6;
	s1 =	simm.s32 $0x9;
	[tilespmem:v63+s15+$0x0] =	vst.idx.add.f32.msk $0xffff, v3  }
.LBB2_10:
0xa1: {  	p3 =	slt.u32 s0, $0xC0;
	v46 =	vadd.s32 s1, v6;
	[tilespmem:v45+s15+$0x0] =	vst.idx.add.f32.msk $0xffff, v3  }
0xa2: {  	v45 =	vadd.s32 s0, v6;
	v41 =	vld.idx.msk [tilespmem:v41+s20+$0x0], $0xffff  }
0xa3: {  	s1 =	sadd.s32 $0x7, s0;
	v47 =	vadd.s32 v7, v40;
	v42 =	vld.idx.msk [tilespmem:v42+s20+$0x0], $0xffff  }
0xa4: {  	v48 =	vadd.s32 s1, v6;
	v43 =	vld.idx.msk [tilespmem:v43+s20+$0x0], $0xffff  }
0xa5: {  	v49 =	vadd.s32 v7, v38;
	s1 =	sadd.s32 $0x6, s0;
	v44 =	vld.idx.msk [tilespmem:v44+s20+$0x0], $0xffff  }
0xa6: {  	v50 =	vadd.s32 s1, v6;
	v46 =	vld.idx.msk [tilespmem:v46+s20+$0x0], $0xffff  }
0xa7: {  	v51 =	vadd.s32 v7, v39;
	v40 =	vld.idx.msk [tilespmem:v45+s20+$0x0], $0xffff  }
0xa8: {  	[tilespmem:v47+s15+$0x0] =	vst.idx.add.f32.msk $0xffff, v3;
	v47 =	vadd.s32 v7, v41  }
0xa9: {  	v38 =	vld.idx.msk [tilespmem:v48+s20+$0x0], $0xffff;
	v48 =	vadd.s32 v7, v42  }
0xaa: {  	v52 =	vadd.s32 v7, v43;
	[tilespmem:v49+s15+$0x0] =	vst.idx.add.f32.msk $0xffff, v3  }
0xab: {  	v49 =	vadd.s32 v7, v44;
	v39 =	vld.idx.msk [tilespmem:v50+s20+$0x0], $0xffff  }
.Ltmp5:
0xac: {  	s1 =	sadd.s32 $0x5, s0;
	v45 =	vadd.s32 v7, v46;
	[tilespmem:v51+s15+$0x0] =	vst.idx.add.f32.msk $0xffff, v3;
	(pc) =	sbr.rel @p3 .LBB2_10-.Ltmp5, $4  }
0xad: {  	s3 =	sadd.s32 $0x4, s0;
	v41 =	vadd.s32 s1, v6;
	[tilespmem:v47+s15+$0x0] =	vst.idx.add.f32.msk $0xffff, v3  }
0xae: {  	s1 =	sadd.s32 $0x3, s0;
	v42 =	vadd.s32 s3, v6;
	[tilespmem:v48+s15+$0x0] =	vst.idx.add.f32.msk $0xffff, v3  }
0xaf: {  	s3 =	sadd.s32 $0x2, s0;
	v43 =	vadd.s32 s1, v6;
	[tilespmem:v52+s15+$0x0] =	vst.idx.add.f32.msk $0xffff, v3  }
0xb0: {  	s1 =	sadd.s32 $0x1, s0;
	s0 =	sadd.s32 $0x8, s0;
	v44 =	vadd.s32 s3, v6;
	[tilespmem:v49+s15+$0x0] =	vst.idx.add.f32.msk $0xffff, v3  }
.LBB2_11:
0xb1: {  	_ =	sdelay $0x2  }
0xb2: {  	v46 =	vadd.s32 s1, v6  }
0xb3: {  	v41 =	vld.idx.msk [tilespmem:v41+s20+$0x0], $0xffff  }
0xb4: {  	v42 =	vld.idx.msk [tilespmem:v42+s20+$0x0], $0xffff  }
0xb5: {  	v40 =	vadd.s32 v7, v40;
	v43 =	vld.idx.msk [tilespmem:v43+s20+$0x0], $0xffff  }
0xb6: {  	v44 =	vld.idx.msk [tilespmem:v44+s20+$0x0], $0xffff;
	v38 =	vadd.s32 v7, v38  }
0xb7: {  	v39 =	vadd.s32 v7, v39;
	v46 =	vld.idx.msk [tilespmem:v46+s20+$0x0], $0xffff  }
0xb8: {  	v41 =	vadd.s32 v7, v41  }
0xb9: {  	[tilespmem:v45+s15+$0x0] =	vst.idx.add.f32.msk @p2 $0xffff, v3;
	v42 =	vadd.s32 v7, v42  }
0xba: {  	[tilespmem:v40+s15+$0x0] =	vst.idx.add.f32.msk $0xffff, v3;
	v58 =	vadd.s32 v7, v43  }
0xbb: {  	[tilespmem:v38+s15+$0x0] =	vst.idx.add.f32.msk $0xffff, v3;
	v59 =	vadd.s32 v7, v44  }
0xbc: {  	[tilespmem:v39+s15+$0x0] =	vst.idx.add.f32.msk $0xffff, v3;
	v60 =	vadd.s32 v7, v46  }
0xbd: {  	v61 =	vadd.s32 s20, v8;
	[tilespmem:v41+s15+$0x0] =	vst.idx.add.f32.msk $0xffff, v3  }
0xbe: {  	v62 =	vadd.s32 s21, v8;
	[tilespmem:v42+s15+$0x0] =	vst.idx.add.f32.msk $0xffff, v3  }
0xbf: {  	v63 =	vadd.s32 s22, v8;
	[tilespmem:v58+s15+$0x0] =	vst.idx.add.f32.msk $0xffff, v3  }
.Ltmp6:
0xc0: {  	[tilespmem:v59+s15+$0x0] =	vst.idx.add.f32.msk $0xffff, v3;
	(pc) =	sbr.rel @!p1 .LBB2_12-.Ltmp6, $4  }
0xc1: {  	[tilespmem:v60+s15+$0x0] =	vst.idx.add.f32.msk $0xffff, v3  }
0xc2: {  	v40 =	vld.idx.msk [tilespmem:v61+s2+$0x0], $0xffff  }
0xc3: {  	v43 =	vadd.s32 s25, v8;
	v38 =	vld.idx.msk [tilespmem:v62+s2+$0x0], $0xffff  }
0xc4: {  	v44 =	vadd.s32 s26, v8;
	v41 =	vadd.s32 s23, v8;
	v42 =	vadd.s32 s24, v8;
	v39 =	vld.idx.msk [tilespmem:v63+s2+$0x0], $0xffff  }
0xc5: {  	_ =	sdelay $0x2  }
0xc6: {  	v45 =	vadd.s32 s19, v8  }
0xc7: {  	v46 =	vadd.s32 s28, v8;
	v41 =	vld.idx.msk [tilespmem:v41+s2+$0x0], $0xffff;
	s0 =	simm.s32 $0xF  }
0xc8: {  	v42 =	vld.idx.msk [tilespmem:v42+s2+$0x0], $0xffff;
	s28 =	simm.s32 $0xE;
	v48 =	vadd.s32 s0, v8  }
0xc9: {  	v43 =	vld.idx.msk [tilespmem:v43+s2+$0x0], $0xffff;
	v50 =	vadd.s32 s28, v8  }
0xca: {  	v44 =	vld.idx.msk [tilespmem:v44+s2+$0x0], $0xffff;
	v47 =	vadd.s32 v9, v40  }
0xcb: {  	v49 =	vadd.s32 v9, v38;
	v45 =	vld.idx.msk [tilespmem:v45+s2+$0x0], $0xffff  }
0xcc: {  	v62 =	vadd.s32 v9, v39;
	v40 =	vld.idx.msk [tilespmem:v46+s2+$0x0], $0xffff  }
0xcd: {  	v41 =	vadd.s32 v9, v41;
	v38 =	vld.idx.msk [tilespmem:v48+s2+$0x0], $0xffff  }
0xce: {  	v42 =	vadd.s32 v9, v42;
	v39 =	vld.idx.msk [tilespmem:v50+s2+$0x0], $0xffff  }
0xcf: {  	v43 =	vadd.s32 v9, v43;
	[tilespmem:v47+s15+$0x0] =	vst.idx.add.f32.msk $0xffff, v3  }
0xd0: {  	p1 =	por $0x1, $0x1;
	v63 =	vadd.s32 v9, v44;
	[tilespmem:v49+s15+$0x0] =	vst.idx.add.f32.msk $0xffff, v3  }
.Ltmp7:
0xd1: {  	s29 =	simm.s32 $0xD;
	[tilespmem:v62+s15+$0x0] =	vst.idx.add.f32.msk $0xffff, v3;
	v45 =	vadd.s32 v9, v45;
	(pc) =	sbr.rel @!p1 .LBB2_15-.Ltmp7, $4  }
0xd2: {  	s1 =	simm.s32 $0xC;
	[tilespmem:v41+s15+$0x0] =	vst.idx.add.f32.msk $0xffff, v3;
	v41 =	vadd.s32 s29, v8  }
0xd3: {  	s30 =	simm.s32 $0xB;
	[tilespmem:v42+s15+$0x0] =	vst.idx.add.f32.msk $0xffff, v3;
	v42 =	vadd.s32 s1, v8  }
0xd4: {  	s31 =	simm.s32 $0xA;
	[tilespmem:v43+s15+$0x0] =	vst.idx.add.f32.msk $0xffff, v3;
	v43 =	vadd.s32 s30, v8  }
0xd5: {  	s19 =	simm.s32 $0x9;
	p0 =	por $0x1, $0x1;
	s0 =	simm.s32 $0x10;
	v44 =	vadd.s32 s31, v8;
	[tilespmem:v63+s15+$0x0] =	vst.idx.add.f32.msk $0xffff, v3  }
.LBB2_14:
0xd6: {  	p1 =	slt.u32 s0, $0xC0;
	v46 =	vadd.s32 s19, v8;
	[tilespmem:v45+s15+$0x0] =	vst.idx.add.f32.msk $0xffff, v3  }
0xd7: {  	v45 =	vadd.s32 s0, v8;
	v41 =	vld.idx.msk [tilespmem:v41+s2+$0x0], $0xffff  }
0xd8: {  	s1 =	sadd.s32 $0x7, s0;
	v47 =	vadd.s32 v9, v40;
	v42 =	vld.idx.msk [tilespmem:v42+s2+$0x0], $0xffff  }
0xd9: {  	v48 =	vadd.s32 s1, v8;
	v43 =	vld.idx.msk [tilespmem:v43+s2+$0x0], $0xffff  }
0xda: {  	v49 =	vadd.s32 v9, v38;
	s1 =	sadd.s32 $0x6, s0;
	v44 =	vld.idx.msk [tilespmem:v44+s2+$0x0], $0xffff  }
0xdb: {  	v50 =	vadd.s32 s1, v8;
	v46 =	vld.idx.msk [tilespmem:v46+s2+$0x0], $0xffff  }
0xdc: {  	v51 =	vadd.s32 v9, v39;
	v40 =	vld.idx.msk [tilespmem:v45+s2+$0x0], $0xffff  }
0xdd: {  	[tilespmem:v47+s15+$0x0] =	vst.idx.add.f32.msk $0xffff, v3;
	v47 =	vadd.s32 v9, v41  }
0xde: {  	v38 =	vld.idx.msk [tilespmem:v48+s2+$0x0], $0xffff;
	v48 =	vadd.s32 v9, v42  }
0xdf: {  	v52 =	vadd.s32 v9, v43;
	[tilespmem:v49+s15+$0x0] =	vst.idx.add.f32.msk $0xffff, v3  }
0xe0: {  	v49 =	vadd.s32 v9, v44;
	v39 =	vld.idx.msk [tilespmem:v50+s2+$0x0], $0xffff  }
.Ltmp8:
0xe1: {  	s1 =	sadd.s32 $0x5, s0;
	v45 =	vadd.s32 v9, v46;
	[tilespmem:v51+s15+$0x0] =	vst.idx.add.f32.msk $0xffff, v3;
	(pc) =	sbr.rel @p1 .LBB2_14-.Ltmp8, $4  }
0xe2: {  	s3 =	sadd.s32 $0x4, s0;
	v41 =	vadd.s32 s1, v8;
	[tilespmem:v47+s15+$0x0] =	vst.idx.add.f32.msk $0xffff, v3  }
0xe3: {  	s1 =	sadd.s32 $0x3, s0;
	v42 =	vadd.s32 s3, v8;
	[tilespmem:v48+s15+$0x0] =	vst.idx.add.f32.msk $0xffff, v3  }
0xe4: {  	s3 =	sadd.s32 $0x2, s0;
	v43 =	vadd.s32 s1, v8;
	[tilespmem:v52+s15+$0x0] =	vst.idx.add.f32.msk $0xffff, v3  }
0xe5: {  	s19 =	sadd.s32 $0x1, s0;
	s0 =	sadd.s32 $0x8, s0;
	v44 =	vadd.s32 s3, v8;
	[tilespmem:v49+s15+$0x0] =	vst.idx.add.f32.msk $0xffff, v3  }
.LBB2_15:
0xe6: {  	_ =	sdelay $0x2  }
0xe7: {  	v46 =	vadd.s32 s19, v8  }
0xe8: {  	v41 =	vld.idx.msk [tilespmem:v41+s2+$0x0], $0xffff  }
0xe9: {  	v42 =	vld.idx.msk [tilespmem:v42+s2+$0x0], $0xffff  }
0xea: {  	v40 =	vadd.s32 v9, v40;
	v43 =	vld.idx.msk [tilespmem:v43+s2+$0x0], $0xffff  }
0xeb: {  	v44 =	vld.idx.msk [tilespmem:v44+s2+$0x0], $0xffff;
	v38 =	vadd.s32 v9, v38  }
0xec: {  	v39 =	vadd.s32 v9, v39;
	v46 =	vld.idx.msk [tilespmem:v46+s2+$0x0], $0xffff  }
0xed: {  	v41 =	vadd.s32 v9, v41  }
0xee: {  	[tilespmem:v45+s15+$0x0] =	vst.idx.add.f32.msk @p0 $0xffff, v3;
	v42 =	vadd.s32 v9, v42  }
0xef: {  	[tilespmem:v40+s15+$0x0] =	vst.idx.add.f32.msk $0xffff, v3;
	v50 =	vadd.s32 v9, v43  }
0xf0: {  	[tilespmem:v38+s15+$0x0] =	vst.idx.add.f32.msk $0xffff, v3;
	v51 =	vadd.s32 v9, v44  }
0xf1: {  	[tilespmem:v39+s15+$0x0] =	vst.idx.add.f32.msk $0xffff, v3;
	v52 =	vadd.s32 v9, v46  }
0xf2: {  	[tilespmem:v41+s15+$0x0] =	vst.idx.add.f32.msk $0xffff, v3  }
0xf3: {  	[tilespmem:v42+s15+$0x0] =	vst.idx.add.f32.msk $0xffff, v3  }
0xf4: {  	[tilespmem:v50+s15+$0x0] =	vst.idx.add.f32.msk $0xffff, v3  }
0xf5: {  	s20 =	simm.s32 $0x0;
	[tilespmem:v51+s15+$0x0] =	vst.idx.add.f32.msk $0xffff, v3  }
0xf6: {  	s21 =	simm.s32 $0x7;
	v53 =	vadd.s32 s20, v0;
	[tilespmem:v52+s15+$0x0] =	vst.idx.add.f32.msk $0xffff, v3  }
0xf7: {  	s22 =	simm.s32 $0x6;
	v54 =	vadd.s32 s21, v0;
	_ =	swait.ge [sflag:s16], $0x3200  }
0xf8: {  	s23 =	simm.s32 $0x5;
	s19 =	simm.s32 $0x4;
	v55 =	vadd.s32 s22, v0;
	[sflag:s16] =	ssyncset.done $0x0  }
0xf9: {  	s24 =	simm.s32 $0x3;
	v56 =	vadd.s32 s23, v0;
	s0 =	rddreg [dreg:$0x5];
	[sflag:s16] =	ssyncadd.s32 $0xFFFFCE00  }
0xfa: {  	v57 =	vadd.s32 s19, v0;
	[tilespmem:s20], [sflag:$0x1] =	stream.linear.gather [hbm4b:s0+s20], $0x3200, $0x38;
	[tilespmem:$0xE400] =	vst v63  }
0xfb: {  	s25 =	simm.s32 $0x2;
	v58 =	vadd.s32 s24, v0;
	v38 =	vld.idx.msk [tilespmem:v53+s14+$0x0], $0xffff  }
0xfc: {  	s26 =	simm.s32 $0x1;
	v59 =	vadd.s32 s25, v0;
	v39 =	vld.idx.msk [tilespmem:v54+s14+$0x0], $0xffff  }
0xfd: {  	s28 =	simm.s32 $0x8;
	v60 =	vadd.s32 s26, v0;
	v40 =	vld.idx.msk [tilespmem:v55+s14+$0x0], $0xffff  }
0xfe: {  	s30 =	simm.s32 $0xE;
	v61 =	vadd.s32 s28, v0;
	v41 =	vld.idx.msk [tilespmem:v56+s14+$0x0], $0xffff  }
0xff: {  	v49 =	vadd.s32 s30, v0;
	v42 =	vld.idx.msk [tilespmem:v57+s14+$0x0], $0xffff  }
0x100: {  	s29 =	simm.s32 $0xF;
	v43 =	vld.idx.msk [tilespmem:v58+s14+$0x0], $0xffff;
	v38 =	vadd.s32 v10, v38  }
0x101: {  	v47 =	vadd.s32 s29, v0;
	v44 =	vld.idx.msk [tilespmem:v59+s14+$0x0], $0xffff  }
0x102: {  	v45 =	vld.idx.msk [tilespmem:v60+s14+$0x0], $0xffff;
	v48 =	vadd.s32 v10, v39  }
0x103: {  	v39 =	vld.idx.msk [tilespmem:v61+s14+$0x0], $0xffff;
	v41 =	vadd.s32 v10, v41  }
0x104: {  	v62 =	vadd.s32 v10, v40;
	v42 =	vadd.s32 v10, v42;
	v40 =	vld.idx.msk [tilespmem:v49+s14+$0x0], $0xffff  }
0x105: {  	v43 =	vadd.s32 v10, v43;
	[tilespmem:v38+s15+$0x0] =	vst.idx.add.f32.msk $0xffff, v3  }
0x106: {  	v38 =	vld.idx.msk [tilespmem:v47+s14+$0x0], $0xffff  }
0x107: {  	v63 =	vadd.s32 v10, v44;
	[tilespmem:v48+s15+$0x0] =	vst.idx.add.f32.msk $0xffff, v3  }
0x108: {  	s31 =	simm.s32 $0xD;
	[tilespmem:v41+s15+$0x0] =	vst.idx.add.f32.msk $0xffff, v3;
	v41 =	vadd.s32 v10, v45  }
0x109: {  	s1 =	simm.s32 $0xC;
	[tilespmem:v42+s15+$0x0] =	vst.idx.add.f32.msk $0xffff, v3;
	v42 =	vadd.s32 s31, v0  }
0x10a: {  	s3 =	simm.s32 $0xB;
	[tilespmem:v43+s15+$0x0] =	vst.idx.add.f32.msk $0xffff, v3;
	v43 =	vadd.s32 s1, v0  }
0x10b: {  	s0 =	simm.s32 $0xA;
	v44 =	vadd.s32 s3, v0;
	[tilespmem:v62+s15+$0x0] =	vst.idx.add.f32.msk $0xffff, v3  }
0x10c: {  	s5 =	simm.s32 $0x9;
	s4 =	simm.s32 $0x10;
	v45 =	vadd.s32 s0, v0;
	[tilespmem:v63+s15+$0x0] =	vst.idx.add.f32.msk $0xffff, v3  }
.LBB2_16:
0x10d: {  	p0 =	slt.u32 s4, $0xC0;
	v46 =	vadd.s32 s5, v0;
	[tilespmem:v41+s15+$0x0] =	vst.idx.add.f32.msk $0xffff, v3  }
0x10e: {  	v41 =	vadd.s32 s4, v0;
	v42 =	vld.idx.msk [tilespmem:v42+s14+$0x0], $0xffff  }
0x10f: {  	s5 =	sadd.s32 $0x7, s4;
	v47 =	vadd.s32 v10, v39;
	v43 =	vld.idx.msk [tilespmem:v43+s14+$0x0], $0xffff  }
0x110: {  	v48 =	vadd.s32 s5, v0;
	v44 =	vld.idx.msk [tilespmem:v44+s14+$0x0], $0xffff  }
0x111: {  	v49 =	vadd.s32 v10, v38;
	s5 =	sadd.s32 $0x6, s4;
	v45 =	vld.idx.msk [tilespmem:v45+s14+$0x0], $0xffff  }
0x112: {  	v50 =	vadd.s32 s5, v0;
	v46 =	vld.idx.msk [tilespmem:v46+s14+$0x0], $0xffff  }
0x113: {  	v51 =	vadd.s32 v10, v40;
	v39 =	vld.idx.msk [tilespmem:v41+s14+$0x0], $0xffff  }
0x114: {  	[tilespmem:v47+s15+$0x0] =	vst.idx.add.f32.msk $0xffff, v3;
	v47 =	vadd.s32 v10, v42  }
0x115: {  	v38 =	vld.idx.msk [tilespmem:v48+s14+$0x0], $0xffff;
	v48 =	vadd.s32 v10, v43  }
0x116: {  	v52 =	vadd.s32 v10, v44;
	[tilespmem:v49+s15+$0x0] =	vst.idx.add.f32.msk $0xffff, v3  }
0x117: {  	v49 =	vadd.s32 v10, v45;
	v40 =	vld.idx.msk [tilespmem:v50+s14+$0x0], $0xffff  }
.Ltmp9:
0x118: {  	s5 =	sadd.s32 $0x5, s4;
	v41 =	vadd.s32 v10, v46;
	[tilespmem:v51+s15+$0x0] =	vst.idx.add.f32.msk $0xffff, v3;
	(pc) =	sbr.rel @p0 .LBB2_16-.Ltmp9, $4  }
0x119: {  	s6 =	sadd.s32 $0x4, s4;
	v42 =	vadd.s32 s5, v0;
	[tilespmem:v47+s15+$0x0] =	vst.idx.add.f32.msk $0xffff, v3  }
0x11a: {  	s5 =	sadd.s32 $0x3, s4;
	v43 =	vadd.s32 s6, v0;
	[tilespmem:v48+s15+$0x0] =	vst.idx.add.f32.msk $0xffff, v3  }
0x11b: {  	s6 =	sadd.s32 $0x2, s4;
	v44 =	vadd.s32 s5, v0;
	[tilespmem:v52+s15+$0x0] =	vst.idx.add.f32.msk $0xffff, v3  }
0x11c: {  	s5 =	sadd.s32 $0x1, s4;
	s4 =	sadd.s32 $0x8, s4;
	v45 =	vadd.s32 s6, v0;
	[tilespmem:v49+s15+$0x0] =	vst.idx.add.f32.msk $0xffff, v3  }
0x11d: {  	_ =	sdelay $0x2  }
0x11e: {  	v46 =	vadd.s32 s5, v0  }
0x11f: {  	v42 =	vld.idx.msk [tilespmem:v42+s14+$0x0], $0xffff  }
0x120: {  	v43 =	vld.idx.msk [tilespmem:v43+s14+$0x0], $0xffff  }
0x121: {  	v39 =	vadd.s32 v10, v39;
	v44 =	vld.idx.msk [tilespmem:v44+s14+$0x0], $0xffff  }
0x122: {  	v45 =	vld.idx.msk [tilespmem:v45+s14+$0x0], $0xffff;
	v38 =	vadd.s32 v10, v38  }
0x123: {  	v40 =	vadd.s32 v10, v40;
	v46 =	vld.idx.msk [tilespmem:v46+s14+$0x0], $0xffff  }
0x124: {  	v42 =	vadd.s32 v10, v42  }
0x125: {  	[tilespmem:v41+s15+$0x0] =	vst.idx.add.f32.msk $0xffff, v3;
	v49 =	vadd.s32 v10, v43  }
0x126: {  	[tilespmem:v39+s15+$0x0] =	vst.idx.add.f32.msk $0xffff, v3;
	v50 =	vadd.s32 v10, v44  }
0x127: {  	[tilespmem:v38+s15+$0x0] =	vst.idx.add.f32.msk $0xffff, v3;
	v51 =	vadd.s32 v10, v45  }
0x128: {  	[tilespmem:v40+s15+$0x0] =	vst.idx.add.f32.msk $0xffff, v3;
	v52 =	vadd.s32 v10, v46  }
0x129: {  	v53 =	vadd.s32 s20, v4;
	[tilespmem:v42+s15+$0x0] =	vst.idx.add.f32.msk $0xffff, v3  }
0x12a: {  	v54 =	vadd.s32 s21, v4;
	[tilespmem:v49+s15+$0x0] =	vst.idx.add.f32.msk $0xffff, v3  }
0x12b: {  	v55 =	vadd.s32 s22, v4;
	[tilespmem:v50+s15+$0x0] =	vst.idx.add.f32.msk $0xffff, v3  }
0x12c: {  	v56 =	vadd.s32 s23, v4;
	[tilespmem:v51+s15+$0x0] =	vst.idx.add.f32.msk $0xffff, v3  }
0x12d: {  	v57 =	vadd.s32 s19, v4;
	[tilespmem:v52+s15+$0x0] =	vst.idx.add.f32.msk $0xffff, v3  }
0x12e: {  	v58 =	vadd.s32 s24, v4;
	v40 =	vld.idx.msk [tilespmem:v53+s14+$0x0], $0xffff  }
0x12f: {  	v59 =	vadd.s32 s25, v4;
	v39 =	vld.idx.msk [tilespmem:v54+s14+$0x0], $0xffff  }
0x130: {  	v60 =	vadd.s32 s26, v4;
	v38 =	vld.idx.msk [tilespmem:v55+s14+$0x0], $0xffff  }
0x131: {  	v61 =	vadd.s32 s28, v4;
	v41 =	vld.idx.msk [tilespmem:v56+s14+$0x0], $0xffff  }
0x132: {  	v47 =	vadd.s32 s29, v4;
	v42 =	vld.idx.msk [tilespmem:v57+s14+$0x0], $0xffff  }
0x133: {  	v43 =	vld.idx.msk [tilespmem:v58+s14+$0x0], $0xffff;
	v40 =	vadd.s32 v11, v40  }
0x134: {  	v44 =	vld.idx.msk [tilespmem:v59+s14+$0x0], $0xffff;
	v48 =	vadd.s32 v11, v39  }
0x135: {  	v49 =	vadd.s32 s30, v4;
	v45 =	vld.idx.msk [tilespmem:v60+s14+$0x0], $0xffff  }
0x136: {  	v39 =	vld.idx.msk [tilespmem:v61+s14+$0x0], $0xffff;
	v41 =	vadd.s32 v11, v41  }
0x137: {  	v62 =	vadd.s32 v11, v38;
	v38 =	vld.idx.msk [tilespmem:v47+s14+$0x0], $0xffff;
	v42 =	vadd.s32 v11, v42  }
0x138: {  	v43 =	vadd.s32 v11, v43;
	[tilespmem:v40+s15+$0x0] =	vst.idx.add.f32.msk $0xffff, v3  }
0x139: {  	[tilespmem:v48+s15+$0x0] =	vst.idx.add.f32.msk $0xffff, v3  }
0x13a: {  	v63 =	vadd.s32 v11, v44;
	v40 =	vld.idx.msk [tilespmem:v49+s14+$0x0], $0xffff  }
0x13b: {  	[tilespmem:v41+s15+$0x0] =	vst.idx.add.f32.msk $0xffff, v3;
	v41 =	vadd.s32 v11, v45  }
0x13c: {  	[tilespmem:v42+s15+$0x0] =	vst.idx.add.f32.msk $0xffff, v3;
	v42 =	vadd.s32 s31, v4  }
0x13d: {  	[tilespmem:v43+s15+$0x0] =	vst.idx.add.f32.msk $0xffff, v3;
	v43 =	vadd.s32 s1, v4  }
0x13e: {  	v44 =	vadd.s32 s3, v4;
	[tilespmem:v62+s15+$0x0] =	vst.idx.add.f32.msk $0xffff, v3  }
0x13f: {  	s1 =	simm.s32 $0x9;
	v45 =	vadd.s32 s0, v4;
	s0 =	simm.s32 $0x10;
	[tilespmem:v63+s15+$0x0] =	vst.idx.add.f32.msk $0xffff, v3  }
.LBB2_18:
0x140: {  	p0 =	slt.u32 s0, $0xC0;
	v46 =	vadd.s32 s1, v4;
	[tilespmem:v41+s15+$0x0] =	vst.idx.add.f32.msk $0xffff, v3  }
0x141: {  	v41 =	vadd.s32 s0, v4;
	v42 =	vld.idx.msk [tilespmem:v42+s14+$0x0], $0xffff  }
0x142: {  	s1 =	sadd.s32 $0x7, s0;
	v47 =	vadd.s32 v11, v39;
	v43 =	vld.idx.msk [tilespmem:v43+s14+$0x0], $0xffff  }
0x143: {  	v48 =	vadd.s32 s1, v4;
	v44 =	vld.idx.msk [tilespmem:v44+s14+$0x0], $0xffff  }
0x144: {  	v49 =	vadd.s32 v11, v38;
	s1 =	sadd.s32 $0x6, s0;
	v45 =	vld.idx.msk [tilespmem:v45+s14+$0x0], $0xffff  }
0x145: {  	v50 =	vadd.s32 s1, v4;
	v46 =	vld.idx.msk [tilespmem:v46+s14+$0x0], $0xffff  }
0x146: {  	v51 =	vadd.s32 v11, v40;
	v39 =	vld.idx.msk [tilespmem:v41+s14+$0x0], $0xffff  }
0x147: {  	[tilespmem:v47+s15+$0x0] =	vst.idx.add.f32.msk $0xffff, v3;
	v47 =	vadd.s32 v11, v42  }
0x148: {  	v38 =	vld.idx.msk [tilespmem:v48+s14+$0x0], $0xffff;
	v48 =	vadd.s32 v11, v43  }
0x149: {  	v52 =	vadd.s32 v11, v44;
	[tilespmem:v49+s15+$0x0] =	vst.idx.add.f32.msk $0xffff, v3  }
0x14a: {  	v49 =	vadd.s32 v11, v45;
	v40 =	vld.idx.msk [tilespmem:v50+s14+$0x0], $0xffff  }
.Ltmp10:
0x14b: {  	s1 =	sadd.s32 $0x5, s0;
	v41 =	vadd.s32 v11, v46;
	[tilespmem:v51+s15+$0x0] =	vst.idx.add.f32.msk $0xffff, v3;
	(pc) =	sbr.rel @p0 .LBB2_18-.Ltmp10, $4  }
0x14c: {  	s3 =	sadd.s32 $0x4, s0;
	v42 =	vadd.s32 s1, v4;
	[tilespmem:v47+s15+$0x0] =	vst.idx.add.f32.msk $0xffff, v3  }
0x14d: {  	s1 =	sadd.s32 $0x3, s0;
	v43 =	vadd.s32 s3, v4;
	[tilespmem:v48+s15+$0x0] =	vst.idx.add.f32.msk $0xffff, v3  }
0x14e: {  	s3 =	sadd.s32 $0x2, s0;
	v44 =	vadd.s32 s1, v4;
	[tilespmem:v52+s15+$0x0] =	vst.idx.add.f32.msk $0xffff, v3  }
0x14f: {  	s1 =	sadd.s32 $0x1, s0;
	s0 =	sadd.s32 $0x8, s0;
	v45 =	vadd.s32 s3, v4;
	[tilespmem:v49+s15+$0x0] =	vst.idx.add.f32.msk $0xffff, v3  }
0x150: {  	_ =	sdelay $0x2  }
0x151: {  	v46 =	vadd.s32 s1, v4  }
0x152: {  	v42 =	vld.idx.msk [tilespmem:v42+s14+$0x0], $0xffff  }
0x153: {  	v43 =	vld.idx.msk [tilespmem:v43+s14+$0x0], $0xffff  }
0x154: {  	v39 =	vadd.s32 v11, v39;
	v44 =	vld.idx.msk [tilespmem:v44+s14+$0x0], $0xffff  }
0x155: {  	v45 =	vld.idx.msk [tilespmem:v45+s14+$0x0], $0xffff;
	v38 =	vadd.s32 v11, v38  }
0x156: {  	v40 =	vadd.s32 v11, v40;
	v46 =	vld.idx.msk [tilespmem:v46+s14+$0x0], $0xffff  }
0x157: {  	v42 =	vadd.s32 v11, v42  }
0x158: {  	[tilespmem:v41+s15+$0x0] =	vst.idx.add.f32.msk $0xffff, v3;
	v49 =	vadd.s32 v11, v43  }
0x159: {  	[tilespmem:v39+s15+$0x0] =	vst.idx.add.f32.msk $0xffff, v3;
	v50 =	vadd.s32 v11, v44  }
0x15a: {  	[tilespmem:v38+s15+$0x0] =	vst.idx.add.f32.msk $0xffff, v3;
	v51 =	vadd.s32 v11, v45  }
0x15b: {  	s19 =	simm.s32 $0x0;
	[tilespmem:v40+s15+$0x0] =	vst.idx.add.f32.msk $0xffff, v3;
	v52 =	vadd.s32 v11, v46  }
0x15c: {  	s20 =	simm.s32 $0x7;
	v53 =	vadd.s32 s19, v6;
	[tilespmem:v42+s15+$0x0] =	vst.idx.add.f32.msk $0xffff, v3  }
0x15d: {  	s21 =	simm.s32 $0x6;
	v54 =	vadd.s32 s20, v6;
	[tilespmem:v49+s15+$0x0] =	vst.idx.add.f32.msk $0xffff, v3  }
0x15e: {  	s22 =	simm.s32 $0x5;
	v55 =	vadd.s32 s21, v6;
	[tilespmem:v50+s15+$0x0] =	vst.idx.add.f32.msk $0xffff, v3  }
0x15f: {  	s23 =	simm.s32 $0x4;
	v56 =	vadd.s32 s22, v6;
	[tilespmem:v51+s15+$0x0] =	vst.idx.add.f32.msk $0xffff, v3  }
0x160: {  	s24 =	simm.s32 $0x3;
	v57 =	vadd.s32 s23, v6;
	[tilespmem:v52+s15+$0x0] =	vst.idx.add.f32.msk $0xffff, v3  }
0x161: {  	s25 =	simm.s32 $0x2;
	v58 =	vadd.s32 s24, v6;
	v40 =	vld.idx.msk [tilespmem:v53+s14+$0x0], $0xffff  }
0x162: {  	s26 =	simm.s32 $0x1;
	v59 =	vadd.s32 s25, v6;
	v39 =	vld.idx.msk [tilespmem:v54+s14+$0x0], $0xffff  }
0x163: {  	s28 =	simm.s32 $0x8;
	v60 =	vadd.s32 s26, v6;
	v38 =	vld.idx.msk [tilespmem:v55+s14+$0x0], $0xffff  }
0x164: {  	s29 =	simm.s32 $0xF;
	v61 =	vadd.s32 s28, v6;
	v41 =	vld.idx.msk [tilespmem:v56+s14+$0x0], $0xffff  }
0x165: {  	v47 =	vadd.s32 s29, v6;
	v42 =	vld.idx.msk [tilespmem:v57+s14+$0x0], $0xffff  }
0x166: {  	v43 =	vld.idx.msk [tilespmem:v58+s14+$0x0], $0xffff;
	v40 =	vadd.s32 v12, v40  }
0x167: {  	s30 =	simm.s32 $0xE;
	v44 =	vld.idx.msk [tilespmem:v59+s14+$0x0], $0xffff;
	v48 =	vadd.s32 v12, v39  }
0x168: {  	v49 =	vadd.s32 s30, v6;
	v45 =	vld.idx.msk [tilespmem:v60+s14+$0x0], $0xffff  }
0x169: {  	v39 =	vld.idx.msk [tilespmem:v61+s14+$0x0], $0xffff;
	v41 =	vadd.s32 v12, v41  }
0x16a: {  	v62 =	vadd.s32 v12, v38;
	v38 =	vld.idx.msk [tilespmem:v47+s14+$0x0], $0xffff;
	v42 =	vadd.s32 v12, v42  }
0x16b: {  	v43 =	vadd.s32 v12, v43;
	[tilespmem:v40+s15+$0x0] =	vst.idx.add.f32.msk $0xffff, v3  }
0x16c: {  	[tilespmem:v48+s15+$0x0] =	vst.idx.add.f32.msk $0xffff, v3  }
0x16d: {  	v63 =	vadd.s32 v12, v44;
	v40 =	vld.idx.msk [tilespmem:v49+s14+$0x0], $0xffff  }
0x16e: {  	s31 =	simm.s32 $0xD;
	[tilespmem:v41+s15+$0x0] =	vst.idx.add.f32.msk $0xffff, v3;
	v41 =	vadd.s32 v12, v45  }
0x16f: {  	s0 =	simm.s32 $0xC;
	[tilespmem:v42+s15+$0x0] =	vst.idx.add.f32.msk $0xffff, v3;
	v42 =	vadd.s32 s31, v6  }
0x170: {  	s3 =	simm.s32 $0xB;
	[tilespmem:v43+s15+$0x0] =	vst.idx.add.f32.msk $0xffff, v3;
	v43 =	vadd.s32 s0, v6  }
0x171: {  	s1 =	simm.s32 $0xA;
	v44 =	vadd.s32 s3, v6;
	[tilespmem:v62+s15+$0x0] =	vst.idx.add.f32.msk $0xffff, v3  }
0x172: {  	s5 =	simm.s32 $0x9;
	s4 =	simm.s32 $0x10;
	v45 =	vadd.s32 s1, v6;
	[tilespmem:v63+s15+$0x0] =	vst.idx.add.f32.msk $0xffff, v3  }
.LBB2_20:
0x173: {  	p0 =	slt.u32 s4, $0xC0;
	v46 =	vadd.s32 s5, v6;
	[tilespmem:v41+s15+$0x0] =	vst.idx.add.f32.msk $0xffff, v3  }
0x174: {  	v41 =	vadd.s32 s4, v6;
	v42 =	vld.idx.msk [tilespmem:v42+s14+$0x0], $0xffff  }
0x175: {  	s5 =	sadd.s32 $0x7, s4;
	v47 =	vadd.s32 v12, v39;
	v43 =	vld.idx.msk [tilespmem:v43+s14+$0x0], $0xffff  }
0x176: {  	v48 =	vadd.s32 s5, v6;
	v44 =	vld.idx.msk [tilespmem:v44+s14+$0x0], $0xffff  }
0x177: {  	v49 =	vadd.s32 v12, v38;
	s5 =	sadd.s32 $0x6, s4;
	v45 =	vld.idx.msk [tilespmem:v45+s14+$0x0], $0xffff  }
0x178: {  	v50 =	vadd.s32 s5, v6;
	v46 =	vld.idx.msk [tilespmem:v46+s14+$0x0], $0xffff  }
0x179: {  	v51 =	vadd.s32 v12, v40;
	v39 =	vld.idx.msk [tilespmem:v41+s14+$0x0], $0xffff  }
0x17a: {  	[tilespmem:v47+s15+$0x0] =	vst.idx.add.f32.msk $0xffff, v3;
	v47 =	vadd.s32 v12, v42  }
0x17b: {  	v38 =	vld.idx.msk [tilespmem:v48+s14+$0x0], $0xffff;
	v48 =	vadd.s32 v12, v43  }
0x17c: {  	v52 =	vadd.s32 v12, v44;
	[tilespmem:v49+s15+$0x0] =	vst.idx.add.f32.msk $0xffff, v3  }
0x17d: {  	v49 =	vadd.s32 v12, v45;
	v40 =	vld.idx.msk [tilespmem:v50+s14+$0x0], $0xffff  }
.Ltmp11:
0x17e: {  	s5 =	sadd.s32 $0x5, s4;
	v41 =	vadd.s32 v12, v46;
	[tilespmem:v51+s15+$0x0] =	vst.idx.add.f32.msk $0xffff, v3;
	(pc) =	sbr.rel @p0 .LBB2_20-.Ltmp11, $4  }
0x17f: {  	s6 =	sadd.s32 $0x4, s4;
	v42 =	vadd.s32 s5, v6;
	[tilespmem:v47+s15+$0x0] =	vst.idx.add.f32.msk $0xffff, v3  }
0x180: {  	s5 =	sadd.s32 $0x3, s4;
	v43 =	vadd.s32 s6, v6;
	[tilespmem:v48+s15+$0x0] =	vst.idx.add.f32.msk $0xffff, v3  }
0x181: {  	s6 =	sadd.s32 $0x2, s4;
	v44 =	vadd.s32 s5, v6;
	[tilespmem:v52+s15+$0x0] =	vst.idx.add.f32.msk $0xffff, v3  }
0x182: {  	s5 =	sadd.s32 $0x1, s4;
	s4 =	sadd.s32 $0x8, s4;
	v45 =	vadd.s32 s6, v6;
	[tilespmem:v49+s15+$0x0] =	vst.idx.add.f32.msk $0xffff, v3  }
0x183: {  	_ =	sdelay $0x2  }
0x184: {  	v46 =	vadd.s32 s5, v6  }
0x185: {  	v42 =	vld.idx.msk [tilespmem:v42+s14+$0x0], $0xffff  }
0x186: {  	v43 =	vld.idx.msk [tilespmem:v43+s14+$0x0], $0xffff  }
0x187: {  	v39 =	vadd.s32 v12, v39;
	v44 =	vld.idx.msk [tilespmem:v44+s14+$0x0], $0xffff  }
0x188: {  	v45 =	vld.idx.msk [tilespmem:v45+s14+$0x0], $0xffff;
	v38 =	vadd.s32 v12, v38  }
0x189: {  	v40 =	vadd.s32 v12, v40;
	v46 =	vld.idx.msk [tilespmem:v46+s14+$0x0], $0xffff  }
0x18a: {  	v42 =	vadd.s32 v12, v42  }
0x18b: {  	[tilespmem:v41+s15+$0x0] =	vst.idx.add.f32.msk $0xffff, v3;
	v49 =	vadd.s32 v12, v43  }
0x18c: {  	[tilespmem:v39+s15+$0x0] =	vst.idx.add.f32.msk $0xffff, v3;
	v50 =	vadd.s32 v12, v44  }
0x18d: {  	[tilespmem:v38+s15+$0x0] =	vst.idx.add.f32.msk $0xffff, v3;
	v51 =	vadd.s32 v12, v45  }
0x18e: {  	[tilespmem:v40+s15+$0x0] =	vst.idx.add.f32.msk $0xffff, v3;
	v52 =	vadd.s32 v12, v46  }
0x18f: {  	v53 =	vadd.s32 s19, v8;
	[tilespmem:v42+s15+$0x0] =	vst.idx.add.f32.msk $0xffff, v3  }
0x190: {  	v54 =	vadd.s32 s20, v8;
	[tilespmem:v49+s15+$0x0] =	vst.idx.add.f32.msk $0xffff, v3  }
0x191: {  	v55 =	vadd.s32 s21, v8;
	[tilespmem:v50+s15+$0x0] =	vst.idx.add.f32.msk $0xffff, v3  }
0x192: {  	v56 =	vadd.s32 s22, v8;
	[tilespmem:v51+s15+$0x0] =	vst.idx.add.f32.msk $0xffff, v3  }
0x193: {  	v57 =	vadd.s32 s23, v8;
	[tilespmem:v52+s15+$0x0] =	vst.idx.add.f32.msk $0xffff, v3  }
0x194: {  	v58 =	vadd.s32 s24, v8;
	v40 =	vld.idx.msk [tilespmem:v53+s14+$0x0], $0xffff  }
0x195: {  	v59 =	vadd.s32 s25, v8;
	v39 =	vld.idx.msk [tilespmem:v54+s14+$0x0], $0xffff  }
0x196: {  	v60 =	vadd.s32 s26, v8;
	v38 =	vld.idx.msk [tilespmem:v55+s14+$0x0], $0xffff  }
0x197: {  	v61 =	vadd.s32 s28, v8;
	v41 =	vld.idx.msk [tilespmem:v56+s14+$0x0], $0xffff  }
0x198: {  	v47 =	vadd.s32 s29, v8;
	v42 =	vld.idx.msk [tilespmem:v57+s14+$0x0], $0xffff  }
0x199: {  	v43 =	vld.idx.msk [tilespmem:v58+s14+$0x0], $0xffff;
	v40 =	vadd.s32 v13, v40  }
0x19a: {  	v44 =	vld.idx.msk [tilespmem:v59+s14+$0x0], $0xffff;
	v48 =	vadd.s32 v13, v39  }
0x19b: {  	v49 =	vadd.s32 s30, v8;
	v45 =	vld.idx.msk [tilespmem:v60+s14+$0x0], $0xffff  }
0x19c: {  	v39 =	vld.idx.msk [tilespmem:v61+s14+$0x0], $0xffff;
	v41 =	vadd.s32 v13, v41  }
0x19d: {  	v62 =	vadd.s32 v13, v38;
	v38 =	vld.idx.msk [tilespmem:v47+s14+$0x0], $0xffff;
	v42 =	vadd.s32 v13, v42  }
0x19e: {  	v43 =	vadd.s32 v13, v43;
	[tilespmem:v40+s15+$0x0] =	vst.idx.add.f32.msk $0xffff, v3  }
0x19f: {  	[tilespmem:v48+s15+$0x0] =	vst.idx.add.f32.msk $0xffff, v3  }
0x1a0: {  	v63 =	vadd.s32 v13, v44;
	v40 =	vld.idx.msk [tilespmem:v49+s14+$0x0], $0xffff  }
0x1a1: {  	[tilespmem:v41+s15+$0x0] =	vst.idx.add.f32.msk $0xffff, v3;
	v41 =	vadd.s32 v13, v45  }
0x1a2: {  	[tilespmem:v42+s15+$0x0] =	vst.idx.add.f32.msk $0xffff, v3;
	v42 =	vadd.s32 s31, v8  }
0x1a3: {  	[tilespmem:v43+s15+$0x0] =	vst.idx.add.f32.msk $0xffff, v3;
	v43 =	vadd.s32 s0, v8  }
0x1a4: {  	v44 =	vadd.s32 s3, v8;
	[tilespmem:v62+s15+$0x0] =	vst.idx.add.f32.msk $0xffff, v3  }
0x1a5: {  	s3 =	simm.s32 $0x9;
	v45 =	vadd.s32 s1, v8;
	s0 =	simm.s32 $0x10;
	[tilespmem:v63+s15+$0x0] =	vst.idx.add.f32.msk $0xffff, v3  }
.LBB2_22:
0x1a6: {  	p0 =	slt.u32 s0, $0xC0;
	v46 =	vadd.s32 s3, v8;
	[tilespmem:v41+s15+$0x0] =	vst.idx.add.f32.msk $0xffff, v3  }
0x1a7: {  	v41 =	vadd.s32 s0, v8;
	v42 =	vld.idx.msk [tilespmem:v42+s14+$0x0], $0xffff  }
0x1a8: {  	s1 =	sadd.s32 $0x7, s0;
	v47 =	vadd.s32 v13, v39;
	v43 =	vld.idx.msk [tilespmem:v43+s14+$0x0], $0xffff  }
0x1a9: {  	v48 =	vadd.s32 s1, v8;
	v44 =	vld.idx.msk [tilespmem:v44+s14+$0x0], $0xffff  }
0x1aa: {  	v49 =	vadd.s32 v13, v38;
	s1 =	sadd.s32 $0x6, s0;
	v45 =	vld.idx.msk [tilespmem:v45+s14+$0x0], $0xffff  }
0x1ab: {  	v50 =	vadd.s32 s1, v8;
	v46 =	vld.idx.msk [tilespmem:v46+s14+$0x0], $0xffff  }
0x1ac: {  	v51 =	vadd.s32 v13, v40;
	v39 =	vld.idx.msk [tilespmem:v41+s14+$0x0], $0xffff  }
0x1ad: {  	[tilespmem:v47+s15+$0x0] =	vst.idx.add.f32.msk $0xffff, v3;
	v47 =	vadd.s32 v13, v42  }
0x1ae: {  	v38 =	vld.idx.msk [tilespmem:v48+s14+$0x0], $0xffff;
	v48 =	vadd.s32 v13, v43  }
0x1af: {  	v52 =	vadd.s32 v13, v44;
	[tilespmem:v49+s15+$0x0] =	vst.idx.add.f32.msk $0xffff, v3  }
0x1b0: {  	v49 =	vadd.s32 v13, v45;
	v40 =	vld.idx.msk [tilespmem:v50+s14+$0x0], $0xffff  }
.Ltmp12:
0x1b1: {  	s1 =	sadd.s32 $0x5, s0;
	v41 =	vadd.s32 v13, v46;
	[tilespmem:v51+s15+$0x0] =	vst.idx.add.f32.msk $0xffff, v3;
	(pc) =	sbr.rel @p0 .LBB2_22-.Ltmp12, $4  }
0x1b2: {  	s3 =	sadd.s32 $0x4, s0;
	v42 =	vadd.s32 s1, v8;
	[tilespmem:v47+s15+$0x0] =	vst.idx.add.f32.msk $0xffff, v3  }
0x1b3: {  	s1 =	sadd.s32 $0x3, s0;
	v43 =	vadd.s32 s3, v8;
	[tilespmem:v48+s15+$0x0] =	vst.idx.add.f32.msk $0xffff, v3  }
0x1b4: {  	s4 =	sadd.s32 $0x2, s0;
	v44 =	vadd.s32 s1, v8;
	[tilespmem:v52+s15+$0x0] =	vst.idx.add.f32.msk $0xffff, v3  }
0x1b5: {  	s3 =	sadd.s32 $0x1, s0;
	s0 =	sadd.s32 $0x8, s0;
	v45 =	vadd.s32 s4, v8;
	[tilespmem:v49+s15+$0x0] =	vst.idx.add.f32.msk $0xffff, v3  }
0x1b6: {  	_ =	sdelay $0x2  }
0x1b7: {  	v46 =	vadd.s32 s3, v8  }
0x1b8: {  	v42 =	vld.idx.msk [tilespmem:v42+s14+$0x0], $0xffff  }
0x1b9: {  	v43 =	vld.idx.msk [tilespmem:v43+s14+$0x0], $0xffff  }
0x1ba: {  	v39 =	vadd.s32 v13, v39;
	v44 =	vld.idx.msk [tilespmem:v44+s14+$0x0], $0xffff  }
0x1bb: {  	v45 =	vld.idx.msk [tilespmem:v45+s14+$0x0], $0xffff;
	v38 =	vadd.s32 v13, v38  }
0x1bc: {  	v40 =	vadd.s32 v13, v40;
	v46 =	vld.idx.msk [tilespmem:v46+s14+$0x0], $0xffff  }
0x1bd: {  	v42 =	vadd.s32 v13, v42  }
0x1be: {  	[tilespmem:v41+s15+$0x0] =	vst.idx.add.f32.msk $0xffff, v3;
	v48 =	vadd.s32 v13, v43  }
0x1bf: {  	[tilespmem:v39+s15+$0x0] =	vst.idx.add.f32.msk $0xffff, v3;
	v49 =	vadd.s32 v13, v44  }
0x1c0: {  	[tilespmem:v38+s15+$0x0] =	vst.idx.add.f32.msk $0xffff, v3;
	v50 =	vadd.s32 v13, v45  }
0x1c1: {  	[tilespmem:v40+s15+$0x0] =	vst.idx.add.f32.msk $0xffff, v3;
	v51 =	vadd.s32 v13, v46  }
0x1c2: {  	[tilespmem:v42+s15+$0x0] =	vst.idx.add.f32.msk $0xffff, v3  }
0x1c3: {  	[tilespmem:v48+s15+$0x0] =	vst.idx.add.f32.msk $0xffff, v3  }
0x1c4: {  	[tilespmem:v49+s15+$0x0] =	vst.idx.add.f32.msk $0xffff, v3  }
0x1c5: {  	s20 =	simm.s32 $0x0;
	[tilespmem:v50+s15+$0x0] =	vst.idx.add.f32.msk $0xffff, v3  }
0x1c6: {  	s6 =	simm.s32 $0x7;
	v52 =	vadd.s32 s20, v0;
	[tilespmem:v51+s15+$0x0] =	vst.idx.add.f32.msk $0xffff, v3  }
0x1c7: {  	s19 =	simm.s32 $0x6;
	v53 =	vadd.s32 s6, v0;
	_ =	swait.ge [sflag:s13], $0x3200  }
0x1c8: {  	s21 =	simm.s32 $0x5;
	s1 =	simm.s32 $0x4;
	v54 =	vadd.s32 s19, v0;
	[sflag:s13] =	ssyncset.done $0x0  }
0x1c9: {  	s22 =	simm.s32 $0x3;
	v55 =	vadd.s32 s21, v0;
	s0 =	rddreg [dreg:$0x6];
	[sflag:s13] =	ssyncadd.s32 $0xFFFFCE00  }
0x1ca: {  	v56 =	vadd.s32 s1, v0;
	[tilespmem:s14], [sflag:$0x2] =	stream.linear.gather [hbm4b:s0+s20], $0x3200, $0x38;
	[tilespmem:$0xE400] =	vst v63  }
0x1cb: {  	s23 =	simm.s32 $0x2;
	v57 =	vadd.s32 s22, v0;
	v38 =	vld.idx.msk [tilespmem:v52+s20+$0x0], $0xffff  }
0x1cc: {  	s24 =	simm.s32 $0x1;
	v58 =	vadd.s32 s23, v0;
	v39 =	vld.idx.msk [tilespmem:v53+s20+$0x0], $0xffff  }
0x1cd: {  	s19 =	simm.s32 $0x8;
	v59 =	vadd.s32 s24, v0;
	v40 =	vld.idx.msk [tilespmem:v54+s20+$0x0], $0xffff  }
0x1ce: {  	s26 =	simm.s32 $0xE;
	v60 =	vadd.s32 s19, v0;
	v41 =	vld.idx.msk [tilespmem:v55+s20+$0x0], $0xffff  }
0x1cf: {  	v49 =	vadd.s32 s26, v0;
	v42 =	vld.idx.msk [tilespmem:v56+s20+$0x0], $0xffff  }
0x1d0: {  	s25 =	simm.s32 $0xF;
	v43 =	vld.idx.msk [tilespmem:v57+s20+$0x0], $0xffff;
	v38 =	vadd.s32 v14, v38  }
0x1d1: {  	v47 =	vadd.s32 s25, v0;
	v44 =	vld.idx.msk [tilespmem:v58+s20+$0x0], $0xffff  }
0x1d2: {  	v45 =	vld.idx.msk [tilespmem:v59+s20+$0x0], $0xffff;
	v48 =	vadd.s32 v14, v39  }
0x1d3: {  	v39 =	vld.idx.msk [tilespmem:v60+s20+$0x0], $0xffff;
	v41 =	vadd.s32 v14, v41  }
0x1d4: {  	v61 =	vadd.s32 v14, v40;
	v42 =	vadd.s32 v14, v42;
	v40 =	vld.idx.msk [tilespmem:v49+s20+$0x0], $0xffff  }
0x1d5: {  	[tilespmem:v38+s15+$0x0] =	vst.idx.add.f32.msk $0xffff, v3  }
0x1d6: {  	v62 =	vadd.s32 v14, v43;
	v38 =	vld.idx.msk [tilespmem:v47+s20+$0x0], $0xffff  }
0x1d7: {  	v63 =	vadd.s32 v14, v44;
	[tilespmem:v48+s15+$0x0] =	vst.idx.add.f32.msk $0xffff, v3  }
0x1d8: {  	s28 =	simm.s32 $0xD;
	[tilespmem:v41+s15+$0x0] =	vst.idx.add.f32.msk $0xffff, v3;
	v41 =	vadd.s32 v14, v45  }
0x1d9: {  	s29 =	simm.s32 $0xC;
	[tilespmem:v42+s15+$0x0] =	vst.idx.add.f32.msk $0xffff, v3;
	v42 =	vadd.s32 s28, v0  }
0x1da: {  	s30 =	simm.s32 $0xB;
	v43 =	vadd.s32 s29, v0;
	[tilespmem:v61+s15+$0x0] =	vst.idx.add.f32.msk $0xffff, v3  }
0x1db: {  	s31 =	simm.s32 $0xA;
	v44 =	vadd.s32 s30, v0;
	[tilespmem:v62+s15+$0x0] =	vst.idx.add.f32.msk $0xffff, v3  }
0x1dc: {  	s1 =	simm.s32 $0x9;
	s0 =	simm.s32 $0x10;
	v45 =	vadd.s32 s31, v0;
	[tilespmem:v63+s15+$0x0] =	vst.idx.add.f32.msk $0xffff, v3  }
.LBB2_24:
0x1dd: {  	p0 =	slt.u32 s0, $0xC0;
	v46 =	vadd.s32 s1, v0;
	[tilespmem:v41+s15+$0x0] =	vst.idx.add.f32.msk $0xffff, v3  }
0x1de: {  	v41 =	vadd.s32 s0, v0;
	v42 =	vld.idx.msk [tilespmem:v42+s20+$0x0], $0xffff  }
0x1df: {  	s1 =	sadd.s32 $0x7, s0;
	v47 =	vadd.s32 v14, v39;
	v43 =	vld.idx.msk [tilespmem:v43+s20+$0x0], $0xffff  }
0x1e0: {  	v48 =	vadd.s32 s1, v0;
	v44 =	vld.idx.msk [tilespmem:v44+s20+$0x0], $0xffff  }
0x1e1: {  	v49 =	vadd.s32 v14, v38;
	s1 =	sadd.s32 $0x6, s0;
	v45 =	vld.idx.msk [tilespmem:v45+s20+$0x0], $0xffff  }
0x1e2: {  	v50 =	vadd.s32 s1, v0;
	v46 =	vld.idx.msk [tilespmem:v46+s20+$0x0], $0xffff  }
0x1e3: {  	v51 =	vadd.s32 v14, v40;
	v39 =	vld.idx.msk [tilespmem:v41+s20+$0x0], $0xffff  }
0x1e4: {  	[tilespmem:v47+s15+$0x0] =	vst.idx.add.f32.msk $0xffff, v3;
	v47 =	vadd.s32 v14, v42  }
0x1e5: {  	v38 =	vld.idx.msk [tilespmem:v48+s20+$0x0], $0xffff;
	v48 =	vadd.s32 v14, v43  }
0x1e6: {  	v52 =	vadd.s32 v14, v44;
	[tilespmem:v49+s15+$0x0] =	vst.idx.add.f32.msk $0xffff, v3  }
0x1e7: {  	v49 =	vadd.s32 v14, v45;
	v40 =	vld.idx.msk [tilespmem:v50+s20+$0x0], $0xffff  }
.Ltmp13:
0x1e8: {  	s1 =	sadd.s32 $0x5, s0;
	v41 =	vadd.s32 v14, v46;
	[tilespmem:v51+s15+$0x0] =	vst.idx.add.f32.msk $0xffff, v3;
	(pc) =	sbr.rel @p0 .LBB2_24-.Ltmp13, $4  }
0x1e9: {  	s3 =	sadd.s32 $0x4, s0;
	v42 =	vadd.s32 s1, v0;
	[tilespmem:v47+s15+$0x0] =	vst.idx.add.f32.msk $0xffff, v3  }
0x1ea: {  	s1 =	sadd.s32 $0x3, s0;
	v43 =	vadd.s32 s3, v0;
	[tilespmem:v48+s15+$0x0] =	vst.idx.add.f32.msk $0xffff, v3  }
0x1eb: {  	s3 =	sadd.s32 $0x2, s0;
	v44 =	vadd.s32 s1, v0;
	[tilespmem:v52+s15+$0x0] =	vst.idx.add.f32.msk $0xffff, v3  }
0x1ec: {  	s1 =	sadd.s32 $0x1, s0;
	s0 =	sadd.s32 $0x8, s0;
	v45 =	vadd.s32 s3, v0;
	[tilespmem:v49+s15+$0x0] =	vst.idx.add.f32.msk $0xffff, v3  }
0x1ed: {  	_ =	sdelay $0x2  }
0x1ee: {  	v46 =	vadd.s32 s1, v0  }
0x1ef: {  	v42 =	vld.idx.msk [tilespmem:v42+s20+$0x0], $0xffff  }
0x1f0: {  	v43 =	vld.idx.msk [tilespmem:v43+s20+$0x0], $0xffff  }
0x1f1: {  	v39 =	vadd.s32 v14, v39;
	v44 =	vld.idx.msk [tilespmem:v44+s20+$0x0], $0xffff  }
0x1f2: {  	v45 =	vld.idx.msk [tilespmem:v45+s20+$0x0], $0xffff;
	v38 =	vadd.s32 v14, v38  }
0x1f3: {  	v40 =	vadd.s32 v14, v40;
	v46 =	vld.idx.msk [tilespmem:v46+s20+$0x0], $0xffff  }
0x1f4: {  	v42 =	vadd.s32 v14, v42  }
0x1f5: {  	[tilespmem:v41+s15+$0x0] =	vst.idx.add.f32.msk $0xffff, v3;
	v52 =	vadd.s32 v14, v43  }
0x1f6: {  	[tilespmem:v39+s15+$0x0] =	vst.idx.add.f32.msk $0xffff, v3;
	v53 =	vadd.s32 v14, v44  }
0x1f7: {  	[tilespmem:v38+s15+$0x0] =	vst.idx.add.f32.msk $0xffff, v3;
	v54 =	vadd.s32 v14, v45  }
0x1f8: {  	s0 =	simm.s32 $0x7;
	[tilespmem:v40+s15+$0x0] =	vst.idx.add.f32.msk $0xffff, v3;
	v55 =	vadd.s32 v14, v46  }
0x1f9: {  	s25 =	simm.s32 $0x1;
	v56 =	vadd.s32 s0, v4;
	[tilespmem:v42+s15+$0x0] =	vst.idx.add.f32.msk $0xffff, v3  }
0x1fa: {  	s26 =	simm.s32 $0x2;
	v57 =	vadd.s32 s25, v4;
	[tilespmem:v52+s15+$0x0] =	vst.idx.add.f32.msk $0xffff, v3  }
0x1fb: {  	s28 =	simm.s32 $0x3;
	v58 =	vadd.s32 s26, v4;
	[tilespmem:v53+s15+$0x0] =	vst.idx.add.f32.msk $0xffff, v3  }
0x1fc: {  	s29 =	simm.s32 $0x4;
	v59 =	vadd.s32 s28, v4;
	[tilespmem:v54+s15+$0x0] =	vst.idx.add.f32.msk $0xffff, v3  }
0x1fd: {  	s30 =	simm.s32 $0x5;
	s0 =	simm.s32 $0x0;
	v60 =	vadd.s32 s29, v4;
	[tilespmem:v55+s15+$0x0] =	vst.idx.add.f32.msk $0xffff, v3  }
0x1fe: {  	s31 =	simm.s32 $0x6;
	v61 =	vadd.s32 s30, v4;
	v43 =	vld.idx.msk [tilespmem:v56+s0+$0x0], $0xffff  }
0x1ff: {  	v63 =	vadd.s32 s31, v4;
	v41 =	vld.idx.msk [tilespmem:v57+s0+$0x0], $0xffff  }
0x200: {  	v48 =	vadd.s32 s20, v4;
	v62 =	vld.idx.msk [tilespmem:v58+s0+$0x0], $0xffff  }
0x201: {  	v47 =	vld.idx.msk [tilespmem:v59+s0+$0x0], $0xffff  }
0x202: {  	v42 =	vld.idx.msk [tilespmem:v60+s0+$0x0], $0xffff  }
0x203: {  	v40 =	vld.idx.msk [tilespmem:v61+s0+$0x0], $0xffff;
	v45 =	vadd.s32 v15, v43  }
0x204: {  	v38 =	vld.idx.msk [tilespmem:v63+s0+$0x0], $0xffff;
	v44 =	vadd.s32 v15, v41  }
0x205: {  	v39 =	vld.idx.msk [tilespmem:v48+s0+$0x0], $0xffff;
	v43 =	vadd.s32 v15, v62  }
0x206: {  	v41 =	vadd.s32 v15, v47  }
0x207: {  	s3 =	simm.s32 $0xF;
	s1 =	simm.s32 $0x10;
	v42 =	vadd.s32 v15, v42  }
.LBB2_26:
0x208: {  	p0 =	slt.u32 s1, $0xC0;
	s4 =	sadd.s32 $0x1, s19;
	v46 =	vadd.s32 s3, v4;
	v47 =	vadd.s32 v15, v40;
	[tilespmem:v45+s15+$0x0] =	vst.idx.add.f32.msk $0xffff, v3  }
0x209: {  	s3 =	sadd.s32 $0x2, s19;
	v48 =	vadd.s32 v15, v38;
	v40 =	vadd.s32 s4, v4;
	[tilespmem:v44+s15+$0x0] =	vst.idx.add.f32.msk $0xffff, v3  }
0x20a: {  	v38 =	vadd.s32 s3, v4;
	s3 =	sadd.s32 $0x3, s19;
	v49 =	vadd.s32 v15, v39;
	[tilespmem:v43+s15+$0x0] =	vst.idx.add.f32.msk $0xffff, v3  }
0x20b: {  	v39 =	vadd.s32 s3, v4;
	s3 =	sadd.s32 $0x4, s19;
	[tilespmem:v41+s15+$0x0] =	vst.idx.add.f32.msk $0xffff, v3  }
0x20c: {  	v41 =	vadd.s32 s3, v4;
	s3 =	sadd.s32 $0x5, s19;
	[tilespmem:v42+s15+$0x0] =	vst.idx.add.f32.msk $0xffff, v3  }
0x20d: {  	v42 =	vadd.s32 s3, v4;
	s3 =	sadd.s32 $0x6, s19;
	v43 =	vld.idx.msk [tilespmem:v46+s0+$0x0], $0xffff  }
0x20e: {  	v45 =	vadd.s32 s3, v4;
	v44 =	vld.idx.msk [tilespmem:v40+s0+$0x0], $0xffff  }
0x20f: {  	v46 =	vadd.s32 s19, v4;
	s19 =	smov.u32 s1;
	v50 =	vld.idx.msk [tilespmem:v38+s0+$0x0], $0xffff  }
0x210: {  	v51 =	vld.idx.msk [tilespmem:v39+s0+$0x0], $0xffff  }
0x211: {  	v52 =	vld.idx.msk [tilespmem:v41+s0+$0x0], $0xffff  }
0x212: {  	v40 =	vld.idx.msk [tilespmem:v42+s0+$0x0], $0xffff  }
.Ltmp14:
0x213: {  	v38 =	vld.idx.msk [tilespmem:v45+s0+$0x0], $0xffff;
	v45 =	vadd.s32 v15, v43;
	(pc) =	sbr.rel @p0 .LBB2_26-.Ltmp14, $4  }
0x214: {  	v44 =	vadd.s32 v15, v44;
	v39 =	vld.idx.msk [tilespmem:v46+s0+$0x0], $0xffff  }
0x215: {  	v43 =	vadd.s32 v15, v50;
	[tilespmem:v47+s15+$0x0] =	vst.idx.add.f32.msk $0xffff, v3  }
0x216: {  	v41 =	vadd.s32 v15, v51;
	[tilespmem:v48+s15+$0x0] =	vst.idx.add.f32.msk $0xffff, v3  }
0x217: {  	s1 =	sadd.s32 $0x8, s1;
	s3 =	sadd.s32 $0x7, s19;
	v42 =	vadd.s32 v15, v52;
	[tilespmem:v49+s15+$0x0] =	vst.idx.add.f32.msk $0xffff, v3  }
0x218: {  	_ =	sdelay $0x3  }
0x219: {  	v46 =	vadd.s32 s3, v4;
	[tilespmem:v45+s15+$0x0] =	vst.idx.add.f32.msk $0xffff, v3  }
0x21a: {  	[tilespmem:v44+s15+$0x0] =	vst.idx.add.f32.msk $0xffff, v3;
	v48 =	vadd.s32 s19, v4  }
0x21b: {  	s0 =	sadd.s32 $0x1, s19;
	[tilespmem:v43+s15+$0x0] =	vst.idx.add.f32.msk $0xffff, v3;
	v40 =	vadd.s32 v15, v40  }
0x21c: {  	s25 =	sadd.s32 $0x2, s19;
	[tilespmem:v41+s15+$0x0] =	vst.idx.add.f32.msk $0xffff, v3;
	v51 =	vadd.s32 s0, v4  }
0x21d: {  	s26 =	sadd.s32 $0x3, s19;
	s20 =	simm.s32 $0x0;
	[tilespmem:v42+s15+$0x0] =	vst.idx.add.f32.msk $0xffff, v3;
	v52 =	vadd.s32 s25, v4  }
0x21e: {  	s29 =	sadd.s32 $0x4, s19;
	v53 =	vadd.s32 s26, v4;
	v46 =	vld.idx.msk [tilespmem:v46+s20+$0x0], $0xffff  }
0x21f: {  	s30 =	sadd.s32 $0x5, s19;
	v54 =	vadd.s32 s29, v4;
	v48 =	vld.idx.msk [tilespmem:v48+s20+$0x0], $0xffff  }
0x220: {  	s31 =	sadd.s32 $0x6, s19;
	v55 =	vadd.s32 s30, v4;
	[tilespmem:v40+s15+$0x0] =	vst.idx.add.f32.msk $0xffff, v3  }
0x221: {  	v47 =	vadd.s32 s31, v4;
	v45 =	vld.idx.msk [tilespmem:v51+s20+$0x0], $0xffff  }
0x222: {  	v38 =	vadd.s32 v15, v38;
	v44 =	vld.idx.msk [tilespmem:v52+s20+$0x0], $0xffff  }
0x223: {  	v39 =	vadd.s32 v15, v39;
	v43 =	vld.idx.msk [tilespmem:v53+s20+$0x0], $0xffff  }
0x224: {  	v41 =	vld.idx.msk [tilespmem:v54+s20+$0x0], $0xffff;
	v46 =	vadd.s32 v15, v46  }
0x225: {  	v42 =	vld.idx.msk [tilespmem:v55+s20+$0x0], $0xffff;
	v60 =	vadd.s32 v15, v48  }
0x226: {  	v47 =	vld.idx.msk [tilespmem:v47+s20+$0x0], $0xffff;
	v45 =	vadd.s32 v15, v45  }
0x227: {  	[tilespmem:v38+s15+$0x0] =	vst.idx.add.f32.msk $0xffff, v3;
	v44 =	vadd.s32 v15, v44  }
0x228: {  	[tilespmem:v39+s15+$0x0] =	vst.idx.add.f32.msk $0xffff, v3;
	v56 =	vadd.s32 v15, v43  }
0x229: {  	v57 =	vadd.s32 v15, v41;
	[tilespmem:v46+s15+$0x0] =	vst.idx.add.f32.msk $0xffff, v3  }
0x22a: {  	v58 =	vadd.s32 v15, v42;
	[tilespmem:v60+s15+$0x0] =	vst.idx.add.f32.msk $0xffff, v3  }
0x22b: {  	v59 =	vadd.s32 v15, v47;
	[tilespmem:v45+s15+$0x0] =	vst.idx.add.f32.msk $0xffff, v3  }
0x22c: {  	s21 =	simm.s32 $0x7;
	v61 =	vadd.s32 s20, v6;
	[tilespmem:v44+s15+$0x0] =	vst.idx.add.f32.msk $0xffff, v3  }
0x22d: {  	s22 =	simm.s32 $0x6;
	v62 =	vadd.s32 s21, v6;
	[tilespmem:v56+s15+$0x0] =	vst.idx.add.f32.msk $0xffff, v3  }
0x22e: {  	p1 =	por $0x1, $0x1;
	v63 =	vadd.s32 s22, v6;
	[tilespmem:v57+s15+$0x0] =	vst.idx.add.f32.msk $0xffff, v3  }
.Ltmp15:
0x22f: {  	[tilespmem:v58+s15+$0x0] =	vst.idx.add.f32.msk $0xffff, v3;
	(pc) =	sbr.rel @!p1 .LBB2_28-.Ltmp15, $4  }
0x230: {  	[tilespmem:v59+s15+$0x0] =	vst.idx.add.f32.msk $0xffff, v3  }
0x231: {  	s23 =	simm.s32 $0x5;
	v40 =	vld.idx.msk [tilespmem:v61+s20+$0x0], $0xffff  }
0x232: {  	s24 =	simm.s32 $0x4;
	s25 =	simm.s32 $0x3;
	s26 =	simm.s32 $0x2;
	v41 =	vadd.s32 s23, v6;
	v38 =	vld.idx.msk [tilespmem:v62+s20+$0x0], $0xffff  }
0x233: {  	s19 =	simm.s32 $0x1;
	s28 =	simm.s32 $0x8;
	p0 =	por $0x0, $0x0;
	v42 =	vadd.s32 s24, v6;
	v43 =	vadd.s32 s25, v6;
	v44 =	vadd.s32 s26, v6;
	v39 =	vld.idx.msk [tilespmem:v63+s20+$0x0], $0xffff  }
0x234: {  	_ =	sdelay $0x2  }
0x235: {  	v45 =	vadd.s32 s19, v6  }
0x236: {  	v46 =	vadd.s32 s28, v6;
	v41 =	vld.idx.msk [tilespmem:v41+s20+$0x0], $0xffff;
	s0 =	simm.s32 $0xF  }
0x237: {  	v42 =	vld.idx.msk [tilespmem:v42+s20+$0x0], $0xffff;
	s29 =	simm.s32 $0xE;
	v48 =	vadd.s32 s0, v6  }
0x238: {  	v43 =	vld.idx.msk [tilespmem:v43+s20+$0x0], $0xffff;
	v50 =	vadd.s32 s29, v6  }
0x239: {  	v44 =	vld.idx.msk [tilespmem:v44+s20+$0x0], $0xffff;
	v47 =	vadd.s32 v16, v40  }
0x23a: {  	v49 =	vadd.s32 v16, v38;
	v45 =	vld.idx.msk [tilespmem:v45+s20+$0x0], $0xffff  }
0x23b: {  	v62 =	vadd.s32 v16, v39;
	v40 =	vld.idx.msk [tilespmem:v46+s20+$0x0], $0xffff  }
0x23c: {  	v41 =	vadd.s32 v16, v41;
	v38 =	vld.idx.msk [tilespmem:v48+s20+$0x0], $0xffff  }
0x23d: {  	v42 =	vadd.s32 v16, v42;
	v39 =	vld.idx.msk [tilespmem:v50+s20+$0x0], $0xffff  }
0x23e: {  	v43 =	vadd.s32 v16, v43;
	[tilespmem:v47+s15+$0x0] =	vst.idx.add.f32.msk $0xffff, v3  }
0x23f: {  	p3 =	por $0x1, $0x1;
	v63 =	vadd.s32 v16, v44;
	[tilespmem:v49+s15+$0x0] =	vst.idx.add.f32.msk $0xffff, v3  }
.Ltmp16:
0x240: {  	s30 =	simm.s32 $0xD;
	[tilespmem:v62+s15+$0x0] =	vst.idx.add.f32.msk $0xffff, v3;
	v45 =	vadd.s32 v16, v45;
	(pc) =	sbr.rel @!p3 .LBB2_31-.Ltmp16, $4  }
0x241: {  	s1 =	simm.s32 $0xC;
	[tilespmem:v41+s15+$0x0] =	vst.idx.add.f32.msk $0xffff, v3;
	v41 =	vadd.s32 s30, v6  }
0x242: {  	s31 =	simm.s32 $0xB;
	[tilespmem:v42+s15+$0x0] =	vst.idx.add.f32.msk $0xffff, v3;
	v42 =	vadd.s32 s1, v6  }
0x243: {  	s3 =	simm.s32 $0xA;
	[tilespmem:v43+s15+$0x0] =	vst.idx.add.f32.msk $0xffff, v3;
	v43 =	vadd.s32 s31, v6  }
0x244: {  	p2 =	por $0x1, $0x1;
	s0 =	simm.s32 $0x10;
	v44 =	vadd.s32 s3, v6;
	s1 =	simm.s32 $0x9;
	[tilespmem:v63+s15+$0x0] =	vst.idx.add.f32.msk $0xffff, v3  }
.LBB2_30:
0x245: {  	p3 =	slt.u32 s0, $0xC0;
	v46 =	vadd.s32 s1, v6;
	[tilespmem:v45+s15+$0x0] =	vst.idx.add.f32.msk $0xffff, v3  }
0x246: {  	v45 =	vadd.s32 s0, v6;
	v41 =	vld.idx.msk [tilespmem:v41+s20+$0x0], $0xffff  }
0x247: {  	s1 =	sadd.s32 $0x7, s0;
	v47 =	vadd.s32 v16, v40;
	v42 =	vld.idx.msk [tilespmem:v42+s20+$0x0], $0xffff  }
0x248: {  	v48 =	vadd.s32 s1, v6;
	v43 =	vld.idx.msk [tilespmem:v43+s20+$0x0], $0xffff  }
0x249: {  	v49 =	vadd.s32 v16, v38;
	s1 =	sadd.s32 $0x6, s0;
	v44 =	vld.idx.msk [tilespmem:v44+s20+$0x0], $0xffff  }
0x24a: {  	v50 =	vadd.s32 s1, v6;
	v46 =	vld.idx.msk [tilespmem:v46+s20+$0x0], $0xffff  }
0x24b: {  	v51 =	vadd.s32 v16, v39;
	v40 =	vld.idx.msk [tilespmem:v45+s20+$0x0], $0xffff  }
0x24c: {  	[tilespmem:v47+s15+$0x0] =	vst.idx.add.f32.msk $0xffff, v3;
	v47 =	vadd.s32 v16, v41  }
0x24d: {  	v38 =	vld.idx.msk [tilespmem:v48+s20+$0x0], $0xffff;
	v48 =	vadd.s32 v16, v42  }
0x24e: {  	v52 =	vadd.s32 v16, v43;
	[tilespmem:v49+s15+$0x0] =	vst.idx.add.f32.msk $0xffff, v3  }
0x24f: {  	v49 =	vadd.s32 v16, v44;
	v39 =	vld.idx.msk [tilespmem:v50+s20+$0x0], $0xffff  }
.Ltmp17:
0x250: {  	s1 =	sadd.s32 $0x5, s0;
	v45 =	vadd.s32 v16, v46;
	[tilespmem:v51+s15+$0x0] =	vst.idx.add.f32.msk $0xffff, v3;
	(pc) =	sbr.rel @p3 .LBB2_30-.Ltmp17, $4  }
0x251: {  	s3 =	sadd.s32 $0x4, s0;
	v41 =	vadd.s32 s1, v6;
	[tilespmem:v47+s15+$0x0] =	vst.idx.add.f32.msk $0xffff, v3  }
0x252: {  	s1 =	sadd.s32 $0x3, s0;
	v42 =	vadd.s32 s3, v6;
	[tilespmem:v48+s15+$0x0] =	vst.idx.add.f32.msk $0xffff, v3  }
0x253: {  	s3 =	sadd.s32 $0x2, s0;
	v43 =	vadd.s32 s1, v6;
	[tilespmem:v52+s15+$0x0] =	vst.idx.add.f32.msk $0xffff, v3  }
0x254: {  	s1 =	sadd.s32 $0x1, s0;
	s0 =	sadd.s32 $0x8, s0;
	v44 =	vadd.s32 s3, v6;
	[tilespmem:v49+s15+$0x0] =	vst.idx.add.f32.msk $0xffff, v3  }
.LBB2_31:
0x255: {  	_ =	sdelay $0x2  }
0x256: {  	v46 =	vadd.s32 s1, v6  }
0x257: {  	v41 =	vld.idx.msk [tilespmem:v41+s20+$0x0], $0xffff  }
0x258: {  	v42 =	vld.idx.msk [tilespmem:v42+s20+$0x0], $0xffff  }
0x259: {  	v40 =	vadd.s32 v16, v40;
	v43 =	vld.idx.msk [tilespmem:v43+s20+$0x0], $0xffff  }
0x25a: {  	v44 =	vld.idx.msk [tilespmem:v44+s20+$0x0], $0xffff;
	v38 =	vadd.s32 v16, v38  }
0x25b: {  	v39 =	vadd.s32 v16, v39;
	v46 =	vld.idx.msk [tilespmem:v46+s20+$0x0], $0xffff  }
0x25c: {  	v41 =	vadd.s32 v16, v41  }
0x25d: {  	[tilespmem:v45+s15+$0x0] =	vst.idx.add.f32.msk @p2 $0xffff, v3;
	v42 =	vadd.s32 v16, v42  }
0x25e: {  	[tilespmem:v40+s15+$0x0] =	vst.idx.add.f32.msk $0xffff, v3;
	v58 =	vadd.s32 v16, v43  }
0x25f: {  	[tilespmem:v38+s15+$0x0] =	vst.idx.add.f32.msk $0xffff, v3;
	v59 =	vadd.s32 v16, v44  }
0x260: {  	[tilespmem:v39+s15+$0x0] =	vst.idx.add.f32.msk $0xffff, v3;
	v60 =	vadd.s32 v16, v46  }
0x261: {  	v61 =	vadd.s32 s20, v8;
	[tilespmem:v41+s15+$0x0] =	vst.idx.add.f32.msk $0xffff, v3  }
0x262: {  	v62 =	vadd.s32 s21, v8;
	[tilespmem:v42+s15+$0x0] =	vst.idx.add.f32.msk $0xffff, v3  }
0x263: {  	v63 =	vadd.s32 s22, v8;
	[tilespmem:v58+s15+$0x0] =	vst.idx.add.f32.msk $0xffff, v3  }
.Ltmp18:
0x264: {  	[tilespmem:v59+s15+$0x0] =	vst.idx.add.f32.msk $0xffff, v3;
	(pc) =	sbr.rel @!p1 .LBB2_32-.Ltmp18, $4  }
0x265: {  	[tilespmem:v60+s15+$0x0] =	vst.idx.add.f32.msk $0xffff, v3  }
0x266: {  	v40 =	vld.idx.msk [tilespmem:v61+s2+$0x0], $0xffff  }
0x267: {  	v43 =	vadd.s32 s25, v8;
	v38 =	vld.idx.msk [tilespmem:v62+s2+$0x0], $0xffff  }
0x268: {  	v44 =	vadd.s32 s26, v8;
	v41 =	vadd.s32 s23, v8;
	v42 =	vadd.s32 s24, v8;
	v39 =	vld.idx.msk [tilespmem:v63+s2+$0x0], $0xffff  }
0x269: {  	_ =	sdelay $0x2  }
0x26a: {  	v45 =	vadd.s32 s19, v8  }
0x26b: {  	v46 =	vadd.s32 s28, v8;
	v41 =	vld.idx.msk [tilespmem:v41+s2+$0x0], $0xffff;
	s0 =	simm.s32 $0xF  }
0x26c: {  	v42 =	vld.idx.msk [tilespmem:v42+s2+$0x0], $0xffff;
	s28 =	simm.s32 $0xE;
	v48 =	vadd.s32 s0, v8  }
0x26d: {  	v43 =	vld.idx.msk [tilespmem:v43+s2+$0x0], $0xffff;
	v50 =	vadd.s32 s28, v8  }
0x26e: {  	v44 =	vld.idx.msk [tilespmem:v44+s2+$0x0], $0xffff;
	v47 =	vadd.s32 v17, v40  }
0x26f: {  	v49 =	vadd.s32 v17, v38;
	v45 =	vld.idx.msk [tilespmem:v45+s2+$0x0], $0xffff  }
0x270: {  	v62 =	vadd.s32 v17, v39;
	v40 =	vld.idx.msk [tilespmem:v46+s2+$0x0], $0xffff  }
0x271: {  	v41 =	vadd.s32 v17, v41;
	v38 =	vld.idx.msk [tilespmem:v48+s2+$0x0], $0xffff  }
0x272: {  	v42 =	vadd.s32 v17, v42;
	v39 =	vld.idx.msk [tilespmem:v50+s2+$0x0], $0xffff  }
0x273: {  	v43 =	vadd.s32 v17, v43;
	[tilespmem:v47+s15+$0x0] =	vst.idx.add.f32.msk $0xffff, v3  }
0x274: {  	p1 =	por $0x1, $0x1;
	v63 =	vadd.s32 v17, v44;
	[tilespmem:v49+s15+$0x0] =	vst.idx.add.f32.msk $0xffff, v3  }
.Ltmp19:
0x275: {  	s29 =	simm.s32 $0xD;
	[tilespmem:v62+s15+$0x0] =	vst.idx.add.f32.msk $0xffff, v3;
	v45 =	vadd.s32 v17, v45;
	(pc) =	sbr.rel @!p1 .LBB2_35-.Ltmp19, $4  }
0x276: {  	s1 =	simm.s32 $0xC;
	[tilespmem:v41+s15+$0x0] =	vst.idx.add.f32.msk $0xffff, v3;
	v41 =	vadd.s32 s29, v8  }
0x277: {  	s30 =	simm.s32 $0xB;
	[tilespmem:v42+s15+$0x0] =	vst.idx.add.f32.msk $0xffff, v3;
	v42 =	vadd.s32 s1, v8  }
0x278: {  	s31 =	simm.s32 $0xA;
	[tilespmem:v43+s15+$0x0] =	vst.idx.add.f32.msk $0xffff, v3;
	v43 =	vadd.s32 s30, v8  }
0x279: {  	s19 =	simm.s32 $0x9;
	p0 =	por $0x1, $0x1;
	s0 =	simm.s32 $0x10;
	v44 =	vadd.s32 s31, v8;
	[tilespmem:v63+s15+$0x0] =	vst.idx.add.f32.msk $0xffff, v3  }
.LBB2_34:
0x27a: {  	p1 =	slt.u32 s0, $0xC0;
	v46 =	vadd.s32 s19, v8;
	[tilespmem:v45+s15+$0x0] =	vst.idx.add.f32.msk $0xffff, v3  }
0x27b: {  	v45 =	vadd.s32 s0, v8;
	v41 =	vld.idx.msk [tilespmem:v41+s2+$0x0], $0xffff  }
0x27c: {  	s1 =	sadd.s32 $0x7, s0;
	v47 =	vadd.s32 v17, v40;
	v42 =	vld.idx.msk [tilespmem:v42+s2+$0x0], $0xffff  }
0x27d: {  	v48 =	vadd.s32 s1, v8;
	v43 =	vld.idx.msk [tilespmem:v43+s2+$0x0], $0xffff  }
0x27e: {  	v49 =	vadd.s32 v17, v38;
	s1 =	sadd.s32 $0x6, s0;
	v44 =	vld.idx.msk [tilespmem:v44+s2+$0x0], $0xffff  }
0x27f: {  	v50 =	vadd.s32 s1, v8;
	v46 =	vld.idx.msk [tilespmem:v46+s2+$0x0], $0xffff  }
0x280: {  	v51 =	vadd.s32 v17, v39;
	v40 =	vld.idx.msk [tilespmem:v45+s2+$0x0], $0xffff  }
0x281: {  	[tilespmem:v47+s15+$0x0] =	vst.idx.add.f32.msk $0xffff, v3;
	v47 =	vadd.s32 v17, v41  }
0x282: {  	v38 =	vld.idx.msk [tilespmem:v48+s2+$0x0], $0xffff;
	v48 =	vadd.s32 v17, v42  }
0x283: {  	v52 =	vadd.s32 v17, v43;
	[tilespmem:v49+s15+$0x0] =	vst.idx.add.f32.msk $0xffff, v3  }
0x284: {  	v49 =	vadd.s32 v17, v44;
	v39 =	vld.idx.msk [tilespmem:v50+s2+$0x0], $0xffff  }
.Ltmp20:
0x285: {  	s1 =	sadd.s32 $0x5, s0;
	v45 =	vadd.s32 v17, v46;
	[tilespmem:v51+s15+$0x0] =	vst.idx.add.f32.msk $0xffff, v3;
	(pc) =	sbr.rel @p1 .LBB2_34-.Ltmp20, $4  }
0x286: {  	s3 =	sadd.s32 $0x4, s0;
	v41 =	vadd.s32 s1, v8;
	[tilespmem:v47+s15+$0x0] =	vst.idx.add.f32.msk $0xffff, v3  }
0x287: {  	s1 =	sadd.s32 $0x3, s0;
	v42 =	vadd.s32 s3, v8;
	[tilespmem:v48+s15+$0x0] =	vst.idx.add.f32.msk $0xffff, v3  }
0x288: {  	s3 =	sadd.s32 $0x2, s0;
	v43 =	vadd.s32 s1, v8;
	[tilespmem:v52+s15+$0x0] =	vst.idx.add.f32.msk $0xffff, v3  }
0x289: {  	s19 =	sadd.s32 $0x1, s0;
	s0 =	sadd.s32 $0x8, s0;
	v44 =	vadd.s32 s3, v8;
	[tilespmem:v49+s15+$0x0] =	vst.idx.add.f32.msk $0xffff, v3  }
.LBB2_35:
0x28a: {  	_ =	sdelay $0x2  }
0x28b: {  	v46 =	vadd.s32 s19, v8  }
0x28c: {  	v41 =	vld.idx.msk [tilespmem:v41+s2+$0x0], $0xffff  }
0x28d: {  	v42 =	vld.idx.msk [tilespmem:v42+s2+$0x0], $0xffff  }
0x28e: {  	v40 =	vadd.s32 v17, v40;
	v43 =	vld.idx.msk [tilespmem:v43+s2+$0x0], $0xffff  }
0x28f: {  	v44 =	vld.idx.msk [tilespmem:v44+s2+$0x0], $0xffff;
	v38 =	vadd.s32 v17, v38  }
0x290: {  	v39 =	vadd.s32 v17, v39;
	v46 =	vld.idx.msk [tilespmem:v46+s2+$0x0], $0xffff  }
0x291: {  	v41 =	vadd.s32 v17, v41  }
0x292: {  	[tilespmem:v45+s15+$0x0] =	vst.idx.add.f32.msk @p0 $0xffff, v3;
	v42 =	vadd.s32 v17, v42  }
0x293: {  	[tilespmem:v40+s15+$0x0] =	vst.idx.add.f32.msk $0xffff, v3;
	v50 =	vadd.s32 v17, v43  }
0x294: {  	[tilespmem:v38+s15+$0x0] =	vst.idx.add.f32.msk $0xffff, v3;
	v51 =	vadd.s32 v17, v44  }
0x295: {  	[tilespmem:v39+s15+$0x0] =	vst.idx.add.f32.msk $0xffff, v3;
	v52 =	vadd.s32 v17, v46  }
0x296: {  	[tilespmem:v41+s15+$0x0] =	vst.idx.add.f32.msk $0xffff, v3  }
0x297: {  	[tilespmem:v42+s15+$0x0] =	vst.idx.add.f32.msk $0xffff, v3  }
0x298: {  	[tilespmem:v50+s15+$0x0] =	vst.idx.add.f32.msk $0xffff, v3  }
0x299: {  	s20 =	simm.s32 $0x0;
	[tilespmem:v51+s15+$0x0] =	vst.idx.add.f32.msk $0xffff, v3  }
0x29a: {  	s21 =	simm.s32 $0x7;
	v53 =	vadd.s32 s20, v0;
	[tilespmem:v52+s15+$0x0] =	vst.idx.add.f32.msk $0xffff, v3  }
0x29b: {  	s22 =	simm.s32 $0x6;
	v54 =	vadd.s32 s21, v0;
	_ =	swait.ge [sflag:s16], $0x3200  }
0x29c: {  	s23 =	simm.s32 $0x5;
	v55 =	vadd.s32 s22, v0;
	[sflag:s16] =	ssyncset.done $0x0  }
0x29d: {  	s19 =	simm.s32 $0x4;
	s24 =	simm.s32 $0x3;
	v56 =	vadd.s32 s23, v0;
	[sflag:s16] =	ssyncadd.s32 $0xFFFFCE00  }
0x29e: {  	v57 =	vadd.s32 s19, v0;
	[tilespmem:s20], [sflag:$0x1] =	stream.linear.gather [hbm4b:s7+s20], $0x3200, $0x38;
	[tilespmem:$0xE400] =	vst v63  }
0x29f: {  	s25 =	simm.s32 $0x2;
	v58 =	vadd.s32 s24, v0;
	v38 =	vld.idx.msk [tilespmem:v53+s14+$0x0], $0xffff  }
0x2a0: {  	s26 =	simm.s32 $0x1;
	v59 =	vadd.s32 s25, v0;
	v39 =	vld.idx.msk [tilespmem:v54+s14+$0x0], $0xffff  }
0x2a1: {  	s28 =	simm.s32 $0x8;
	v60 =	vadd.s32 s26, v0;
	v40 =	vld.idx.msk [tilespmem:v55+s14+$0x0], $0xffff  }
0x2a2: {  	s30 =	simm.s32 $0xE;
	v61 =	vadd.s32 s28, v0;
	v41 =	vld.idx.msk [tilespmem:v56+s14+$0x0], $0xffff  }
0x2a3: {  	v49 =	vadd.s32 s30, v0;
	v42 =	vld.idx.msk [tilespmem:v57+s14+$0x0], $0xffff  }
0x2a4: {  	s29 =	simm.s32 $0xF;
	v43 =	vld.idx.msk [tilespmem:v58+s14+$0x0], $0xffff;
	v38 =	vadd.s32 v18, v38  }
0x2a5: {  	v47 =	vadd.s32 s29, v0;
	v44 =	vld.idx.msk [tilespmem:v59+s14+$0x0], $0xffff  }
0x2a6: {  	v45 =	vld.idx.msk [tilespmem:v60+s14+$0x0], $0xffff;
	v48 =	vadd.s32 v18, v39  }
0x2a7: {  	v39 =	vld.idx.msk [tilespmem:v61+s14+$0x0], $0xffff;
	v41 =	vadd.s32 v18, v41  }
0x2a8: {  	v62 =	vadd.s32 v18, v40;
	v42 =	vadd.s32 v18, v42;
	v40 =	vld.idx.msk [tilespmem:v49+s14+$0x0], $0xffff  }
0x2a9: {  	v43 =	vadd.s32 v18, v43;
	[tilespmem:v38+s15+$0x0] =	vst.idx.add.f32.msk $0xffff, v3  }
0x2aa: {  	v38 =	vld.idx.msk [tilespmem:v47+s14+$0x0], $0xffff  }
0x2ab: {  	v63 =	vadd.s32 v18, v44;
	[tilespmem:v48+s15+$0x0] =	vst.idx.add.f32.msk $0xffff, v3  }
0x2ac: {  	s31 =	simm.s32 $0xD;
	[tilespmem:v41+s15+$0x0] =	vst.idx.add.f32.msk $0xffff, v3;
	v41 =	vadd.s32 v18, v45  }
0x2ad: {  	s0 =	simm.s32 $0xC;
	[tilespmem:v42+s15+$0x0] =	vst.idx.add.f32.msk $0xffff, v3;
	v42 =	vadd.s32 s31, v0  }
0x2ae: {  	s3 =	simm.s32 $0xB;
	[tilespmem:v43+s15+$0x0] =	vst.idx.add.f32.msk $0xffff, v3;
	v43 =	vadd.s32 s0, v0  }
0x2af: {  	s1 =	simm.s32 $0xA;
	v44 =	vadd.s32 s3, v0;
	[tilespmem:v62+s15+$0x0] =	vst.idx.add.f32.msk $0xffff, v3  }
0x2b0: {  	s5 =	simm.s32 $0x9;
	s4 =	simm.s32 $0x10;
	v45 =	vadd.s32 s1, v0;
	[tilespmem:v63+s15+$0x0] =	vst.idx.add.f32.msk $0xffff, v3  }
.LBB2_36:
0x2b1: {  	p0 =	slt.u32 s4, $0xC0;
	v46 =	vadd.s32 s5, v0;
	[tilespmem:v41+s15+$0x0] =	vst.idx.add.f32.msk $0xffff, v3  }
0x2b2: {  	v41 =	vadd.s32 s4, v0;
	v42 =	vld.idx.msk [tilespmem:v42+s14+$0x0], $0xffff  }
0x2b3: {  	s5 =	sadd.s32 $0x7, s4;
	v47 =	vadd.s32 v18, v39;
	v43 =	vld.idx.msk [tilespmem:v43+s14+$0x0], $0xffff  }
0x2b4: {  	v48 =	vadd.s32 s5, v0;
	v44 =	vld.idx.msk [tilespmem:v44+s14+$0x0], $0xffff  }
0x2b5: {  	v49 =	vadd.s32 v18, v38;
	s5 =	sadd.s32 $0x6, s4;
	v45 =	vld.idx.msk [tilespmem:v45+s14+$0x0], $0xffff  }
0x2b6: {  	v50 =	vadd.s32 s5, v0;
	v46 =	vld.idx.msk [tilespmem:v46+s14+$0x0], $0xffff  }
0x2b7: {  	v51 =	vadd.s32 v18, v40;
	v39 =	vld.idx.msk [tilespmem:v41+s14+$0x0], $0xffff  }
0x2b8: {  	[tilespmem:v47+s15+$0x0] =	vst.idx.add.f32.msk $0xffff, v3;
	v47 =	vadd.s32 v18, v42  }
0x2b9: {  	v38 =	vld.idx.msk [tilespmem:v48+s14+$0x0], $0xffff;
	v48 =	vadd.s32 v18, v43  }
0x2ba: {  	v52 =	vadd.s32 v18, v44;
	[tilespmem:v49+s15+$0x0] =	vst.idx.add.f32.msk $0xffff, v3  }
0x2bb: {  	v49 =	vadd.s32 v18, v45;
	v40 =	vld.idx.msk [tilespmem:v50+s14+$0x0], $0xffff  }
.Ltmp21:
0x2bc: {  	s5 =	sadd.s32 $0x5, s4;
	v41 =	vadd.s32 v18, v46;
	[tilespmem:v51+s15+$0x0] =	vst.idx.add.f32.msk $0xffff, v3;
	(pc) =	sbr.rel @p0 .LBB2_36-.Ltmp21, $4  }
0x2bd: {  	s6 =	sadd.s32 $0x4, s4;
	v42 =	vadd.s32 s5, v0;
	[tilespmem:v47+s15+$0x0] =	vst.idx.add.f32.msk $0xffff, v3  }
0x2be: {  	s5 =	sadd.s32 $0x3, s4;
	v43 =	vadd.s32 s6, v0;
	[tilespmem:v48+s15+$0x0] =	vst.idx.add.f32.msk $0xffff, v3  }
0x2bf: {  	s6 =	sadd.s32 $0x2, s4;
	v44 =	vadd.s32 s5, v0;
	[tilespmem:v52+s15+$0x0] =	vst.idx.add.f32.msk $0xffff, v3  }
0x2c0: {  	s5 =	sadd.s32 $0x1, s4;
	s4 =	sadd.s32 $0x8, s4;
	v45 =	vadd.s32 s6, v0;
	[tilespmem:v49+s15+$0x0] =	vst.idx.add.f32.msk $0xffff, v3  }
0x2c1: {  	_ =	sdelay $0x2  }
0x2c2: {  	v46 =	vadd.s32 s5, v0  }
0x2c3: {  	v42 =	vld.idx.msk [tilespmem:v42+s14+$0x0], $0xffff  }
0x2c4: {  	v43 =	vld.idx.msk [tilespmem:v43+s14+$0x0], $0xffff  }
0x2c5: {  	v39 =	vadd.s32 v18, v39;
	v44 =	vld.idx.msk [tilespmem:v44+s14+$0x0], $0xffff  }
0x2c6: {  	v45 =	vld.idx.msk [tilespmem:v45+s14+$0x0], $0xffff;
	v38 =	vadd.s32 v18, v38  }
0x2c7: {  	v40 =	vadd.s32 v18, v40;
	v46 =	vld.idx.msk [tilespmem:v46+s14+$0x0], $0xffff  }
0x2c8: {  	v42 =	vadd.s32 v18, v42  }
0x2c9: {  	[tilespmem:v41+s15+$0x0] =	vst.idx.add.f32.msk $0xffff, v3;
	v49 =	vadd.s32 v18, v43  }
0x2ca: {  	[tilespmem:v39+s15+$0x0] =	vst.idx.add.f32.msk $0xffff, v3;
	v50 =	vadd.s32 v18, v44  }
0x2cb: {  	[tilespmem:v38+s15+$0x0] =	vst.idx.add.f32.msk $0xffff, v3;
	v51 =	vadd.s32 v18, v45  }
0x2cc: {  	[tilespmem:v40+s15+$0x0] =	vst.idx.add.f32.msk $0xffff, v3;
	v52 =	vadd.s32 v18, v46  }
0x2cd: {  	v53 =	vadd.s32 s20, v4;
	[tilespmem:v42+s15+$0x0] =	vst.idx.add.f32.msk $0xffff, v3  }
0x2ce: {  	v54 =	vadd.s32 s21, v4;
	[tilespmem:v49+s15+$0x0] =	vst.idx.add.f32.msk $0xffff, v3  }
0x2cf: {  	v55 =	vadd.s32 s22, v4;
	[tilespmem:v50+s15+$0x0] =	vst.idx.add.f32.msk $0xffff, v3  }
0x2d0: {  	v56 =	vadd.s32 s23, v4;
	[tilespmem:v51+s15+$0x0] =	vst.idx.add.f32.msk $0xffff, v3  }
0x2d1: {  	v57 =	vadd.s32 s19, v4;
	[tilespmem:v52+s15+$0x0] =	vst.idx.add.f32.msk $0xffff, v3  }
0x2d2: {  	v58 =	vadd.s32 s24, v4;
	v40 =	vld.idx.msk [tilespmem:v53+s14+$0x0], $0xffff  }
0x2d3: {  	v59 =	vadd.s32 s25, v4;
	v39 =	vld.idx.msk [tilespmem:v54+s14+$0x0], $0xffff  }
0x2d4: {  	v60 =	vadd.s32 s26, v4;
	v38 =	vld.idx.msk [tilespmem:v55+s14+$0x0], $0xffff  }
0x2d5: {  	v61 =	vadd.s32 s28, v4;
	v41 =	vld.idx.msk [tilespmem:v56+s14+$0x0], $0xffff  }
0x2d6: {  	v47 =	vadd.s32 s29, v4;
	v42 =	vld.idx.msk [tilespmem:v57+s14+$0x0], $0xffff  }
0x2d7: {  	v43 =	vld.idx.msk [tilespmem:v58+s14+$0x0], $0xffff;
	v40 =	vadd.s32 v19, v40  }
0x2d8: {  	v44 =	vld.idx.msk [tilespmem:v59+s14+$0x0], $0xffff;
	v48 =	vadd.s32 v19, v39  }
0x2d9: {  	v49 =	vadd.s32 s30, v4;
	v45 =	vld.idx.msk [tilespmem:v60+s14+$0x0], $0xffff  }
0x2da: {  	v39 =	vld.idx.msk [tilespmem:v61+s14+$0x0], $0xffff;
	v41 =	vadd.s32 v19, v41  }
0x2db: {  	v62 =	vadd.s32 v19, v38;
	v38 =	vld.idx.msk [tilespmem:v47+s14+$0x0], $0xffff;
	v42 =	vadd.s32 v19, v42  }
0x2dc: {  	v43 =	vadd.s32 v19, v43;
	[tilespmem:v40+s15+$0x0] =	vst.idx.add.f32.msk $0xffff, v3  }
0x2dd: {  	[tilespmem:v48+s15+$0x0] =	vst.idx.add.f32.msk $0xffff, v3  }
0x2de: {  	v63 =	vadd.s32 v19, v44;
	v40 =	vld.idx.msk [tilespmem:v49+s14+$0x0], $0xffff  }
0x2df: {  	[tilespmem:v41+s15+$0x0] =	vst.idx.add.f32.msk $0xffff, v3;
	v41 =	vadd.s32 v19, v45  }
0x2e0: {  	[tilespmem:v42+s15+$0x0] =	vst.idx.add.f32.msk $0xffff, v3;
	v42 =	vadd.s32 s31, v4  }
0x2e1: {  	[tilespmem:v43+s15+$0x0] =	vst.idx.add.f32.msk $0xffff, v3;
	v43 =	vadd.s32 s0, v4  }
0x2e2: {  	v44 =	vadd.s32 s3, v4;
	[tilespmem:v62+s15+$0x0] =	vst.idx.add.f32.msk $0xffff, v3  }
0x2e3: {  	s3 =	simm.s32 $0x9;
	v45 =	vadd.s32 s1, v4;
	s0 =	simm.s32 $0x10;
	[tilespmem:v63+s15+$0x0] =	vst.idx.add.f32.msk $0xffff, v3  }
.LBB2_38:
0x2e4: {  	p0 =	slt.u32 s0, $0xC0;
	v46 =	vadd.s32 s3, v4;
	[tilespmem:v41+s15+$0x0] =	vst.idx.add.f32.msk $0xffff, v3  }
0x2e5: {  	v41 =	vadd.s32 s0, v4;
	v42 =	vld.idx.msk [tilespmem:v42+s14+$0x0], $0xffff  }
0x2e6: {  	s1 =	sadd.s32 $0x7, s0;
	v47 =	vadd.s32 v19, v39;
	v43 =	vld.idx.msk [tilespmem:v43+s14+$0x0], $0xffff  }
0x2e7: {  	v48 =	vadd.s32 s1, v4;
	v44 =	vld.idx.msk [tilespmem:v44+s14+$0x0], $0xffff  }
0x2e8: {  	v49 =	vadd.s32 v19, v38;
	s1 =	sadd.s32 $0x6, s0;
	v45 =	vld.idx.msk [tilespmem:v45+s14+$0x0], $0xffff  }
0x2e9: {  	v50 =	vadd.s32 s1, v4;
	v46 =	vld.idx.msk [tilespmem:v46+s14+$0x0], $0xffff  }
0x2ea: {  	v51 =	vadd.s32 v19, v40;
	v39 =	vld.idx.msk [tilespmem:v41+s14+$0x0], $0xffff  }
0x2eb: {  	[tilespmem:v47+s15+$0x0] =	vst.idx.add.f32.msk $0xffff, v3;
	v47 =	vadd.s32 v19, v42  }
0x2ec: {  	v38 =	vld.idx.msk [tilespmem:v48+s14+$0x0], $0xffff;
	v48 =	vadd.s32 v19, v43  }
0x2ed: {  	v52 =	vadd.s32 v19, v44;
	[tilespmem:v49+s15+$0x0] =	vst.idx.add.f32.msk $0xffff, v3  }
0x2ee: {  	v49 =	vadd.s32 v19, v45;
	v40 =	vld.idx.msk [tilespmem:v50+s14+$0x0], $0xffff  }
.Ltmp22:
0x2ef: {  	s1 =	sadd.s32 $0x5, s0;
	v41 =	vadd.s32 v19, v46;
	[tilespmem:v51+s15+$0x0] =	vst.idx.add.f32.msk $0xffff, v3;
	(pc) =	sbr.rel @p0 .LBB2_38-.Ltmp22, $4  }
0x2f0: {  	s3 =	sadd.s32 $0x4, s0;
	v42 =	vadd.s32 s1, v4;
	[tilespmem:v47+s15+$0x0] =	vst.idx.add.f32.msk $0xffff, v3  }
0x2f1: {  	s1 =	sadd.s32 $0x3, s0;
	v43 =	vadd.s32 s3, v4;
	[tilespmem:v48+s15+$0x0] =	vst.idx.add.f32.msk $0xffff, v3  }
0x2f2: {  	s4 =	sadd.s32 $0x2, s0;
	v44 =	vadd.s32 s1, v4;
	[tilespmem:v52+s15+$0x0] =	vst.idx.add.f32.msk $0xffff, v3  }
0x2f3: {  	s3 =	sadd.s32 $0x1, s0;
	s0 =	sadd.s32 $0x8, s0;
	v45 =	vadd.s32 s4, v4;
	[tilespmem:v49+s15+$0x0] =	vst.idx.add.f32.msk $0xffff, v3  }
0x2f4: {  	_ =	sdelay $0x2  }
0x2f5: {  	v46 =	vadd.s32 s3, v4  }
0x2f6: {  	v42 =	vld.idx.msk [tilespmem:v42+s14+$0x0], $0xffff  }
0x2f7: {  	v43 =	vld.idx.msk [tilespmem:v43+s14+$0x0], $0xffff  }
0x2f8: {  	v39 =	vadd.s32 v19, v39;
	v44 =	vld.idx.msk [tilespmem:v44+s14+$0x0], $0xffff  }
0x2f9: {  	v45 =	vld.idx.msk [tilespmem:v45+s14+$0x0], $0xffff;
	v38 =	vadd.s32 v19, v38  }
0x2fa: {  	v40 =	vadd.s32 v19, v40;
	v46 =	vld.idx.msk [tilespmem:v46+s14+$0x0], $0xffff  }
0x2fb: {  	v42 =	vadd.s32 v19, v42  }
0x2fc: {  	[tilespmem:v41+s15+$0x0] =	vst.idx.add.f32.msk $0xffff, v3;
	v49 =	vadd.s32 v19, v43  }
0x2fd: {  	[tilespmem:v39+s15+$0x0] =	vst.idx.add.f32.msk $0xffff, v3;
	v50 =	vadd.s32 v19, v44  }
0x2fe: {  	[tilespmem:v38+s15+$0x0] =	vst.idx.add.f32.msk $0xffff, v3;
	v51 =	vadd.s32 v19, v45  }
0x2ff: {  	s19 =	simm.s32 $0x0;
	[tilespmem:v40+s15+$0x0] =	vst.idx.add.f32.msk $0xffff, v3;
	v52 =	vadd.s32 v19, v46  }
0x300: {  	s20 =	simm.s32 $0x7;
	v53 =	vadd.s32 s19, v6;
	[tilespmem:v42+s15+$0x0] =	vst.idx.add.f32.msk $0xffff, v3  }
0x301: {  	s21 =	simm.s32 $0x6;
	v54 =	vadd.s32 s20, v6;
	[tilespmem:v49+s15+$0x0] =	vst.idx.add.f32.msk $0xffff, v3  }
0x302: {  	s22 =	simm.s32 $0x5;
	v55 =	vadd.s32 s21, v6;
	[tilespmem:v50+s15+$0x0] =	vst.idx.add.f32.msk $0xffff, v3  }
0x303: {  	s23 =	simm.s32 $0x4;
	v56 =	vadd.s32 s22, v6;
	[tilespmem:v51+s15+$0x0] =	vst.idx.add.f32.msk $0xffff, v3  }
0x304: {  	s24 =	simm.s32 $0x3;
	v57 =	vadd.s32 s23, v6;
	[tilespmem:v52+s15+$0x0] =	vst.idx.add.f32.msk $0xffff, v3  }
0x305: {  	s25 =	simm.s32 $0x2;
	v58 =	vadd.s32 s24, v6;
	v40 =	vld.idx.msk [tilespmem:v53+s14+$0x0], $0xffff  }
0x306: {  	s26 =	simm.s32 $0x1;
	v59 =	vadd.s32 s25, v6;
	v39 =	vld.idx.msk [tilespmem:v54+s14+$0x0], $0xffff  }
0x307: {  	s28 =	simm.s32 $0x8;
	v60 =	vadd.s32 s26, v6;
	v38 =	vld.idx.msk [tilespmem:v55+s14+$0x0], $0xffff  }
0x308: {  	s29 =	simm.s32 $0xF;
	v61 =	vadd.s32 s28, v6;
	v41 =	vld.idx.msk [tilespmem:v56+s14+$0x0], $0xffff  }
0x309: {  	v47 =	vadd.s32 s29, v6;
	v42 =	vld.idx.msk [tilespmem:v57+s14+$0x0], $0xffff  }
0x30a: {  	v43 =	vld.idx.msk [tilespmem:v58+s14+$0x0], $0xffff;
	v40 =	vadd.s32 v20, v40  }
0x30b: {  	s30 =	simm.s32 $0xE;
	v44 =	vld.idx.msk [tilespmem:v59+s14+$0x0], $0xffff;
	v48 =	vadd.s32 v20, v39  }
0x30c: {  	v49 =	vadd.s32 s30, v6;
	v45 =	vld.idx.msk [tilespmem:v60+s14+$0x0], $0xffff  }
0x30d: {  	v39 =	vld.idx.msk [tilespmem:v61+s14+$0x0], $0xffff;
	v41 =	vadd.s32 v20, v41  }
0x30e: {  	v62 =	vadd.s32 v20, v38;
	v38 =	vld.idx.msk [tilespmem:v47+s14+$0x0], $0xffff;
	v42 =	vadd.s32 v20, v42  }
0x30f: {  	v43 =	vadd.s32 v20, v43;
	[tilespmem:v40+s15+$0x0] =	vst.idx.add.f32.msk $0xffff, v3  }
0x310: {  	[tilespmem:v48+s15+$0x0] =	vst.idx.add.f32.msk $0xffff, v3  }
0x311: {  	v63 =	vadd.s32 v20, v44;
	v40 =	vld.idx.msk [tilespmem:v49+s14+$0x0], $0xffff  }
0x312: {  	s31 =	simm.s32 $0xD;
	[tilespmem:v41+s15+$0x0] =	vst.idx.add.f32.msk $0xffff, v3;
	v41 =	vadd.s32 v20, v45  }
0x313: {  	s0 =	simm.s32 $0xC;
	[tilespmem:v42+s15+$0x0] =	vst.idx.add.f32.msk $0xffff, v3;
	v42 =	vadd.s32 s31, v6  }
0x314: {  	s3 =	simm.s32 $0xB;
	[tilespmem:v43+s15+$0x0] =	vst.idx.add.f32.msk $0xffff, v3;
	v43 =	vadd.s32 s0, v6  }
0x315: {  	s1 =	simm.s32 $0xA;
	v44 =	vadd.s32 s3, v6;
	[tilespmem:v62+s15+$0x0] =	vst.idx.add.f32.msk $0xffff, v3  }
0x316: {  	s5 =	simm.s32 $0x9;
	s4 =	simm.s32 $0x10;
	v45 =	vadd.s32 s1, v6;
	[tilespmem:v63+s15+$0x0] =	vst.idx.add.f32.msk $0xffff, v3  }
.LBB2_40:
0x317: {  	p0 =	slt.u32 s4, $0xC0;
	v46 =	vadd.s32 s5, v6;
	[tilespmem:v41+s15+$0x0] =	vst.idx.add.f32.msk $0xffff, v3  }
0x318: {  	v41 =	vadd.s32 s4, v6;
	v42 =	vld.idx.msk [tilespmem:v42+s14+$0x0], $0xffff  }
0x319: {  	s5 =	sadd.s32 $0x7, s4;
	v47 =	vadd.s32 v20, v39;
	v43 =	vld.idx.msk [tilespmem:v43+s14+$0x0], $0xffff  }
0x31a: {  	v48 =	vadd.s32 s5, v6;
	v44 =	vld.idx.msk [tilespmem:v44+s14+$0x0], $0xffff  }
0x31b: {  	v49 =	vadd.s32 v20, v38;
	s5 =	sadd.s32 $0x6, s4;
	v45 =	vld.idx.msk [tilespmem:v45+s14+$0x0], $0xffff  }
0x31c: {  	v50 =	vadd.s32 s5, v6;
	v46 =	vld.idx.msk [tilespmem:v46+s14+$0x0], $0xffff  }
0x31d: {  	v51 =	vadd.s32 v20, v40;
	v39 =	vld.idx.msk [tilespmem:v41+s14+$0x0], $0xffff  }
0x31e: {  	[tilespmem:v47+s15+$0x0] =	vst.idx.add.f32.msk $0xffff, v3;
	v47 =	vadd.s32 v20, v42  }
0x31f: {  	v38 =	vld.idx.msk [tilespmem:v48+s14+$0x0], $0xffff;
	v48 =	vadd.s32 v20, v43  }
0x320: {  	v52 =	vadd.s32 v20, v44;
	[tilespmem:v49+s15+$0x0] =	vst.idx.add.f32.msk $0xffff, v3  }
0x321: {  	v49 =	vadd.s32 v20, v45;
	v40 =	vld.idx.msk [tilespmem:v50+s14+$0x0], $0xffff  }
.Ltmp23:
0x322: {  	s5 =	sadd.s32 $0x5, s4;
	v41 =	vadd.s32 v20, v46;
	[tilespmem:v51+s15+$0x0] =	vst.idx.add.f32.msk $0xffff, v3;
	(pc) =	sbr.rel @p0 .LBB2_40-.Ltmp23, $4  }
0x323: {  	s6 =	sadd.s32 $0x4, s4;
	v42 =	vadd.s32 s5, v6;
	[tilespmem:v47+s15+$0x0] =	vst.idx.add.f32.msk $0xffff, v3  }
0x324: {  	s5 =	sadd.s32 $0x3, s4;
	v43 =	vadd.s32 s6, v6;
	[tilespmem:v48+s15+$0x0] =	vst.idx.add.f32.msk $0xffff, v3  }
0x325: {  	s6 =	sadd.s32 $0x2, s4;
	v44 =	vadd.s32 s5, v6;
	[tilespmem:v52+s15+$0x0] =	vst.idx.add.f32.msk $0xffff, v3  }
0x326: {  	s5 =	sadd.s32 $0x1, s4;
	s4 =	sadd.s32 $0x8, s4;
	v45 =	vadd.s32 s6, v6;
	[tilespmem:v49+s15+$0x0] =	vst.idx.add.f32.msk $0xffff, v3  }
0x327: {  	_ =	sdelay $0x2  }
0x328: {  	v46 =	vadd.s32 s5, v6  }
0x329: {  	v42 =	vld.idx.msk [tilespmem:v42+s14+$0x0], $0xffff  }
0x32a: {  	v43 =	vld.idx.msk [tilespmem:v43+s14+$0x0], $0xffff  }
0x32b: {  	v39 =	vadd.s32 v20, v39;
	v44 =	vld.idx.msk [tilespmem:v44+s14+$0x0], $0xffff  }
0x32c: {  	v45 =	vld.idx.msk [tilespmem:v45+s14+$0x0], $0xffff;
	v38 =	vadd.s32 v20, v38  }
0x32d: {  	v40 =	vadd.s32 v20, v40;
	v46 =	vld.idx.msk [tilespmem:v46+s14+$0x0], $0xffff  }
0x32e: {  	v42 =	vadd.s32 v20, v42  }
0x32f: {  	[tilespmem:v41+s15+$0x0] =	vst.idx.add.f32.msk $0xffff, v3;
	v49 =	vadd.s32 v20, v43  }
0x330: {  	[tilespmem:v39+s15+$0x0] =	vst.idx.add.f32.msk $0xffff, v3;
	v50 =	vadd.s32 v20, v44  }
0x331: {  	[tilespmem:v38+s15+$0x0] =	vst.idx.add.f32.msk $0xffff, v3;
	v51 =	vadd.s32 v20, v45  }
0x332: {  	[tilespmem:v40+s15+$0x0] =	vst.idx.add.f32.msk $0xffff, v3;
	v52 =	vadd.s32 v20, v46  }
0x333: {  	v53 =	vadd.s32 s19, v8;
	[tilespmem:v42+s15+$0x0] =	vst.idx.add.f32.msk $0xffff, v3  }
0x334: {  	v54 =	vadd.s32 s20, v8;
	[tilespmem:v49+s15+$0x0] =	vst.idx.add.f32.msk $0xffff, v3  }
0x335: {  	v55 =	vadd.s32 s21, v8;
	[tilespmem:v50+s15+$0x0] =	vst.idx.add.f32.msk $0xffff, v3  }
0x336: {  	v56 =	vadd.s32 s22, v8;
	[tilespmem:v51+s15+$0x0] =	vst.idx.add.f32.msk $0xffff, v3  }
0x337: {  	v57 =	vadd.s32 s23, v8;
	[tilespmem:v52+s15+$0x0] =	vst.idx.add.f32.msk $0xffff, v3  }
0x338: {  	v58 =	vadd.s32 s24, v8;
	v40 =	vld.idx.msk [tilespmem:v53+s14+$0x0], $0xffff  }
0x339: {  	v59 =	vadd.s32 s25, v8;
	v39 =	vld.idx.msk [tilespmem:v54+s14+$0x0], $0xffff  }
0x33a: {  	v60 =	vadd.s32 s26, v8;
	v38 =	vld.idx.msk [tilespmem:v55+s14+$0x0], $0xffff  }
0x33b: {  	v61 =	vadd.s32 s28, v8;
	v41 =	vld.idx.msk [tilespmem:v56+s14+$0x0], $0xffff  }
0x33c: {  	v47 =	vadd.s32 s29, v8;
	v42 =	vld.idx.msk [tilespmem:v57+s14+$0x0], $0xffff  }
0x33d: {  	v43 =	vld.idx.msk [tilespmem:v58+s14+$0x0], $0xffff;
	v40 =	vadd.s32 v21, v40  }
0x33e: {  	v44 =	vld.idx.msk [tilespmem:v59+s14+$0x0], $0xffff;
	v48 =	vadd.s32 v21, v39  }
0x33f: {  	v49 =	vadd.s32 s30, v8;
	v45 =	vld.idx.msk [tilespmem:v60+s14+$0x0], $0xffff  }
0x340: {  	v39 =	vld.idx.msk [tilespmem:v61+s14+$0x0], $0xffff;
	v41 =	vadd.s32 v21, v41  }
0x341: {  	v62 =	vadd.s32 v21, v38;
	v38 =	vld.idx.msk [tilespmem:v47+s14+$0x0], $0xffff;
	v42 =	vadd.s32 v21, v42  }
0x342: {  	v43 =	vadd.s32 v21, v43;
	[tilespmem:v40+s15+$0x0] =	vst.idx.add.f32.msk $0xffff, v3  }
0x343: {  	[tilespmem:v48+s15+$0x0] =	vst.idx.add.f32.msk $0xffff, v3  }
0x344: {  	v63 =	vadd.s32 v21, v44;
	v40 =	vld.idx.msk [tilespmem:v49+s14+$0x0], $0xffff  }
0x345: {  	[tilespmem:v41+s15+$0x0] =	vst.idx.add.f32.msk $0xffff, v3;
	v41 =	vadd.s32 v21, v45  }
0x346: {  	[tilespmem:v42+s15+$0x0] =	vst.idx.add.f32.msk $0xffff, v3;
	v42 =	vadd.s32 s31, v8  }
0x347: {  	[tilespmem:v43+s15+$0x0] =	vst.idx.add.f32.msk $0xffff, v3;
	v43 =	vadd.s32 s0, v8  }
0x348: {  	v44 =	vadd.s32 s3, v8;
	[tilespmem:v62+s15+$0x0] =	vst.idx.add.f32.msk $0xffff, v3  }
0x349: {  	s3 =	simm.s32 $0x9;
	v45 =	vadd.s32 s1, v8;
	s0 =	simm.s32 $0x10;
	[tilespmem:v63+s15+$0x0] =	vst.idx.add.f32.msk $0xffff, v3  }
.LBB2_42:
0x34a: {  	p0 =	slt.u32 s0, $0xC0;
	v46 =	vadd.s32 s3, v8;
	[tilespmem:v41+s15+$0x0] =	vst.idx.add.f32.msk $0xffff, v3  }
0x34b: {  	v41 =	vadd.s32 s0, v8;
	v42 =	vld.idx.msk [tilespmem:v42+s14+$0x0], $0xffff  }
0x34c: {  	s1 =	sadd.s32 $0x7, s0;
	v47 =	vadd.s32 v21, v39;
	v43 =	vld.idx.msk [tilespmem:v43+s14+$0x0], $0xffff  }
0x34d: {  	v48 =	vadd.s32 s1, v8;
	v44 =	vld.idx.msk [tilespmem:v44+s14+$0x0], $0xffff  }
0x34e: {  	v49 =	vadd.s32 v21, v38;
	s1 =	sadd.s32 $0x6, s0;
	v45 =	vld.idx.msk [tilespmem:v45+s14+$0x0], $0xffff  }
0x34f: {  	v50 =	vadd.s32 s1, v8;
	v46 =	vld.idx.msk [tilespmem:v46+s14+$0x0], $0xffff  }
0x350: {  	v51 =	vadd.s32 v21, v40;
	v39 =	vld.idx.msk [tilespmem:v41+s14+$0x0], $0xffff  }
0x351: {  	[tilespmem:v47+s15+$0x0] =	vst.idx.add.f32.msk $0xffff, v3;
	v47 =	vadd.s32 v21, v42  }
0x352: {  	v38 =	vld.idx.msk [tilespmem:v48+s14+$0x0], $0xffff;
	v48 =	vadd.s32 v21, v43  }
0x353: {  	v52 =	vadd.s32 v21, v44;
	[tilespmem:v49+s15+$0x0] =	vst.idx.add.f32.msk $0xffff, v3  }
0x354: {  	v49 =	vadd.s32 v21, v45;
	v40 =	vld.idx.msk [tilespmem:v50+s14+$0x0], $0xffff  }
.Ltmp24:
0x355: {  	s1 =	sadd.s32 $0x5, s0;
	v41 =	vadd.s32 v21, v46;
	[tilespmem:v51+s15+$0x0] =	vst.idx.add.f32.msk $0xffff, v3;
	(pc) =	sbr.rel @p0 .LBB2_42-.Ltmp24, $4  }
0x356: {  	s3 =	sadd.s32 $0x4, s0;
	v42 =	vadd.s32 s1, v8;
	[tilespmem:v47+s15+$0x0] =	vst.idx.add.f32.msk $0xffff, v3  }
0x357: {  	s1 =	sadd.s32 $0x3, s0;
	v43 =	vadd.s32 s3, v8;
	[tilespmem:v48+s15+$0x0] =	vst.idx.add.f32.msk $0xffff, v3  }
0x358: {  	s4 =	sadd.s32 $0x2, s0;
	v44 =	vadd.s32 s1, v8;
	[tilespmem:v52+s15+$0x0] =	vst.idx.add.f32.msk $0xffff, v3  }
0x359: {  	s3 =	sadd.s32 $0x1, s0;
	s0 =	sadd.s32 $0x8, s0;
	v45 =	vadd.s32 s4, v8;
	[tilespmem:v49+s15+$0x0] =	vst.idx.add.f32.msk $0xffff, v3  }
0x35a: {  	_ =	sdelay $0x2  }
0x35b: {  	v46 =	vadd.s32 s3, v8  }
0x35c: {  	v42 =	vld.idx.msk [tilespmem:v42+s14+$0x0], $0xffff  }
0x35d: {  	v43 =	vld.idx.msk [tilespmem:v43+s14+$0x0], $0xffff  }
0x35e: {  	v39 =	vadd.s32 v21, v39;
	v44 =	vld.idx.msk [tilespmem:v44+s14+$0x0], $0xffff  }
0x35f: {  	v45 =	vld.idx.msk [tilespmem:v45+s14+$0x0], $0xffff;
	v38 =	vadd.s32 v21, v38  }
0x360: {  	v40 =	vadd.s32 v21, v40;
	v46 =	vld.idx.msk [tilespmem:v46+s14+$0x0], $0xffff  }
0x361: {  	v42 =	vadd.s32 v21, v42  }
0x362: {  	[tilespmem:v41+s15+$0x0] =	vst.idx.add.f32.msk $0xffff, v3;
	v48 =	vadd.s32 v21, v43  }
0x363: {  	[tilespmem:v39+s15+$0x0] =	vst.idx.add.f32.msk $0xffff, v3;
	v49 =	vadd.s32 v21, v44  }
0x364: {  	[tilespmem:v38+s15+$0x0] =	vst.idx.add.f32.msk $0xffff, v3;
	v50 =	vadd.s32 v21, v45  }
0x365: {  	[tilespmem:v40+s15+$0x0] =	vst.idx.add.f32.msk $0xffff, v3;
	v51 =	vadd.s32 v21, v46  }
0x366: {  	[tilespmem:v42+s15+$0x0] =	vst.idx.add.f32.msk $0xffff, v3  }
0x367: {  	[tilespmem:v48+s15+$0x0] =	vst.idx.add.f32.msk $0xffff, v3  }
0x368: {  	[tilespmem:v49+s15+$0x0] =	vst.idx.add.f32.msk $0xffff, v3  }
0x369: {  	s20 =	simm.s32 $0x0;
	[tilespmem:v50+s15+$0x0] =	vst.idx.add.f32.msk $0xffff, v3  }
0x36a: {  	s0 =	simm.s32 $0x7;
	v52 =	vadd.s32 s20, v0;
	[tilespmem:v51+s15+$0x0] =	vst.idx.add.f32.msk $0xffff, v3  }
0x36b: {  	s19 =	simm.s32 $0x6;
	v53 =	vadd.s32 s0, v0;
	_ =	swait.ge [sflag:s13], $0x3200  }
0x36c: {  	s21 =	simm.s32 $0x5;
	v54 =	vadd.s32 s19, v0;
	[sflag:s13] =	ssyncset.done $0x0  }
0x36d: {  	s1 =	simm.s32 $0x4;
	s22 =	simm.s32 $0x3;
	v55 =	vadd.s32 s21, v0;
	[sflag:s13] =	ssyncadd.s32 $0xFFFFCE00  }
0x36e: {  	v56 =	vadd.s32 s1, v0;
	[tilespmem:s14], [sflag:$0x2] =	stream.linear.gather [hbm4b:s8+s20], $0x3200, $0x38;
	[tilespmem:$0xE400] =	vst v63  }
0x36f: {  	s23 =	simm.s32 $0x2;
	v57 =	vadd.s32 s22, v0;
	v38 =	vld.idx.msk [tilespmem:v52+s20+$0x0], $0xffff  }
0x370: {  	s24 =	simm.s32 $0x1;
	v58 =	vadd.s32 s23, v0;
	v39 =	vld.idx.msk [tilespmem:v53+s20+$0x0], $0xffff  }
0x371: {  	s19 =	simm.s32 $0x8;
	v59 =	vadd.s32 s24, v0;
	v40 =	vld.idx.msk [tilespmem:v54+s20+$0x0], $0xffff  }
0x372: {  	s26 =	simm.s32 $0xE;
	v60 =	vadd.s32 s19, v0;
	v41 =	vld.idx.msk [tilespmem:v55+s20+$0x0], $0xffff  }
0x373: {  	v49 =	vadd.s32 s26, v0;
	v42 =	vld.idx.msk [tilespmem:v56+s20+$0x0], $0xffff  }
0x374: {  	s25 =	simm.s32 $0xF;
	v43 =	vld.idx.msk [tilespmem:v57+s20+$0x0], $0xffff;
	v38 =	vadd.s32 v22, v38  }
0x375: {  	v47 =	vadd.s32 s25, v0;
	v44 =	vld.idx.msk [tilespmem:v58+s20+$0x0], $0xffff  }
0x376: {  	v45 =	vld.idx.msk [tilespmem:v59+s20+$0x0], $0xffff;
	v48 =	vadd.s32 v22, v39  }
0x377: {  	v39 =	vld.idx.msk [tilespmem:v60+s20+$0x0], $0xffff;
	v41 =	vadd.s32 v22, v41  }
0x378: {  	v61 =	vadd.s32 v22, v40;
	v42 =	vadd.s32 v22, v42;
	v40 =	vld.idx.msk [tilespmem:v49+s20+$0x0], $0xffff  }
0x379: {  	[tilespmem:v38+s15+$0x0] =	vst.idx.add.f32.msk $0xffff, v3  }
0x37a: {  	v62 =	vadd.s32 v22, v43;
	v38 =	vld.idx.msk [tilespmem:v47+s20+$0x0], $0xffff  }
0x37b: {  	v63 =	vadd.s32 v22, v44;
	[tilespmem:v48+s15+$0x0] =	vst.idx.add.f32.msk $0xffff, v3  }
0x37c: {  	s28 =	simm.s32 $0xD;
	[tilespmem:v41+s15+$0x0] =	vst.idx.add.f32.msk $0xffff, v3;
	v41 =	vadd.s32 v22, v45  }
0x37d: {  	s29 =	simm.s32 $0xC;
	[tilespmem:v42+s15+$0x0] =	vst.idx.add.f32.msk $0xffff, v3;
	v42 =	vadd.s32 s28, v0  }
0x37e: {  	s30 =	simm.s32 $0xB;
	v43 =	vadd.s32 s29, v0;
	[tilespmem:v61+s15+$0x0] =	vst.idx.add.f32.msk $0xffff, v3  }
0x37f: {  	s31 =	simm.s32 $0xA;
	v44 =	vadd.s32 s30, v0;
	[tilespmem:v62+s15+$0x0] =	vst.idx.add.f32.msk $0xffff, v3  }
0x380: {  	s1 =	simm.s32 $0x9;
	s0 =	simm.s32 $0x10;
	v45 =	vadd.s32 s31, v0;
	[tilespmem:v63+s15+$0x0] =	vst.idx.add.f32.msk $0xffff, v3  }
.LBB2_44:
0x381: {  	p0 =	slt.u32 s0, $0xC0;
	v46 =	vadd.s32 s1, v0;
	[tilespmem:v41+s15+$0x0] =	vst.idx.add.f32.msk $0xffff, v3  }
0x382: {  	v41 =	vadd.s32 s0, v0;
	v42 =	vld.idx.msk [tilespmem:v42+s20+$0x0], $0xffff  }
0x383: {  	s1 =	sadd.s32 $0x7, s0;
	v47 =	vadd.s32 v22, v39;
	v43 =	vld.idx.msk [tilespmem:v43+s20+$0x0], $0xffff  }
0x384: {  	v48 =	vadd.s32 s1, v0;
	v44 =	vld.idx.msk [tilespmem:v44+s20+$0x0], $0xffff  }
0x385: {  	v49 =	vadd.s32 v22, v38;
	s1 =	sadd.s32 $0x6, s0;
	v45 =	vld.idx.msk [tilespmem:v45+s20+$0x0], $0xffff  }
0x386: {  	v50 =	vadd.s32 s1, v0;
	v46 =	vld.idx.msk [tilespmem:v46+s20+$0x0], $0xffff  }
0x387: {  	v51 =	vadd.s32 v22, v40;
	v39 =	vld.idx.msk [tilespmem:v41+s20+$0x0], $0xffff  }
0x388: {  	[tilespmem:v47+s15+$0x0] =	vst.idx.add.f32.msk $0xffff, v3;
	v47 =	vadd.s32 v22, v42  }
0x389: {  	v38 =	vld.idx.msk [tilespmem:v48+s20+$0x0], $0xffff;
	v48 =	vadd.s32 v22, v43  }
0x38a: {  	v52 =	vadd.s32 v22, v44;
	[tilespmem:v49+s15+$0x0] =	vst.idx.add.f32.msk $0xffff, v3  }
0x38b: {  	v49 =	vadd.s32 v22, v45;
	v40 =	vld.idx.msk [tilespmem:v50+s20+$0x0], $0xffff  }
.Ltmp25:
0x38c: {  	s1 =	sadd.s32 $0x5, s0;
	v41 =	vadd.s32 v22, v46;
	[tilespmem:v51+s15+$0x0] =	vst.idx.add.f32.msk $0xffff, v3;
	(pc) =	sbr.rel @p0 .LBB2_44-.Ltmp25, $4  }
0x38d: {  	s3 =	sadd.s32 $0x4, s0;
	v42 =	vadd.s32 s1, v0;
	[tilespmem:v47+s15+$0x0] =	vst.idx.add.f32.msk $0xffff, v3  }
0x38e: {  	s1 =	sadd.s32 $0x3, s0;
	v43 =	vadd.s32 s3, v0;
	[tilespmem:v48+s15+$0x0] =	vst.idx.add.f32.msk $0xffff, v3  }
0x38f: {  	s3 =	sadd.s32 $0x2, s0;
	v44 =	vadd.s32 s1, v0;
	[tilespmem:v52+s15+$0x0] =	vst.idx.add.f32.msk $0xffff, v3  }
0x390: {  	s1 =	sadd.s32 $0x1, s0;
	s0 =	sadd.s32 $0x8, s0;
	v45 =	vadd.s32 s3, v0;
	[tilespmem:v49+s15+$0x0] =	vst.idx.add.f32.msk $0xffff, v3  }
0x391: {  	_ =	sdelay $0x2  }
0x392: {  	v46 =	vadd.s32 s1, v0  }
0x393: {  	v42 =	vld.idx.msk [tilespmem:v42+s20+$0x0], $0xffff  }
0x394: {  	v43 =	vld.idx.msk [tilespmem:v43+s20+$0x0], $0xffff  }
0x395: {  	v39 =	vadd.s32 v22, v39;
	v44 =	vld.idx.msk [tilespmem:v44+s20+$0x0], $0xffff  }
0x396: {  	v45 =	vld.idx.msk [tilespmem:v45+s20+$0x0], $0xffff;
	v38 =	vadd.s32 v22, v38  }
0x397: {  	v40 =	vadd.s32 v22, v40;
	v46 =	vld.idx.msk [tilespmem:v46+s20+$0x0], $0xffff  }
0x398: {  	v42 =	vadd.s32 v22, v42  }
0x399: {  	[tilespmem:v41+s15+$0x0] =	vst.idx.add.f32.msk $0xffff, v3;
	v52 =	vadd.s32 v22, v43  }
0x39a: {  	[tilespmem:v39+s15+$0x0] =	vst.idx.add.f32.msk $0xffff, v3;
	v53 =	vadd.s32 v22, v44  }
0x39b: {  	[tilespmem:v38+s15+$0x0] =	vst.idx.add.f32.msk $0xffff, v3;
	v54 =	vadd.s32 v22, v45  }
0x39c: {  	s0 =	simm.s32 $0x7;
	[tilespmem:v40+s15+$0x0] =	vst.idx.add.f32.msk $0xffff, v3;
	v55 =	vadd.s32 v22, v46  }
0x39d: {  	s25 =	simm.s32 $0x1;
	v56 =	vadd.s32 s0, v4;
	[tilespmem:v42+s15+$0x0] =	vst.idx.add.f32.msk $0xffff, v3  }
0x39e: {  	s26 =	simm.s32 $0x2;
	v57 =	vadd.s32 s25, v4;
	[tilespmem:v52+s15+$0x0] =	vst.idx.add.f32.msk $0xffff, v3  }
0x39f: {  	s28 =	simm.s32 $0x3;
	v58 =	vadd.s32 s26, v4;
	[tilespmem:v53+s15+$0x0] =	vst.idx.add.f32.msk $0xffff, v3  }
0x3a0: {  	s29 =	simm.s32 $0x4;
	v59 =	vadd.s32 s28, v4;
	[tilespmem:v54+s15+$0x0] =	vst.idx.add.f32.msk $0xffff, v3  }
0x3a1: {  	s30 =	simm.s32 $0x5;
	s0 =	simm.s32 $0x0;
	v60 =	vadd.s32 s29, v4;
	[tilespmem:v55+s15+$0x0] =	vst.idx.add.f32.msk $0xffff, v3  }
0x3a2: {  	s31 =	simm.s32 $0x6;
	v61 =	vadd.s32 s30, v4;
	v43 =	vld.idx.msk [tilespmem:v56+s0+$0x0], $0xffff  }
0x3a3: {  	v63 =	vadd.s32 s31, v4;
	v41 =	vld.idx.msk [tilespmem:v57+s0+$0x0], $0xffff  }
0x3a4: {  	v48 =	vadd.s32 s20, v4;
	v62 =	vld.idx.msk [tilespmem:v58+s0+$0x0], $0xffff  }
0x3a5: {  	v47 =	vld.idx.msk [tilespmem:v59+s0+$0x0], $0xffff  }
0x3a6: {  	v42 =	vld.idx.msk [tilespmem:v60+s0+$0x0], $0xffff  }
0x3a7: {  	v40 =	vld.idx.msk [tilespmem:v61+s0+$0x0], $0xffff;
	v45 =	vadd.s32 v23, v43  }
0x3a8: {  	v38 =	vld.idx.msk [tilespmem:v63+s0+$0x0], $0xffff;
	v44 =	vadd.s32 v23, v41  }
0x3a9: {  	v39 =	vld.idx.msk [tilespmem:v48+s0+$0x0], $0xffff;
	v43 =	vadd.s32 v23, v62  }
0x3aa: {  	v41 =	vadd.s32 v23, v47  }
0x3ab: {  	s3 =	simm.s32 $0xF;
	s1 =	simm.s32 $0x10;
	v42 =	vadd.s32 v23, v42  }
.LBB2_46:
0x3ac: {  	p0 =	slt.u32 s1, $0xC0;
	s4 =	sadd.s32 $0x1, s19;
	v46 =	vadd.s32 s3, v4;
	v47 =	vadd.s32 v23, v40;
	[tilespmem:v45+s15+$0x0] =	vst.idx.add.f32.msk $0xffff, v3  }
0x3ad: {  	s3 =	sadd.s32 $0x2, s19;
	v48 =	vadd.s32 v23, v38;
	v40 =	vadd.s32 s4, v4;
	[tilespmem:v44+s15+$0x0] =	vst.idx.add.f32.msk $0xffff, v3  }
0x3ae: {  	v38 =	vadd.s32 s3, v4;
	s3 =	sadd.s32 $0x3, s19;
	v49 =	vadd.s32 v23, v39;
	[tilespmem:v43+s15+$0x0] =	vst.idx.add.f32.msk $0xffff, v3  }
0x3af: {  	v39 =	vadd.s32 s3, v4;
	s3 =	sadd.s32 $0x4, s19;
	[tilespmem:v41+s15+$0x0] =	vst.idx.add.f32.msk $0xffff, v3  }
0x3b0: {  	v41 =	vadd.s32 s3, v4;
	s3 =	sadd.s32 $0x5, s19;
	[tilespmem:v42+s15+$0x0] =	vst.idx.add.f32.msk $0xffff, v3  }
0x3b1: {  	v42 =	vadd.s32 s3, v4;
	s3 =	sadd.s32 $0x6, s19;
	v43 =	vld.idx.msk [tilespmem:v46+s0+$0x0], $0xffff  }
0x3b2: {  	v45 =	vadd.s32 s3, v4;
	v44 =	vld.idx.msk [tilespmem:v40+s0+$0x0], $0xffff  }
0x3b3: {  	v46 =	vadd.s32 s19, v4;
	s19 =	smov.u32 s1;
	v50 =	vld.idx.msk [tilespmem:v38+s0+$0x0], $0xffff  }
0x3b4: {  	v51 =	vld.idx.msk [tilespmem:v39+s0+$0x0], $0xffff  }
0x3b5: {  	v52 =	vld.idx.msk [tilespmem:v41+s0+$0x0], $0xffff  }
0x3b6: {  	v40 =	vld.idx.msk [tilespmem:v42+s0+$0x0], $0xffff  }
.Ltmp26:
0x3b7: {  	v38 =	vld.idx.msk [tilespmem:v45+s0+$0x0], $0xffff;
	v45 =	vadd.s32 v23, v43;
	(pc) =	sbr.rel @p0 .LBB2_46-.Ltmp26, $4  }
0x3b8: {  	v44 =	vadd.s32 v23, v44;
	v39 =	vld.idx.msk [tilespmem:v46+s0+$0x0], $0xffff  }
0x3b9: {  	v43 =	vadd.s32 v23, v50;
	[tilespmem:v47+s15+$0x0] =	vst.idx.add.f32.msk $0xffff, v3  }
0x3ba: {  	v41 =	vadd.s32 v23, v51;
	[tilespmem:v48+s15+$0x0] =	vst.idx.add.f32.msk $0xffff, v3  }
0x3bb: {  	s1 =	sadd.s32 $0x8, s1;
	s3 =	sadd.s32 $0x7, s19;
	v42 =	vadd.s32 v23, v52;
	[tilespmem:v49+s15+$0x0] =	vst.idx.add.f32.msk $0xffff, v3  }
0x3bc: {  	_ =	sdelay $0x3  }
0x3bd: {  	v46 =	vadd.s32 s3, v4;
	[tilespmem:v45+s15+$0x0] =	vst.idx.add.f32.msk $0xffff, v3  }
0x3be: {  	[tilespmem:v44+s15+$0x0] =	vst.idx.add.f32.msk $0xffff, v3;
	v48 =	vadd.s32 s19, v4  }
0x3bf: {  	s0 =	sadd.s32 $0x1, s19;
	[tilespmem:v43+s15+$0x0] =	vst.idx.add.f32.msk $0xffff, v3;
	v40 =	vadd.s32 v23, v40  }
0x3c0: {  	s25 =	sadd.s32 $0x2, s19;
	[tilespmem:v41+s15+$0x0] =	vst.idx.add.f32.msk $0xffff, v3;
	v51 =	vadd.s32 s0, v4  }
0x3c1: {  	s26 =	sadd.s32 $0x3, s19;
	s20 =	simm.s32 $0x0;
	[tilespmem:v42+s15+$0x0] =	vst.idx.add.f32.msk $0xffff, v3;
	v52 =	vadd.s32 s25, v4  }
0x3c2: {  	s29 =	sadd.s32 $0x4, s19;
	v53 =	vadd.s32 s26, v4;
	v46 =	vld.idx.msk [tilespmem:v46+s20+$0x0], $0xffff  }
0x3c3: {  	s30 =	sadd.s32 $0x5, s19;
	v54 =	vadd.s32 s29, v4;
	v48 =	vld.idx.msk [tilespmem:v48+s20+$0x0], $0xffff  }
0x3c4: {  	s31 =	sadd.s32 $0x6, s19;
	v55 =	vadd.s32 s30, v4;
	[tilespmem:v40+s15+$0x0] =	vst.idx.add.f32.msk $0xffff, v3  }
0x3c5: {  	v47 =	vadd.s32 s31, v4;
	v45 =	vld.idx.msk [tilespmem:v51+s20+$0x0], $0xffff  }
0x3c6: {  	v38 =	vadd.s32 v23, v38;
	v44 =	vld.idx.msk [tilespmem:v52+s20+$0x0], $0xffff  }
0x3c7: {  	v39 =	vadd.s32 v23, v39;
	v43 =	vld.idx.msk [tilespmem:v53+s20+$0x0], $0xffff  }
0x3c8: {  	v41 =	vld.idx.msk [tilespmem:v54+s20+$0x0], $0xffff;
	v46 =	vadd.s32 v23, v46  }
0x3c9: {  	v42 =	vld.idx.msk [tilespmem:v55+s20+$0x0], $0xffff;
	v60 =	vadd.s32 v23, v48  }
0x3ca: {  	v47 =	vld.idx.msk [tilespmem:v47+s20+$0x0], $0xffff;
	v45 =	vadd.s32 v23, v45  }
0x3cb: {  	[tilespmem:v38+s15+$0x0] =	vst.idx.add.f32.msk $0xffff, v3;
	v44 =	vadd.s32 v23, v44  }
0x3cc: {  	[tilespmem:v39+s15+$0x0] =	vst.idx.add.f32.msk $0xffff, v3;
	v56 =	vadd.s32 v23, v43  }
0x3cd: {  	v57 =	vadd.s32 v23, v41;
	[tilespmem:v46+s15+$0x0] =	vst.idx.add.f32.msk $0xffff, v3  }
0x3ce: {  	v58 =	vadd.s32 v23, v42;
	[tilespmem:v60+s15+$0x0] =	vst.idx.add.f32.msk $0xffff, v3  }
0x3cf: {  	v59 =	vadd.s32 v23, v47;
	[tilespmem:v45+s15+$0x0] =	vst.idx.add.f32.msk $0xffff, v3  }
0x3d0: {  	s21 =	simm.s32 $0x7;
	v61 =	vadd.s32 s20, v6;
	[tilespmem:v44+s15+$0x0] =	vst.idx.add.f32.msk $0xffff, v3  }
0x3d1: {  	s22 =	simm.s32 $0x6;
	v62 =	vadd.s32 s21, v6;
	[tilespmem:v56+s15+$0x0] =	vst.idx.add.f32.msk $0xffff, v3  }
0x3d2: {  	p1 =	por $0x1, $0x1;
	v63 =	vadd.s32 s22, v6;
	[tilespmem:v57+s15+$0x0] =	vst.idx.add.f32.msk $0xffff, v3  }
.Ltmp27:
0x3d3: {  	[tilespmem:v58+s15+$0x0] =	vst.idx.add.f32.msk $0xffff, v3;
	(pc) =	sbr.rel @!p1 .LBB2_48-.Ltmp27, $4  }
0x3d4: {  	[tilespmem:v59+s15+$0x0] =	vst.idx.add.f32.msk $0xffff, v3  }
0x3d5: {  	s23 =	simm.s32 $0x5;
	v40 =	vld.idx.msk [tilespmem:v61+s20+$0x0], $0xffff  }
0x3d6: {  	s24 =	simm.s32 $0x4;
	s25 =	simm.s32 $0x3;
	s26 =	simm.s32 $0x2;
	v41 =	vadd.s32 s23, v6;
	v38 =	vld.idx.msk [tilespmem:v62+s20+$0x0], $0xffff  }
0x3d7: {  	s19 =	simm.s32 $0x1;
	s28 =	simm.s32 $0x8;
	p0 =	por $0x0, $0x0;
	v42 =	vadd.s32 s24, v6;
	v43 =	vadd.s32 s25, v6;
	v44 =	vadd.s32 s26, v6;
	v39 =	vld.idx.msk [tilespmem:v63+s20+$0x0], $0xffff  }
0x3d8: {  	_ =	sdelay $0x2  }
0x3d9: {  	v45 =	vadd.s32 s19, v6  }
0x3da: {  	v46 =	vadd.s32 s28, v6;
	v41 =	vld.idx.msk [tilespmem:v41+s20+$0x0], $0xffff;
	s0 =	simm.s32 $0xF  }
0x3db: {  	v42 =	vld.idx.msk [tilespmem:v42+s20+$0x0], $0xffff;
	s29 =	simm.s32 $0xE;
	v48 =	vadd.s32 s0, v6  }
0x3dc: {  	v43 =	vld.idx.msk [tilespmem:v43+s20+$0x0], $0xffff;
	v50 =	vadd.s32 s29, v6  }
0x3dd: {  	v44 =	vld.idx.msk [tilespmem:v44+s20+$0x0], $0xffff;
	v47 =	vadd.s32 v24, v40  }
0x3de: {  	v49 =	vadd.s32 v24, v38;
	v45 =	vld.idx.msk [tilespmem:v45+s20+$0x0], $0xffff  }
0x3df: {  	v62 =	vadd.s32 v24, v39;
	v40 =	vld.idx.msk [tilespmem:v46+s20+$0x0], $0xffff  }
0x3e0: {  	v41 =	vadd.s32 v24, v41;
	v38 =	vld.idx.msk [tilespmem:v48+s20+$0x0], $0xffff  }
0x3e1: {  	v42 =	vadd.s32 v24, v42;
	v39 =	vld.idx.msk [tilespmem:v50+s20+$0x0], $0xffff  }
0x3e2: {  	v43 =	vadd.s32 v24, v43;
	[tilespmem:v47+s15+$0x0] =	vst.idx.add.f32.msk $0xffff, v3  }
0x3e3: {  	p3 =	por $0x1, $0x1;
	v63 =	vadd.s32 v24, v44;
	[tilespmem:v49+s15+$0x0] =	vst.idx.add.f32.msk $0xffff, v3  }
.Ltmp28:
0x3e4: {  	s30 =	simm.s32 $0xD;
	[tilespmem:v62+s15+$0x0] =	vst.idx.add.f32.msk $0xffff, v3;
	v45 =	vadd.s32 v24, v45;
	(pc) =	sbr.rel @!p3 .LBB2_51-.Ltmp28, $4  }
0x3e5: {  	s1 =	simm.s32 $0xC;
	[tilespmem:v41+s15+$0x0] =	vst.idx.add.f32.msk $0xffff, v3;
	v41 =	vadd.s32 s30, v6  }
0x3e6: {  	s31 =	simm.s32 $0xB;
	[tilespmem:v42+s15+$0x0] =	vst.idx.add.f32.msk $0xffff, v3;
	v42 =	vadd.s32 s1, v6  }
0x3e7: {  	s3 =	simm.s32 $0xA;
	[tilespmem:v43+s15+$0x0] =	vst.idx.add.f32.msk $0xffff, v3;
	v43 =	vadd.s32 s31, v6  }
0x3e8: {  	p2 =	por $0x1, $0x1;
	s0 =	simm.s32 $0x10;
	v44 =	vadd.s32 s3, v6;
	s1 =	simm.s32 $0x9;
	[tilespmem:v63+s15+$0x0] =	vst.idx.add.f32.msk $0xffff, v3  }
.LBB2_50:
0x3e9: {  	p3 =	slt.u32 s0, $0xC0;
	v46 =	vadd.s32 s1, v6;
	[tilespmem:v45+s15+$0x0] =	vst.idx.add.f32.msk $0xffff, v3  }
0x3ea: {  	v45 =	vadd.s32 s0, v6;
	v41 =	vld.idx.msk [tilespmem:v41+s20+$0x0], $0xffff  }
0x3eb: {  	s1 =	sadd.s32 $0x7, s0;
	v47 =	vadd.s32 v24, v40;
	v42 =	vld.idx.msk [tilespmem:v42+s20+$0x0], $0xffff  }
0x3ec: {  	v48 =	vadd.s32 s1, v6;
	v43 =	vld.idx.msk [tilespmem:v43+s20+$0x0], $0xffff  }
0x3ed: {  	v49 =	vadd.s32 v24, v38;
	s1 =	sadd.s32 $0x6, s0;
	v44 =	vld.idx.msk [tilespmem:v44+s20+$0x0], $0xffff  }
0x3ee: {  	v50 =	vadd.s32 s1, v6;
	v46 =	vld.idx.msk [tilespmem:v46+s20+$0x0], $0xffff  }
0x3ef: {  	v51 =	vadd.s32 v24, v39;
	v40 =	vld.idx.msk [tilespmem:v45+s20+$0x0], $0xffff  }
0x3f0: {  	[tilespmem:v47+s15+$0x0] =	vst.idx.add.f32.msk $0xffff, v3;
	v47 =	vadd.s32 v24, v41  }
0x3f1: {  	v38 =	vld.idx.msk [tilespmem:v48+s20+$0x0], $0xffff;
	v48 =	vadd.s32 v24, v42  }
0x3f2: {  	v52 =	vadd.s32 v24, v43;
	[tilespmem:v49+s15+$0x0] =	vst.idx.add.f32.msk $0xffff, v3  }
0x3f3: {  	v49 =	vadd.s32 v24, v44;
	v39 =	vld.idx.msk [tilespmem:v50+s20+$0x0], $0xffff  }
.Ltmp29:
0x3f4: {  	s1 =	sadd.s32 $0x5, s0;
	v45 =	vadd.s32 v24, v46;
	[tilespmem:v51+s15+$0x0] =	vst.idx.add.f32.msk $0xffff, v3;
	(pc) =	sbr.rel @p3 .LBB2_50-.Ltmp29, $4  }
0x3f5: {  	s3 =	sadd.s32 $0x4, s0;
	v41 =	vadd.s32 s1, v6;
	[tilespmem:v47+s15+$0x0] =	vst.idx.add.f32.msk $0xffff, v3  }
0x3f6: {  	s1 =	sadd.s32 $0x3, s0;
	v42 =	vadd.s32 s3, v6;
	[tilespmem:v48+s15+$0x0] =	vst.idx.add.f32.msk $0xffff, v3  }
0x3f7: {  	s3 =	sadd.s32 $0x2, s0;
	v43 =	vadd.s32 s1, v6;
	[tilespmem:v52+s15+$0x0] =	vst.idx.add.f32.msk $0xffff, v3  }
0x3f8: {  	s1 =	sadd.s32 $0x1, s0;
	s0 =	sadd.s32 $0x8, s0;
	v44 =	vadd.s32 s3, v6;
	[tilespmem:v49+s15+$0x0] =	vst.idx.add.f32.msk $0xffff, v3  }
.LBB2_51:
0x3f9: {  	_ =	sdelay $0x2  }
0x3fa: {  	v46 =	vadd.s32 s1, v6  }
0x3fb: {  	v41 =	vld.idx.msk [tilespmem:v41+s20+$0x0], $0xffff  }
0x3fc: {  	v42 =	vld.idx.msk [tilespmem:v42+s20+$0x0], $0xffff  }
0x3fd: {  	v40 =	vadd.s32 v24, v40;
	v43 =	vld.idx.msk [tilespmem:v43+s20+$0x0], $0xffff  }
0x3fe: {  	v44 =	vld.idx.msk [tilespmem:v44+s20+$0x0], $0xffff;
	v38 =	vadd.s32 v24, v38  }
0x3ff: {  	v39 =	vadd.s32 v24, v39;
	v46 =	vld.idx.msk [tilespmem:v46+s20+$0x0], $0xffff  }
0x400: {  	v41 =	vadd.s32 v24, v41  }
0x401: {  	[tilespmem:v45+s15+$0x0] =	vst.idx.add.f32.msk @p2 $0xffff, v3;
	v42 =	vadd.s32 v24, v42  }
0x402: {  	[tilespmem:v40+s15+$0x0] =	vst.idx.add.f32.msk $0xffff, v3;
	v58 =	vadd.s32 v24, v43  }
0x403: {  	[tilespmem:v38+s15+$0x0] =	vst.idx.add.f32.msk $0xffff, v3;
	v59 =	vadd.s32 v24, v44  }
0x404: {  	[tilespmem:v39+s15+$0x0] =	vst.idx.add.f32.msk $0xffff, v3;
	v60 =	vadd.s32 v24, v46  }
0x405: {  	v61 =	vadd.s32 s20, v8;
	[tilespmem:v41+s15+$0x0] =	vst.idx.add.f32.msk $0xffff, v3  }
0x406: {  	v62 =	vadd.s32 s21, v8;
	[tilespmem:v42+s15+$0x0] =	vst.idx.add.f32.msk $0xffff, v3  }
0x407: {  	v63 =	vadd.s32 s22, v8;
	[tilespmem:v58+s15+$0x0] =	vst.idx.add.f32.msk $0xffff, v3  }
.Ltmp30:
0x408: {  	[tilespmem:v59+s15+$0x0] =	vst.idx.add.f32.msk $0xffff, v3;
	(pc) =	sbr.rel @!p1 .LBB2_52-.Ltmp30, $4  }
0x409: {  	[tilespmem:v60+s15+$0x0] =	vst.idx.add.f32.msk $0xffff, v3  }
0x40a: {  	v40 =	vld.idx.msk [tilespmem:v61+s2+$0x0], $0xffff  }
0x40b: {  	v43 =	vadd.s32 s25, v8;
	v38 =	vld.idx.msk [tilespmem:v62+s2+$0x0], $0xffff  }
0x40c: {  	v44 =	vadd.s32 s26, v8;
	v41 =	vadd.s32 s23, v8;
	v42 =	vadd.s32 s24, v8;
	v39 =	vld.idx.msk [tilespmem:v63+s2+$0x0], $0xffff  }
0x40d: {  	_ =	sdelay $0x2  }
0x40e: {  	v45 =	vadd.s32 s19, v8  }
0x40f: {  	v46 =	vadd.s32 s28, v8;
	v41 =	vld.idx.msk [tilespmem:v41+s2+$0x0], $0xffff;
	s0 =	simm.s32 $0xF  }
0x410: {  	v42 =	vld.idx.msk [tilespmem:v42+s2+$0x0], $0xffff;
	s28 =	simm.s32 $0xE;
	v48 =	vadd.s32 s0, v8  }
0x411: {  	v43 =	vld.idx.msk [tilespmem:v43+s2+$0x0], $0xffff;
	v50 =	vadd.s32 s28, v8  }
0x412: {  	v44 =	vld.idx.msk [tilespmem:v44+s2+$0x0], $0xffff;
	v47 =	vadd.s32 v25, v40  }
0x413: {  	v49 =	vadd.s32 v25, v38;
	v45 =	vld.idx.msk [tilespmem:v45+s2+$0x0], $0xffff  }
0x414: {  	v62 =	vadd.s32 v25, v39;
	v40 =	vld.idx.msk [tilespmem:v46+s2+$0x0], $0xffff  }
0x415: {  	v41 =	vadd.s32 v25, v41;
	v38 =	vld.idx.msk [tilespmem:v48+s2+$0x0], $0xffff  }
0x416: {  	v42 =	vadd.s32 v25, v42;
	v39 =	vld.idx.msk [tilespmem:v50+s2+$0x0], $0xffff  }
0x417: {  	v43 =	vadd.s32 v25, v43;
	[tilespmem:v47+s15+$0x0] =	vst.idx.add.f32.msk $0xffff, v3  }
0x418: {  	p1 =	por $0x1, $0x1;
	v63 =	vadd.s32 v25, v44;
	[tilespmem:v49+s15+$0x0] =	vst.idx.add.f32.msk $0xffff, v3  }
.Ltmp31:
0x419: {  	s29 =	simm.s32 $0xD;
	[tilespmem:v62+s15+$0x0] =	vst.idx.add.f32.msk $0xffff, v3;
	v45 =	vadd.s32 v25, v45;
	(pc) =	sbr.rel @!p1 .LBB2_55-.Ltmp31, $4  }
0x41a: {  	s1 =	simm.s32 $0xC;
	[tilespmem:v41+s15+$0x0] =	vst.idx.add.f32.msk $0xffff, v3;
	v41 =	vadd.s32 s29, v8  }
0x41b: {  	s30 =	simm.s32 $0xB;
	[tilespmem:v42+s15+$0x0] =	vst.idx.add.f32.msk $0xffff, v3;
	v42 =	vadd.s32 s1, v8  }
0x41c: {  	s31 =	simm.s32 $0xA;
	[tilespmem:v43+s15+$0x0] =	vst.idx.add.f32.msk $0xffff, v3;
	v43 =	vadd.s32 s30, v8  }
0x41d: {  	s19 =	simm.s32 $0x9;
	p0 =	por $0x1, $0x1;
	s0 =	simm.s32 $0x10;
	v44 =	vadd.s32 s31, v8;
	[tilespmem:v63+s15+$0x0] =	vst.idx.add.f32.msk $0xffff, v3  }
.LBB2_54:
0x41e: {  	p1 =	slt.u32 s0, $0xC0;
	v46 =	vadd.s32 s19, v8;
	[tilespmem:v45+s15+$0x0] =	vst.idx.add.f32.msk $0xffff, v3  }
0x41f: {  	v45 =	vadd.s32 s0, v8;
	v41 =	vld.idx.msk [tilespmem:v41+s2+$0x0], $0xffff  }
0x420: {  	s1 =	sadd.s32 $0x7, s0;
	v47 =	vadd.s32 v25, v40;
	v42 =	vld.idx.msk [tilespmem:v42+s2+$0x0], $0xffff  }
0x421: {  	v48 =	vadd.s32 s1, v8;
	v43 =	vld.idx.msk [tilespmem:v43+s2+$0x0], $0xffff  }
0x422: {  	v49 =	vadd.s32 v25, v38;
	s1 =	sadd.s32 $0x6, s0;
	v44 =	vld.idx.msk [tilespmem:v44+s2+$0x0], $0xffff  }
0x423: {  	v50 =	vadd.s32 s1, v8;
	v46 =	vld.idx.msk [tilespmem:v46+s2+$0x0], $0xffff  }
0x424: {  	v51 =	vadd.s32 v25, v39;
	v40 =	vld.idx.msk [tilespmem:v45+s2+$0x0], $0xffff  }
0x425: {  	[tilespmem:v47+s15+$0x0] =	vst.idx.add.f32.msk $0xffff, v3;
	v47 =	vadd.s32 v25, v41  }
0x426: {  	v38 =	vld.idx.msk [tilespmem:v48+s2+$0x0], $0xffff;
	v48 =	vadd.s32 v25, v42  }
0x427: {  	v52 =	vadd.s32 v25, v43;
	[tilespmem:v49+s15+$0x0] =	vst.idx.add.f32.msk $0xffff, v3  }
0x428: {  	v49 =	vadd.s32 v25, v44;
	v39 =	vld.idx.msk [tilespmem:v50+s2+$0x0], $0xffff  }
.Ltmp32:
0x429: {  	s1 =	sadd.s32 $0x5, s0;
	v45 =	vadd.s32 v25, v46;
	[tilespmem:v51+s15+$0x0] =	vst.idx.add.f32.msk $0xffff, v3;
	(pc) =	sbr.rel @p1 .LBB2_54-.Ltmp32, $4  }
0x42a: {  	s3 =	sadd.s32 $0x4, s0;
	v41 =	vadd.s32 s1, v8;
	[tilespmem:v47+s15+$0x0] =	vst.idx.add.f32.msk $0xffff, v3  }
0x42b: {  	s1 =	sadd.s32 $0x3, s0;
	v42 =	vadd.s32 s3, v8;
	[tilespmem:v48+s15+$0x0] =	vst.idx.add.f32.msk $0xffff, v3  }
0x42c: {  	s3 =	sadd.s32 $0x2, s0;
	v43 =	vadd.s32 s1, v8;
	[tilespmem:v52+s15+$0x0] =	vst.idx.add.f32.msk $0xffff, v3  }
0x42d: {  	s19 =	sadd.s32 $0x1, s0;
	s0 =	sadd.s32 $0x8, s0;
	v44 =	vadd.s32 s3, v8;
	[tilespmem:v49+s15+$0x0] =	vst.idx.add.f32.msk $0xffff, v3  }
.LBB2_55:
0x42e: {  	_ =	sdelay $0x2  }
0x42f: {  	v46 =	vadd.s32 s19, v8  }
0x430: {  	v41 =	vld.idx.msk [tilespmem:v41+s2+$0x0], $0xffff  }
0x431: {  	v42 =	vld.idx.msk [tilespmem:v42+s2+$0x0], $0xffff  }
0x432: {  	v40 =	vadd.s32 v25, v40;
	v43 =	vld.idx.msk [tilespmem:v43+s2+$0x0], $0xffff  }
0x433: {  	v44 =	vld.idx.msk [tilespmem:v44+s2+$0x0], $0xffff;
	v38 =	vadd.s32 v25, v38  }
0x434: {  	v39 =	vadd.s32 v25, v39;
	v46 =	vld.idx.msk [tilespmem:v46+s2+$0x0], $0xffff  }
0x435: {  	v41 =	vadd.s32 v25, v41  }
0x436: {  	[tilespmem:v45+s15+$0x0] =	vst.idx.add.f32.msk @p0 $0xffff, v3;
	v42 =	vadd.s32 v25, v42  }
0x437: {  	[tilespmem:v40+s15+$0x0] =	vst.idx.add.f32.msk $0xffff, v3;
	v50 =	vadd.s32 v25, v43  }
0x438: {  	[tilespmem:v38+s15+$0x0] =	vst.idx.add.f32.msk $0xffff, v3;
	v51 =	vadd.s32 v25, v44  }
0x439: {  	[tilespmem:v39+s15+$0x0] =	vst.idx.add.f32.msk $0xffff, v3;
	v52 =	vadd.s32 v25, v46  }
0x43a: {  	[tilespmem:v41+s15+$0x0] =	vst.idx.add.f32.msk $0xffff, v3  }
0x43b: {  	[tilespmem:v42+s15+$0x0] =	vst.idx.add.f32.msk $0xffff, v3  }
0x43c: {  	[tilespmem:v50+s15+$0x0] =	vst.idx.add.f32.msk $0xffff, v3  }
0x43d: {  	s20 =	simm.s32 $0x0;
	[tilespmem:v51+s15+$0x0] =	vst.idx.add.f32.msk $0xffff, v3  }
0x43e: {  	s21 =	simm.s32 $0x7;
	v53 =	vadd.s32 s20, v0;
	[tilespmem:v52+s15+$0x0] =	vst.idx.add.f32.msk $0xffff, v3  }
0x43f: {  	s22 =	simm.s32 $0x6;
	v54 =	vadd.s32 s21, v0;
	_ =	swait.ge [sflag:s16], $0x3200  }
0x440: {  	s23 =	simm.s32 $0x5;
	v55 =	vadd.s32 s22, v0;
	[sflag:s16] =	ssyncset.done $0x0  }
0x441: {  	s19 =	simm.s32 $0x4;
	s24 =	simm.s32 $0x3;
	v56 =	vadd.s32 s23, v0;
	[sflag:s16] =	ssyncadd.s32 $0xFFFFCE00  }
0x442: {  	v57 =	vadd.s32 s19, v0;
	[tilespmem:s20], [sflag:$0x1] =	stream.linear.gather [hbm4b:s9+s20], $0x3200, $0x38;
	[tilespmem:$0xE400] =	vst v63  }
0x443: {  	s25 =	simm.s32 $0x2;
	v58 =	vadd.s32 s24, v0;
	v38 =	vld.idx.msk [tilespmem:v53+s14+$0x0], $0xffff  }
0x444: {  	s26 =	simm.s32 $0x1;
	v59 =	vadd.s32 s25, v0;
	v39 =	vld.idx.msk [tilespmem:v54+s14+$0x0], $0xffff  }
0x445: {  	s28 =	simm.s32 $0x8;
	v60 =	vadd.s32 s26, v0;
	v40 =	vld.idx.msk [tilespmem:v55+s14+$0x0], $0xffff  }
0x446: {  	s30 =	simm.s32 $0xE;
	v61 =	vadd.s32 s28, v0;
	v41 =	vld.idx.msk [tilespmem:v56+s14+$0x0], $0xffff  }
0x447: {  	v49 =	vadd.s32 s30, v0;
	v42 =	vld.idx.msk [tilespmem:v57+s14+$0x0], $0xffff  }
0x448: {  	s29 =	simm.s32 $0xF;
	v43 =	vld.idx.msk [tilespmem:v58+s14+$0x0], $0xffff;
	v38 =	vadd.s32 v26, v38  }
0x449: {  	v47 =	vadd.s32 s29, v0;
	v44 =	vld.idx.msk [tilespmem:v59+s14+$0x0], $0xffff  }
0x44a: {  	v45 =	vld.idx.msk [tilespmem:v60+s14+$0x0], $0xffff;
	v48 =	vadd.s32 v26, v39  }
0x44b: {  	v39 =	vld.idx.msk [tilespmem:v61+s14+$0x0], $0xffff;
	v41 =	vadd.s32 v26, v41  }
0x44c: {  	v62 =	vadd.s32 v26, v40;
	v42 =	vadd.s32 v26, v42;
	v40 =	vld.idx.msk [tilespmem:v49+s14+$0x0], $0xffff  }
0x44d: {  	v43 =	vadd.s32 v26, v43;
	[tilespmem:v38+s15+$0x0] =	vst.idx.add.f32.msk $0xffff, v3  }
0x44e: {  	v38 =	vld.idx.msk [tilespmem:v47+s14+$0x0], $0xffff  }
0x44f: {  	v63 =	vadd.s32 v26, v44;
	[tilespmem:v48+s15+$0x0] =	vst.idx.add.f32.msk $0xffff, v3  }
0x450: {  	s31 =	simm.s32 $0xD;
	[tilespmem:v41+s15+$0x0] =	vst.idx.add.f32.msk $0xffff, v3;
	v41 =	vadd.s32 v26, v45  }
0x451: {  	s0 =	simm.s32 $0xC;
	[tilespmem:v42+s15+$0x0] =	vst.idx.add.f32.msk $0xffff, v3;
	v42 =	vadd.s32 s31, v0  }
0x452: {  	s3 =	simm.s32 $0xB;
	[tilespmem:v43+s15+$0x0] =	vst.idx.add.f32.msk $0xffff, v3;
	v43 =	vadd.s32 s0, v0  }
0x453: {  	s1 =	simm.s32 $0xA;
	v44 =	vadd.s32 s3, v0;
	[tilespmem:v62+s15+$0x0] =	vst.idx.add.f32.msk $0xffff, v3  }
0x454: {  	s5 =	simm.s32 $0x9;
	s4 =	simm.s32 $0x10;
	v45 =	vadd.s32 s1, v0;
	[tilespmem:v63+s15+$0x0] =	vst.idx.add.f32.msk $0xffff, v3  }
.LBB2_56:
0x455: {  	p0 =	slt.u32 s4, $0xC0;
	v46 =	vadd.s32 s5, v0;
	[tilespmem:v41+s15+$0x0] =	vst.idx.add.f32.msk $0xffff, v3  }
0x456: {  	v41 =	vadd.s32 s4, v0;
	v42 =	vld.idx.msk [tilespmem:v42+s14+$0x0], $0xffff  }
0x457: {  	s5 =	sadd.s32 $0x7, s4;
	v47 =	vadd.s32 v26, v39;
	v43 =	vld.idx.msk [tilespmem:v43+s14+$0x0], $0xffff  }
0x458: {  	v48 =	vadd.s32 s5, v0;
	v44 =	vld.idx.msk [tilespmem:v44+s14+$0x0], $0xffff  }
0x459: {  	v49 =	vadd.s32 v26, v38;
	s5 =	sadd.s32 $0x6, s4;
	v45 =	vld.idx.msk [tilespmem:v45+s14+$0x0], $0xffff  }
0x45a: {  	v50 =	vadd.s32 s5, v0;
	v46 =	vld.idx.msk [tilespmem:v46+s14+$0x0], $0xffff  }
0x45b: {  	v51 =	vadd.s32 v26, v40;
	v39 =	vld.idx.msk [tilespmem:v41+s14+$0x0], $0xffff  }
0x45c: {  	[tilespmem:v47+s15+$0x0] =	vst.idx.add.f32.msk $0xffff, v3;
	v47 =	vadd.s32 v26, v42  }
0x45d: {  	v38 =	vld.idx.msk [tilespmem:v48+s14+$0x0], $0xffff;
	v48 =	vadd.s32 v26, v43  }
0x45e: {  	v52 =	vadd.s32 v26, v44;
	[tilespmem:v49+s15+$0x0] =	vst.idx.add.f32.msk $0xffff, v3  }
0x45f: {  	v49 =	vadd.s32 v26, v45;
	v40 =	vld.idx.msk [tilespmem:v50+s14+$0x0], $0xffff  }
.Ltmp33:
0x460: {  	s5 =	sadd.s32 $0x5, s4;
	v41 =	vadd.s32 v26, v46;
	[tilespmem:v51+s15+$0x0] =	vst.idx.add.f32.msk $0xffff, v3;
	(pc) =	sbr.rel @p0 .LBB2_56-.Ltmp33, $4  }
0x461: {  	s6 =	sadd.s32 $0x4, s4;
	v42 =	vadd.s32 s5, v0;
	[tilespmem:v47+s15+$0x0] =	vst.idx.add.f32.msk $0xffff, v3  }
0x462: {  	s5 =	sadd.s32 $0x3, s4;
	v43 =	vadd.s32 s6, v0;
	[tilespmem:v48+s15+$0x0] =	vst.idx.add.f32.msk $0xffff, v3  }
0x463: {  	s6 =	sadd.s32 $0x2, s4;
	v44 =	vadd.s32 s5, v0;
	[tilespmem:v52+s15+$0x0] =	vst.idx.add.f32.msk $0xffff, v3  }
0x464: {  	s5 =	sadd.s32 $0x1, s4;
	s4 =	sadd.s32 $0x8, s4;
	v45 =	vadd.s32 s6, v0;
	[tilespmem:v49+s15+$0x0] =	vst.idx.add.f32.msk $0xffff, v3  }
0x465: {  	_ =	sdelay $0x2  }
0x466: {  	v46 =	vadd.s32 s5, v0  }
0x467: {  	v42 =	vld.idx.msk [tilespmem:v42+s14+$0x0], $0xffff  }
0x468: {  	v43 =	vld.idx.msk [tilespmem:v43+s14+$0x0], $0xffff  }
0x469: {  	v39 =	vadd.s32 v26, v39;
	v44 =	vld.idx.msk [tilespmem:v44+s14+$0x0], $0xffff  }
0x46a: {  	v45 =	vld.idx.msk [tilespmem:v45+s14+$0x0], $0xffff;
	v38 =	vadd.s32 v26, v38  }
0x46b: {  	v40 =	vadd.s32 v26, v40;
	v46 =	vld.idx.msk [tilespmem:v46+s14+$0x0], $0xffff  }
0x46c: {  	v42 =	vadd.s32 v26, v42  }
0x46d: {  	[tilespmem:v41+s15+$0x0] =	vst.idx.add.f32.msk $0xffff, v3;
	v49 =	vadd.s32 v26, v43  }
0x46e: {  	[tilespmem:v39+s15+$0x0] =	vst.idx.add.f32.msk $0xffff, v3;
	v50 =	vadd.s32 v26, v44  }
0x46f: {  	[tilespmem:v38+s15+$0x0] =	vst.idx.add.f32.msk $0xffff, v3;
	v51 =	vadd.s32 v26, v45  }
0x470: {  	[tilespmem:v40+s15+$0x0] =	vst.idx.add.f32.msk $0xffff, v3;
	v52 =	vadd.s32 v26, v46  }
0x471: {  	v53 =	vadd.s32 s20, v4;
	[tilespmem:v42+s15+$0x0] =	vst.idx.add.f32.msk $0xffff, v3  }
0x472: {  	v54 =	vadd.s32 s21, v4;
	[tilespmem:v49+s15+$0x0] =	vst.idx.add.f32.msk $0xffff, v3  }
0x473: {  	v55 =	vadd.s32 s22, v4;
	[tilespmem:v50+s15+$0x0] =	vst.idx.add.f32.msk $0xffff, v3  }
0x474: {  	v56 =	vadd.s32 s23, v4;
	[tilespmem:v51+s15+$0x0] =	vst.idx.add.f32.msk $0xffff, v3  }
0x475: {  	v57 =	vadd.s32 s19, v4;
	[tilespmem:v52+s15+$0x0] =	vst.idx.add.f32.msk $0xffff, v3  }
0x476: {  	v58 =	vadd.s32 s24, v4;
	v40 =	vld.idx.msk [tilespmem:v53+s14+$0x0], $0xffff  }
0x477: {  	v59 =	vadd.s32 s25, v4;
	v39 =	vld.idx.msk [tilespmem:v54+s14+$0x0], $0xffff  }
0x478: {  	v60 =	vadd.s32 s26, v4;
	v38 =	vld.idx.msk [tilespmem:v55+s14+$0x0], $0xffff  }
0x479: {  	v61 =	vadd.s32 s28, v4;
	v41 =	vld.idx.msk [tilespmem:v56+s14+$0x0], $0xffff  }
0x47a: {  	v47 =	vadd.s32 s29, v4;
	v42 =	vld.idx.msk [tilespmem:v57+s14+$0x0], $0xffff  }
0x47b: {  	v43 =	vld.idx.msk [tilespmem:v58+s14+$0x0], $0xffff;
	v40 =	vadd.s32 v27, v40  }
0x47c: {  	v44 =	vld.idx.msk [tilespmem:v59+s14+$0x0], $0xffff;
	v48 =	vadd.s32 v27, v39  }
0x47d: {  	v49 =	vadd.s32 s30, v4;
	v45 =	vld.idx.msk [tilespmem:v60+s14+$0x0], $0xffff  }
0x47e: {  	v39 =	vld.idx.msk [tilespmem:v61+s14+$0x0], $0xffff;
	v41 =	vadd.s32 v27, v41  }
0x47f: {  	v62 =	vadd.s32 v27, v38;
	v38 =	vld.idx.msk [tilespmem:v47+s14+$0x0], $0xffff;
	v42 =	vadd.s32 v27, v42  }
0x480: {  	v43 =	vadd.s32 v27, v43;
	[tilespmem:v40+s15+$0x0] =	vst.idx.add.f32.msk $0xffff, v3  }
0x481: {  	[tilespmem:v48+s15+$0x0] =	vst.idx.add.f32.msk $0xffff, v3  }
0x482: {  	v63 =	vadd.s32 v27, v44;
	v40 =	vld.idx.msk [tilespmem:v49+s14+$0x0], $0xffff  }
0x483: {  	[tilespmem:v41+s15+$0x0] =	vst.idx.add.f32.msk $0xffff, v3;
	v41 =	vadd.s32 v27, v45  }
0x484: {  	[tilespmem:v42+s15+$0x0] =	vst.idx.add.f32.msk $0xffff, v3;
	v42 =	vadd.s32 s31, v4  }
0x485: {  	[tilespmem:v43+s15+$0x0] =	vst.idx.add.f32.msk $0xffff, v3;
	v43 =	vadd.s32 s0, v4  }
0x486: {  	v44 =	vadd.s32 s3, v4;
	[tilespmem:v62+s15+$0x0] =	vst.idx.add.f32.msk $0xffff, v3  }
0x487: {  	s3 =	simm.s32 $0x9;
	v45 =	vadd.s32 s1, v4;
	s0 =	simm.s32 $0x10;
	[tilespmem:v63+s15+$0x0] =	vst.idx.add.f32.msk $0xffff, v3  }
.LBB2_58:
0x488: {  	p0 =	slt.u32 s0, $0xC0;
	v46 =	vadd.s32 s3, v4;
	[tilespmem:v41+s15+$0x0] =	vst.idx.add.f32.msk $0xffff, v3  }
0x489: {  	v41 =	vadd.s32 s0, v4;
	v42 =	vld.idx.msk [tilespmem:v42+s14+$0x0], $0xffff  }
0x48a: {  	s1 =	sadd.s32 $0x7, s0;
	v47 =	vadd.s32 v27, v39;
	v43 =	vld.idx.msk [tilespmem:v43+s14+$0x0], $0xffff  }
0x48b: {  	v48 =	vadd.s32 s1, v4;
	v44 =	vld.idx.msk [tilespmem:v44+s14+$0x0], $0xffff  }
0x48c: {  	v49 =	vadd.s32 v27, v38;
	s1 =	sadd.s32 $0x6, s0;
	v45 =	vld.idx.msk [tilespmem:v45+s14+$0x0], $0xffff  }
0x48d: {  	v50 =	vadd.s32 s1, v4;
	v46 =	vld.idx.msk [tilespmem:v46+s14+$0x0], $0xffff  }
0x48e: {  	v51 =	vadd.s32 v27, v40;
	v39 =	vld.idx.msk [tilespmem:v41+s14+$0x0], $0xffff  }
0x48f: {  	[tilespmem:v47+s15+$0x0] =	vst.idx.add.f32.msk $0xffff, v3;
	v47 =	vadd.s32 v27, v42  }
0x490: {  	v38 =	vld.idx.msk [tilespmem:v48+s14+$0x0], $0xffff;
	v48 =	vadd.s32 v27, v43  }
0x491: {  	v52 =	vadd.s32 v27, v44;
	[tilespmem:v49+s15+$0x0] =	vst.idx.add.f32.msk $0xffff, v3  }
0x492: {  	v49 =	vadd.s32 v27, v45;
	v40 =	vld.idx.msk [tilespmem:v50+s14+$0x0], $0xffff  }
.Ltmp34:
0x493: {  	s1 =	sadd.s32 $0x5, s0;
	v41 =	vadd.s32 v27, v46;
	[tilespmem:v51+s15+$0x0] =	vst.idx.add.f32.msk $0xffff, v3;
	(pc) =	sbr.rel @p0 .LBB2_58-.Ltmp34, $4  }
0x494: {  	s3 =	sadd.s32 $0x4, s0;
	v42 =	vadd.s32 s1, v4;
	[tilespmem:v47+s15+$0x0] =	vst.idx.add.f32.msk $0xffff, v3  }
0x495: {  	s1 =	sadd.s32 $0x3, s0;
	v43 =	vadd.s32 s3, v4;
	[tilespmem:v48+s15+$0x0] =	vst.idx.add.f32.msk $0xffff, v3  }
0x496: {  	s4 =	sadd.s32 $0x2, s0;
	v44 =	vadd.s32 s1, v4;
	[tilespmem:v52+s15+$0x0] =	vst.idx.add.f32.msk $0xffff, v3  }
0x497: {  	s3 =	sadd.s32 $0x1, s0;
	s0 =	sadd.s32 $0x8, s0;
	v45 =	vadd.s32 s4, v4;
	[tilespmem:v49+s15+$0x0] =	vst.idx.add.f32.msk $0xffff, v3  }
0x498: {  	_ =	sdelay $0x2  }
0x499: {  	v46 =	vadd.s32 s3, v4  }
0x49a: {  	v42 =	vld.idx.msk [tilespmem:v42+s14+$0x0], $0xffff  }
0x49b: {  	v43 =	vld.idx.msk [tilespmem:v43+s14+$0x0], $0xffff  }
0x49c: {  	v39 =	vadd.s32 v27, v39;
	v44 =	vld.idx.msk [tilespmem:v44+s14+$0x0], $0xffff  }
0x49d: {  	v45 =	vld.idx.msk [tilespmem:v45+s14+$0x0], $0xffff;
	v38 =	vadd.s32 v27, v38  }
0x49e: {  	v40 =	vadd.s32 v27, v40;
	v46 =	vld.idx.msk [tilespmem:v46+s14+$0x0], $0xffff  }
0x49f: {  	v42 =	vadd.s32 v27, v42  }
0x4a0: {  	[tilespmem:v41+s15+$0x0] =	vst.idx.add.f32.msk $0xffff, v3;
	v49 =	vadd.s32 v27, v43  }
0x4a1: {  	[tilespmem:v39+s15+$0x0] =	vst.idx.add.f32.msk $0xffff, v3;
	v50 =	vadd.s32 v27, v44  }
0x4a2: {  	[tilespmem:v38+s15+$0x0] =	vst.idx.add.f32.msk $0xffff, v3;
	v51 =	vadd.s32 v27, v45  }
0x4a3: {  	s19 =	simm.s32 $0x0;
	[tilespmem:v40+s15+$0x0] =	vst.idx.add.f32.msk $0xffff, v3;
	v52 =	vadd.s32 v27, v46  }
0x4a4: {  	s20 =	simm.s32 $0x7;
	v53 =	vadd.s32 s19, v6;
	[tilespmem:v42+s15+$0x0] =	vst.idx.add.f32.msk $0xffff, v3  }
0x4a5: {  	s21 =	simm.s32 $0x6;
	v54 =	vadd.s32 s20, v6;
	[tilespmem:v49+s15+$0x0] =	vst.idx.add.f32.msk $0xffff, v3  }
0x4a6: {  	s22 =	simm.s32 $0x5;
	v55 =	vadd.s32 s21, v6;
	[tilespmem:v50+s15+$0x0] =	vst.idx.add.f32.msk $0xffff, v3  }
0x4a7: {  	s23 =	simm.s32 $0x4;
	v56 =	vadd.s32 s22, v6;
	[tilespmem:v51+s15+$0x0] =	vst.idx.add.f32.msk $0xffff, v3  }
0x4a8: {  	s24 =	simm.s32 $0x3;
	v57 =	vadd.s32 s23, v6;
	[tilespmem:v52+s15+$0x0] =	vst.idx.add.f32.msk $0xffff, v3  }
0x4a9: {  	s25 =	simm.s32 $0x2;
	v58 =	vadd.s32 s24, v6;
	v40 =	vld.idx.msk [tilespmem:v53+s14+$0x0], $0xffff  }
0x4aa: {  	s26 =	simm.s32 $0x1;
	v59 =	vadd.s32 s25, v6;
	v39 =	vld.idx.msk [tilespmem:v54+s14+$0x0], $0xffff  }
0x4ab: {  	s28 =	simm.s32 $0x8;
	v60 =	vadd.s32 s26, v6;
	v38 =	vld.idx.msk [tilespmem:v55+s14+$0x0], $0xffff  }
0x4ac: {  	s29 =	simm.s32 $0xF;
	v61 =	vadd.s32 s28, v6;
	v41 =	vld.idx.msk [tilespmem:v56+s14+$0x0], $0xffff  }
0x4ad: {  	v47 =	vadd.s32 s29, v6;
	v42 =	vld.idx.msk [tilespmem:v57+s14+$0x0], $0xffff  }
0x4ae: {  	v43 =	vld.idx.msk [tilespmem:v58+s14+$0x0], $0xffff;
	v40 =	vadd.s32 v28, v40  }
0x4af: {  	s30 =	simm.s32 $0xE;
	v44 =	vld.idx.msk [tilespmem:v59+s14+$0x0], $0xffff;
	v48 =	vadd.s32 v28, v39  }
0x4b0: {  	v49 =	vadd.s32 s30, v6;
	v45 =	vld.idx.msk [tilespmem:v60+s14+$0x0], $0xffff  }
0x4b1: {  	v39 =	vld.idx.msk [tilespmem:v61+s14+$0x0], $0xffff;
	v41 =	vadd.s32 v28, v41  }
0x4b2: {  	v62 =	vadd.s32 v28, v38;
	v38 =	vld.idx.msk [tilespmem:v47+s14+$0x0], $0xffff;
	v42 =	vadd.s32 v28, v42  }
0x4b3: {  	v43 =	vadd.s32 v28, v43;
	[tilespmem:v40+s15+$0x0] =	vst.idx.add.f32.msk $0xffff, v3  }
0x4b4: {  	[tilespmem:v48+s15+$0x0] =	vst.idx.add.f32.msk $0xffff, v3  }
0x4b5: {  	v63 =	vadd.s32 v28, v44;
	v40 =	vld.idx.msk [tilespmem:v49+s14+$0x0], $0xffff  }
0x4b6: {  	s31 =	simm.s32 $0xD;
	[tilespmem:v41+s15+$0x0] =	vst.idx.add.f32.msk $0xffff, v3;
	v41 =	vadd.s32 v28, v45  }
0x4b7: {  	s0 =	simm.s32 $0xC;
	[tilespmem:v42+s15+$0x0] =	vst.idx.add.f32.msk $0xffff, v3;
	v42 =	vadd.s32 s31, v6  }
0x4b8: {  	s3 =	simm.s32 $0xB;
	[tilespmem:v43+s15+$0x0] =	vst.idx.add.f32.msk $0xffff, v3;
	v43 =	vadd.s32 s0, v6  }
0x4b9: {  	s1 =	simm.s32 $0xA;
	v44 =	vadd.s32 s3, v6;
	[tilespmem:v62+s15+$0x0] =	vst.idx.add.f32.msk $0xffff, v3  }
0x4ba: {  	s5 =	simm.s32 $0x9;
	s4 =	simm.s32 $0x10;
	v45 =	vadd.s32 s1, v6;
	[tilespmem:v63+s15+$0x0] =	vst.idx.add.f32.msk $0xffff, v3  }
.LBB2_60:
0x4bb: {  	p0 =	slt.u32 s4, $0xC0;
	v46 =	vadd.s32 s5, v6;
	[tilespmem:v41+s15+$0x0] =	vst.idx.add.f32.msk $0xffff, v3  }
0x4bc: {  	v41 =	vadd.s32 s4, v6;
	v42 =	vld.idx.msk [tilespmem:v42+s14+$0x0], $0xffff  }
0x4bd: {  	s5 =	sadd.s32 $0x7, s4;
	v47 =	vadd.s32 v28, v39;
	v43 =	vld.idx.msk [tilespmem:v43+s14+$0x0], $0xffff  }
0x4be: {  	v48 =	vadd.s32 s5, v6;
	v44 =	vld.idx.msk [tilespmem:v44+s14+$0x0], $0xffff  }
0x4bf: {  	v49 =	vadd.s32 v28, v38;
	s5 =	sadd.s32 $0x6, s4;
	v45 =	vld.idx.msk [tilespmem:v45+s14+$0x0], $0xffff  }
0x4c0: {  	v50 =	vadd.s32 s5, v6;
	v46 =	vld.idx.msk [tilespmem:v46+s14+$0x0], $0xffff  }
0x4c1: {  	v51 =	vadd.s32 v28, v40;
	v39 =	vld.idx.msk [tilespmem:v41+s14+$0x0], $0xffff  }
0x4c2: {  	[tilespmem:v47+s15+$0x0] =	vst.idx.add.f32.msk $0xffff, v3;
	v47 =	vadd.s32 v28, v42  }
0x4c3: {  	v38 =	vld.idx.msk [tilespmem:v48+s14+$0x0], $0xffff;
	v48 =	vadd.s32 v28, v43  }
0x4c4: {  	v52 =	vadd.s32 v28, v44;
	[tilespmem:v49+s15+$0x0] =	vst.idx.add.f32.msk $0xffff, v3  }
0x4c5: {  	v49 =	vadd.s32 v28, v45;
	v40 =	vld.idx.msk [tilespmem:v50+s14+$0x0], $0xffff  }
.Ltmp35:
0x4c6: {  	s5 =	sadd.s32 $0x5, s4;
	v41 =	vadd.s32 v28, v46;
	[tilespmem:v51+s15+$0x0] =	vst.idx.add.f32.msk $0xffff, v3;
	(pc) =	sbr.rel @p0 .LBB2_60-.Ltmp35, $4  }
0x4c7: {  	s6 =	sadd.s32 $0x4, s4;
	v42 =	vadd.s32 s5, v6;
	[tilespmem:v47+s15+$0x0] =	vst.idx.add.f32.msk $0xffff, v3  }
0x4c8: {  	s5 =	sadd.s32 $0x3, s4;
	v43 =	vadd.s32 s6, v6;
	[tilespmem:v48+s15+$0x0] =	vst.idx.add.f32.msk $0xffff, v3  }
0x4c9: {  	s6 =	sadd.s32 $0x2, s4;
	v44 =	vadd.s32 s5, v6;
	[tilespmem:v52+s15+$0x0] =	vst.idx.add.f32.msk $0xffff, v3  }
0x4ca: {  	s5 =	sadd.s32 $0x1, s4;
	s4 =	sadd.s32 $0x8, s4;
	v45 =	vadd.s32 s6, v6;
	[tilespmem:v49+s15+$0x0] =	vst.idx.add.f32.msk $0xffff, v3  }
0x4cb: {  	_ =	sdelay $0x2  }
0x4cc: {  	v46 =	vadd.s32 s5, v6  }
0x4cd: {  	v42 =	vld.idx.msk [tilespmem:v42+s14+$0x0], $0xffff  }
0x4ce: {  	v43 =	vld.idx.msk [tilespmem:v43+s14+$0x0], $0xffff  }
0x4cf: {  	v39 =	vadd.s32 v28, v39;
	v44 =	vld.idx.msk [tilespmem:v44+s14+$0x0], $0xffff  }
0x4d0: {  	v45 =	vld.idx.msk [tilespmem:v45+s14+$0x0], $0xffff;
	v38 =	vadd.s32 v28, v38  }
0x4d1: {  	v40 =	vadd.s32 v28, v40;
	v46 =	vld.idx.msk [tilespmem:v46+s14+$0x0], $0xffff  }
0x4d2: {  	v42 =	vadd.s32 v28, v42  }
0x4d3: {  	[tilespmem:v41+s15+$0x0] =	vst.idx.add.f32.msk $0xffff, v3;
	v49 =	vadd.s32 v28, v43  }
0x4d4: {  	[tilespmem:v39+s15+$0x0] =	vst.idx.add.f32.msk $0xffff, v3;
	v50 =	vadd.s32 v28, v44  }
0x4d5: {  	[tilespmem:v38+s15+$0x0] =	vst.idx.add.f32.msk $0xffff, v3;
	v51 =	vadd.s32 v28, v45  }
0x4d6: {  	[tilespmem:v40+s15+$0x0] =	vst.idx.add.f32.msk $0xffff, v3;
	v52 =	vadd.s32 v28, v46  }
0x4d7: {  	v53 =	vadd.s32 s19, v8;
	[tilespmem:v42+s15+$0x0] =	vst.idx.add.f32.msk $0xffff, v3  }
0x4d8: {  	v54 =	vadd.s32 s20, v8;
	[tilespmem:v49+s15+$0x0] =	vst.idx.add.f32.msk $0xffff, v3  }
0x4d9: {  	v55 =	vadd.s32 s21, v8;
	[tilespmem:v50+s15+$0x0] =	vst.idx.add.f32.msk $0xffff, v3  }
0x4da: {  	v56 =	vadd.s32 s22, v8;
	[tilespmem:v51+s15+$0x0] =	vst.idx.add.f32.msk $0xffff, v3  }
0x4db: {  	v57 =	vadd.s32 s23, v8;
	[tilespmem:v52+s15+$0x0] =	vst.idx.add.f32.msk $0xffff, v3  }
0x4dc: {  	v58 =	vadd.s32 s24, v8;
	v40 =	vld.idx.msk [tilespmem:v53+s14+$0x0], $0xffff  }
0x4dd: {  	v59 =	vadd.s32 s25, v8;
	v39 =	vld.idx.msk [tilespmem:v54+s14+$0x0], $0xffff  }
0x4de: {  	v60 =	vadd.s32 s26, v8;
	v38 =	vld.idx.msk [tilespmem:v55+s14+$0x0], $0xffff  }
0x4df: {  	v61 =	vadd.s32 s28, v8;
	v41 =	vld.idx.msk [tilespmem:v56+s14+$0x0], $0xffff  }
0x4e0: {  	v47 =	vadd.s32 s29, v8;
	v42 =	vld.idx.msk [tilespmem:v57+s14+$0x0], $0xffff  }
0x4e1: {  	v43 =	vld.idx.msk [tilespmem:v58+s14+$0x0], $0xffff;
	v40 =	vadd.s32 v29, v40  }
0x4e2: {  	v44 =	vld.idx.msk [tilespmem:v59+s14+$0x0], $0xffff;
	v48 =	vadd.s32 v29, v39  }
0x4e3: {  	v49 =	vadd.s32 s30, v8;
	v45 =	vld.idx.msk [tilespmem:v60+s14+$0x0], $0xffff  }
0x4e4: {  	v39 =	vld.idx.msk [tilespmem:v61+s14+$0x0], $0xffff;
	v41 =	vadd.s32 v29, v41  }
0x4e5: {  	v62 =	vadd.s32 v29, v38;
	v38 =	vld.idx.msk [tilespmem:v47+s14+$0x0], $0xffff;
	v42 =	vadd.s32 v29, v42  }
0x4e6: {  	v43 =	vadd.s32 v29, v43;
	[tilespmem:v40+s15+$0x0] =	vst.idx.add.f32.msk $0xffff, v3  }
0x4e7: {  	[tilespmem:v48+s15+$0x0] =	vst.idx.add.f32.msk $0xffff, v3  }
0x4e8: {  	v63 =	vadd.s32 v29, v44;
	v40 =	vld.idx.msk [tilespmem:v49+s14+$0x0], $0xffff  }
0x4e9: {  	[tilespmem:v41+s15+$0x0] =	vst.idx.add.f32.msk $0xffff, v3;
	v41 =	vadd.s32 v29, v45  }
0x4ea: {  	[tilespmem:v42+s15+$0x0] =	vst.idx.add.f32.msk $0xffff, v3;
	v42 =	vadd.s32 s31, v8  }
0x4eb: {  	[tilespmem:v43+s15+$0x0] =	vst.idx.add.f32.msk $0xffff, v3;
	v43 =	vadd.s32 s0, v8  }
0x4ec: {  	v44 =	vadd.s32 s3, v8;
	[tilespmem:v62+s15+$0x0] =	vst.idx.add.f32.msk $0xffff, v3  }
0x4ed: {  	s3 =	simm.s32 $0x9;
	v45 =	vadd.s32 s1, v8;
	s0 =	simm.s32 $0x10;
	[tilespmem:v63+s15+$0x0] =	vst.idx.add.f32.msk $0xffff, v3  }
.LBB2_62:
0x4ee: {  	p0 =	slt.u32 s0, $0xC0;
	v46 =	vadd.s32 s3, v8;
	[tilespmem:v41+s15+$0x0] =	vst.idx.add.f32.msk $0xffff, v3  }
0x4ef: {  	v41 =	vadd.s32 s0, v8;
	v42 =	vld.idx.msk [tilespmem:v42+s14+$0x0], $0xffff  }
0x4f0: {  	s1 =	sadd.s32 $0x7, s0;
	v47 =	vadd.s32 v29, v39;
	v43 =	vld.idx.msk [tilespmem:v43+s14+$0x0], $0xffff  }
0x4f1: {  	v48 =	vadd.s32 s1, v8;
	v44 =	vld.idx.msk [tilespmem:v44+s14+$0x0], $0xffff  }
0x4f2: {  	v49 =	vadd.s32 v29, v38;
	s1 =	sadd.s32 $0x6, s0;
	v45 =	vld.idx.msk [tilespmem:v45+s14+$0x0], $0xffff  }
0x4f3: {  	v50 =	vadd.s32 s1, v8;
	v46 =	vld.idx.msk [tilespmem:v46+s14+$0x0], $0xffff  }
0x4f4: {  	v51 =	vadd.s32 v29, v40;
	v39 =	vld.idx.msk [tilespmem:v41+s14+$0x0], $0xffff  }
0x4f5: {  	[tilespmem:v47+s15+$0x0] =	vst.idx.add.f32.msk $0xffff, v3;
	v47 =	vadd.s32 v29, v42  }
0x4f6: {  	v38 =	vld.idx.msk [tilespmem:v48+s14+$0x0], $0xffff;
	v48 =	vadd.s32 v29, v43  }
0x4f7: {  	v52 =	vadd.s32 v29, v44;
	[tilespmem:v49+s15+$0x0] =	vst.idx.add.f32.msk $0xffff, v3  }
0x4f8: {  	v49 =	vadd.s32 v29, v45;
	v40 =	vld.idx.msk [tilespmem:v50+s14+$0x0], $0xffff  }
.Ltmp36:
0x4f9: {  	s1 =	sadd.s32 $0x5, s0;
	v41 =	vadd.s32 v29, v46;
	[tilespmem:v51+s15+$0x0] =	vst.idx.add.f32.msk $0xffff, v3;
	(pc) =	sbr.rel @p0 .LBB2_62-.Ltmp36, $4  }
0x4fa: {  	s3 =	sadd.s32 $0x4, s0;
	v42 =	vadd.s32 s1, v8;
	[tilespmem:v47+s15+$0x0] =	vst.idx.add.f32.msk $0xffff, v3  }
0x4fb: {  	s1 =	sadd.s32 $0x3, s0;
	v43 =	vadd.s32 s3, v8;
	[tilespmem:v48+s15+$0x0] =	vst.idx.add.f32.msk $0xffff, v3  }
0x4fc: {  	s4 =	sadd.s32 $0x2, s0;
	v44 =	vadd.s32 s1, v8;
	[tilespmem:v52+s15+$0x0] =	vst.idx.add.f32.msk $0xffff, v3  }
0x4fd: {  	s3 =	sadd.s32 $0x1, s0;
	s0 =	sadd.s32 $0x8, s0;
	v45 =	vadd.s32 s4, v8;
	[tilespmem:v49+s15+$0x0] =	vst.idx.add.f32.msk $0xffff, v3  }
0x4fe: {  	_ =	sdelay $0x2  }
0x4ff: {  	v46 =	vadd.s32 s3, v8  }
0x500: {  	v42 =	vld.idx.msk [tilespmem:v42+s14+$0x0], $0xffff  }
0x501: {  	v43 =	vld.idx.msk [tilespmem:v43+s14+$0x0], $0xffff  }
0x502: {  	v39 =	vadd.s32 v29, v39;
	v44 =	vld.idx.msk [tilespmem:v44+s14+$0x0], $0xffff  }
0x503: {  	v45 =	vld.idx.msk [tilespmem:v45+s14+$0x0], $0xffff;
	v38 =	vadd.s32 v29, v38  }
0x504: {  	v40 =	vadd.s32 v29, v40;
	v46 =	vld.idx.msk [tilespmem:v46+s14+$0x0], $0xffff  }
0x505: {  	v42 =	vadd.s32 v29, v42  }
0x506: {  	[tilespmem:v41+s15+$0x0] =	vst.idx.add.f32.msk $0xffff, v3;
	v48 =	vadd.s32 v29, v43  }
0x507: {  	[tilespmem:v39+s15+$0x0] =	vst.idx.add.f32.msk $0xffff, v3;
	v49 =	vadd.s32 v29, v44  }
0x508: {  	[tilespmem:v38+s15+$0x0] =	vst.idx.add.f32.msk $0xffff, v3;
	v50 =	vadd.s32 v29, v45  }
0x509: {  	[tilespmem:v40+s15+$0x0] =	vst.idx.add.f32.msk $0xffff, v3;
	v51 =	vadd.s32 v29, v46  }
0x50a: {  	[tilespmem:v42+s15+$0x0] =	vst.idx.add.f32.msk $0xffff, v3  }
0x50b: {  	[tilespmem:v48+s15+$0x0] =	vst.idx.add.f32.msk $0xffff, v3  }
0x50c: {  	[tilespmem:v49+s15+$0x0] =	vst.idx.add.f32.msk $0xffff, v3  }
0x50d: {  	s20 =	simm.s32 $0x0;
	[tilespmem:v50+s15+$0x0] =	vst.idx.add.f32.msk $0xffff, v3  }
0x50e: {  	s0 =	simm.s32 $0x7;
	v52 =	vadd.s32 s20, v0;
	[tilespmem:v51+s15+$0x0] =	vst.idx.add.f32.msk $0xffff, v3  }
0x50f: {  	s19 =	simm.s32 $0x6;
	v53 =	vadd.s32 s0, v0;
	_ =	swait.ge [sflag:s13], $0x3200  }
0x510: {  	s21 =	simm.s32 $0x5;
	v54 =	vadd.s32 s19, v0;
	[sflag:s13] =	ssyncset.done $0x0  }
0x511: {  	s1 =	simm.s32 $0x4;
	s22 =	simm.s32 $0x3;
	v55 =	vadd.s32 s21, v0;
	[sflag:s13] =	ssyncadd.s32 $0xFFFFCE00  }
0x512: {  	v56 =	vadd.s32 s1, v0;
	[tilespmem:s14], [sflag:$0x2] =	stream.linear.gather [hbm4b:s10+s20], $0x3200, $0x38;
	[tilespmem:$0xE400] =	vst v63  }
0x513: {  	s23 =	simm.s32 $0x2;
	v57 =	vadd.s32 s22, v0;
	v38 =	vld.idx.msk [tilespmem:v52+s20+$0x0], $0xffff  }
0x514: {  	s24 =	simm.s32 $0x1;
	v58 =	vadd.s32 s23, v0;
	v39 =	vld.idx.msk [tilespmem:v53+s20+$0x0], $0xffff  }
0x515: {  	s19 =	simm.s32 $0x8;
	v59 =	vadd.s32 s24, v0;
	v40 =	vld.idx.msk [tilespmem:v54+s20+$0x0], $0xffff  }
0x516: {  	s26 =	simm.s32 $0xE;
	v60 =	vadd.s32 s19, v0;
	v41 =	vld.idx.msk [tilespmem:v55+s20+$0x0], $0xffff  }
0x517: {  	v49 =	vadd.s32 s26, v0;
	v42 =	vld.idx.msk [tilespmem:v56+s20+$0x0], $0xffff  }
0x518: {  	s25 =	simm.s32 $0xF;
	v43 =	vld.idx.msk [tilespmem:v57+s20+$0x0], $0xffff;
	v38 =	vadd.s32 v30, v38  }
0x519: {  	v47 =	vadd.s32 s25, v0;
	v44 =	vld.idx.msk [tilespmem:v58+s20+$0x0], $0xffff  }
0x51a: {  	v45 =	vld.idx.msk [tilespmem:v59+s20+$0x0], $0xffff;
	v48 =	vadd.s32 v30, v39  }
0x51b: {  	v39 =	vld.idx.msk [tilespmem:v60+s20+$0x0], $0xffff;
	v41 =	vadd.s32 v30, v41  }
0x51c: {  	v61 =	vadd.s32 v30, v40;
	v42 =	vadd.s32 v30, v42;
	v40 =	vld.idx.msk [tilespmem:v49+s20+$0x0], $0xffff  }
0x51d: {  	[tilespmem:v38+s15+$0x0] =	vst.idx.add.f32.msk $0xffff, v3  }
0x51e: {  	v62 =	vadd.s32 v30, v43;
	v38 =	vld.idx.msk [tilespmem:v47+s20+$0x0], $0xffff  }
0x51f: {  	v63 =	vadd.s32 v30, v44;
	[tilespmem:v48+s15+$0x0] =	vst.idx.add.f32.msk $0xffff, v3  }
0x520: {  	s28 =	simm.s32 $0xD;
	[tilespmem:v41+s15+$0x0] =	vst.idx.add.f32.msk $0xffff, v3;
	v41 =	vadd.s32 v30, v45  }
0x521: {  	s29 =	simm.s32 $0xC;
	[tilespmem:v42+s15+$0x0] =	vst.idx.add.f32.msk $0xffff, v3;
	v42 =	vadd.s32 s28, v0  }
0x522: {  	s30 =	simm.s32 $0xB;
	v43 =	vadd.s32 s29, v0;
	[tilespmem:v61+s15+$0x0] =	vst.idx.add.f32.msk $0xffff, v3  }
0x523: {  	s31 =	simm.s32 $0xA;
	v44 =	vadd.s32 s30, v0;
	[tilespmem:v62+s15+$0x0] =	vst.idx.add.f32.msk $0xffff, v3  }
0x524: {  	s1 =	simm.s32 $0x9;
	s0 =	simm.s32 $0x10;
	v45 =	vadd.s32 s31, v0;
	[tilespmem:v63+s15+$0x0] =	vst.idx.add.f32.msk $0xffff, v3  }
.LBB2_64:
0x525: {  	p0 =	slt.u32 s0, $0xC0;
	v46 =	vadd.s32 s1, v0;
	[tilespmem:v41+s15+$0x0] =	vst.idx.add.f32.msk $0xffff, v3  }
0x526: {  	v41 =	vadd.s32 s0, v0;
	v42 =	vld.idx.msk [tilespmem:v42+s20+$0x0], $0xffff  }
0x527: {  	s1 =	sadd.s32 $0x7, s0;
	v47 =	vadd.s32 v30, v39;
	v43 =	vld.idx.msk [tilespmem:v43+s20+$0x0], $0xffff  }
0x528: {  	v48 =	vadd.s32 s1, v0;
	v44 =	vld.idx.msk [tilespmem:v44+s20+$0x0], $0xffff  }
0x529: {  	v49 =	vadd.s32 v30, v38;
	s1 =	sadd.s32 $0x6, s0;
	v45 =	vld.idx.msk [tilespmem:v45+s20+$0x0], $0xffff  }
0x52a: {  	v50 =	vadd.s32 s1, v0;
	v46 =	vld.idx.msk [tilespmem:v46+s20+$0x0], $0xffff  }
0x52b: {  	v51 =	vadd.s32 v30, v40;
	v39 =	vld.idx.msk [tilespmem:v41+s20+$0x0], $0xffff  }
0x52c: {  	[tilespmem:v47+s15+$0x0] =	vst.idx.add.f32.msk $0xffff, v3;
	v47 =	vadd.s32 v30, v42  }
0x52d: {  	v38 =	vld.idx.msk [tilespmem:v48+s20+$0x0], $0xffff;
	v48 =	vadd.s32 v30, v43  }
0x52e: {  	v52 =	vadd.s32 v30, v44;
	[tilespmem:v49+s15+$0x0] =	vst.idx.add.f32.msk $0xffff, v3  }
0x52f: {  	v49 =	vadd.s32 v30, v45;
	v40 =	vld.idx.msk [tilespmem:v50+s20+$0x0], $0xffff  }
.Ltmp37:
0x530: {  	s1 =	sadd.s32 $0x5, s0;
	v41 =	vadd.s32 v30, v46;
	[tilespmem:v51+s15+$0x0] =	vst.idx.add.f32.msk $0xffff, v3;
	(pc) =	sbr.rel @p0 .LBB2_64-.Ltmp37, $4  }
0x531: {  	s3 =	sadd.s32 $0x4, s0;
	v42 =	vadd.s32 s1, v0;
	[tilespmem:v47+s15+$0x0] =	vst.idx.add.f32.msk $0xffff, v3  }
0x532: {  	s1 =	sadd.s32 $0x3, s0;
	v43 =	vadd.s32 s3, v0;
	[tilespmem:v48+s15+$0x0] =	vst.idx.add.f32.msk $0xffff, v3  }
0x533: {  	s3 =	sadd.s32 $0x2, s0;
	v44 =	vadd.s32 s1, v0;
	[tilespmem:v52+s15+$0x0] =	vst.idx.add.f32.msk $0xffff, v3  }
0x534: {  	s1 =	sadd.s32 $0x1, s0;
	s0 =	sadd.s32 $0x8, s0;
	v45 =	vadd.s32 s3, v0;
	[tilespmem:v49+s15+$0x0] =	vst.idx.add.f32.msk $0xffff, v3  }
0x535: {  	_ =	sdelay $0x2  }
0x536: {  	v46 =	vadd.s32 s1, v0  }
0x537: {  	v42 =	vld.idx.msk [tilespmem:v42+s20+$0x0], $0xffff  }
0x538: {  	v43 =	vld.idx.msk [tilespmem:v43+s20+$0x0], $0xffff  }
0x539: {  	v39 =	vadd.s32 v30, v39;
	v44 =	vld.idx.msk [tilespmem:v44+s20+$0x0], $0xffff  }
0x53a: {  	v45 =	vld.idx.msk [tilespmem:v45+s20+$0x0], $0xffff;
	v38 =	vadd.s32 v30, v38  }
0x53b: {  	v40 =	vadd.s32 v30, v40;
	v46 =	vld.idx.msk [tilespmem:v46+s20+$0x0], $0xffff  }
0x53c: {  	v42 =	vadd.s32 v30, v42  }
0x53d: {  	[tilespmem:v41+s15+$0x0] =	vst.idx.add.f32.msk $0xffff, v3;
	v52 =	vadd.s32 v30, v43  }
0x53e: {  	[tilespmem:v39+s15+$0x0] =	vst.idx.add.f32.msk $0xffff, v3;
	v53 =	vadd.s32 v30, v44  }
0x53f: {  	[tilespmem:v38+s15+$0x0] =	vst.idx.add.f32.msk $0xffff, v3;
	v54 =	vadd.s32 v30, v45  }
0x540: {  	s0 =	simm.s32 $0x7;
	[tilespmem:v40+s15+$0x0] =	vst.idx.add.f32.msk $0xffff, v3;
	v55 =	vadd.s32 v30, v46  }
0x541: {  	s25 =	simm.s32 $0x1;
	v56 =	vadd.s32 s0, v4;
	[tilespmem:v42+s15+$0x0] =	vst.idx.add.f32.msk $0xffff, v3  }
0x542: {  	s26 =	simm.s32 $0x2;
	v57 =	vadd.s32 s25, v4;
	[tilespmem:v52+s15+$0x0] =	vst.idx.add.f32.msk $0xffff, v3  }
0x543: {  	s28 =	simm.s32 $0x3;
	v58 =	vadd.s32 s26, v4;
	[tilespmem:v53+s15+$0x0] =	vst.idx.add.f32.msk $0xffff, v3  }
0x544: {  	s29 =	simm.s32 $0x4;
	v59 =	vadd.s32 s28, v4;
	[tilespmem:v54+s15+$0x0] =	vst.idx.add.f32.msk $0xffff, v3  }
0x545: {  	s30 =	simm.s32 $0x5;
	s0 =	simm.s32 $0x0;
	v60 =	vadd.s32 s29, v4;
	[tilespmem:v55+s15+$0x0] =	vst.idx.add.f32.msk $0xffff, v3  }
0x546: {  	s31 =	simm.s32 $0x6;
	v61 =	vadd.s32 s30, v4;
	v43 =	vld.idx.msk [tilespmem:v56+s0+$0x0], $0xffff  }
0x547: {  	v63 =	vadd.s32 s31, v4;
	v41 =	vld.idx.msk [tilespmem:v57+s0+$0x0], $0xffff  }
0x548: {  	v48 =	vadd.s32 s20, v4;
	v62 =	vld.idx.msk [tilespmem:v58+s0+$0x0], $0xffff  }
0x549: {  	v47 =	vld.idx.msk [tilespmem:v59+s0+$0x0], $0xffff  }
0x54a: {  	v42 =	vld.idx.msk [tilespmem:v60+s0+$0x0], $0xffff  }
0x54b: {  	v40 =	vld.idx.msk [tilespmem:v61+s0+$0x0], $0xffff;
	v45 =	vadd.s32 v31, v43  }
0x54c: {  	v38 =	vld.idx.msk [tilespmem:v63+s0+$0x0], $0xffff;
	v44 =	vadd.s32 v31, v41  }
0x54d: {  	v39 =	vld.idx.msk [tilespmem:v48+s0+$0x0], $0xffff;
	v43 =	vadd.s32 v31, v62  }
0x54e: {  	v41 =	vadd.s32 v31, v47  }
0x54f: {  	s3 =	simm.s32 $0xF;
	s1 =	simm.s32 $0x10;
	v42 =	vadd.s32 v31, v42  }
.LBB2_66:
0x550: {  	p0 =	slt.u32 s1, $0xC0;
	s4 =	sadd.s32 $0x1, s19;
	v46 =	vadd.s32 s3, v4;
	v47 =	vadd.s32 v31, v40;
	[tilespmem:v45+s15+$0x0] =	vst.idx.add.f32.msk $0xffff, v3  }
0x551: {  	s3 =	sadd.s32 $0x2, s19;
	v48 =	vadd.s32 v31, v38;
	v40 =	vadd.s32 s4, v4;
	[tilespmem:v44+s15+$0x0] =	vst.idx.add.f32.msk $0xffff, v3  }
0x552: {  	v38 =	vadd.s32 s3, v4;
	s3 =	sadd.s32 $0x3, s19;
	v49 =	vadd.s32 v31, v39;
	[tilespmem:v43+s15+$0x0] =	vst.idx.add.f32.msk $0xffff, v3  }
0x553: {  	v39 =	vadd.s32 s3, v4;
	s3 =	sadd.s32 $0x4, s19;
	[tilespmem:v41+s15+$0x0] =	vst.idx.add.f32.msk $0xffff, v3  }
0x554: {  	v41 =	vadd.s32 s3, v4;
	s3 =	sadd.s32 $0x5, s19;
	[tilespmem:v42+s15+$0x0] =	vst.idx.add.f32.msk $0xffff, v3  }
0x555: {  	v42 =	vadd.s32 s3, v4;
	s3 =	sadd.s32 $0x6, s19;
	v43 =	vld.idx.msk [tilespmem:v46+s0+$0x0], $0xffff  }
0x556: {  	v45 =	vadd.s32 s3, v4;
	v44 =	vld.idx.msk [tilespmem:v40+s0+$0x0], $0xffff  }
0x557: {  	v46 =	vadd.s32 s19, v4;
	s19 =	smov.u32 s1;
	v50 =	vld.idx.msk [tilespmem:v38+s0+$0x0], $0xffff  }
0x558: {  	v51 =	vld.idx.msk [tilespmem:v39+s0+$0x0], $0xffff  }
0x559: {  	v52 =	vld.idx.msk [tilespmem:v41+s0+$0x0], $0xffff  }
0x55a: {  	v40 =	vld.idx.msk [tilespmem:v42+s0+$0x0], $0xffff  }
.Ltmp38:
0x55b: {  	v38 =	vld.idx.msk [tilespmem:v45+s0+$0x0], $0xffff;
	v45 =	vadd.s32 v31, v43;
	(pc) =	sbr.rel @p0 .LBB2_66-.Ltmp38, $4  }
0x55c: {  	v44 =	vadd.s32 v31, v44;
	v39 =	vld.idx.msk [tilespmem:v46+s0+$0x0], $0xffff  }
0x55d: {  	v43 =	vadd.s32 v31, v50;
	[tilespmem:v47+s15+$0x0] =	vst.idx.add.f32.msk $0xffff, v3  }
0x55e: {  	v41 =	vadd.s32 v31, v51;
	[tilespmem:v48+s15+$0x0] =	vst.idx.add.f32.msk $0xffff, v3  }
0x55f: {  	s1 =	sadd.s32 $0x8, s1;
	s3 =	sadd.s32 $0x7, s19;
	v42 =	vadd.s32 v31, v52;
	[tilespmem:v49+s15+$0x0] =	vst.idx.add.f32.msk $0xffff, v3  }
0x560: {  	_ =	sdelay $0x3  }
0x561: {  	v46 =	vadd.s32 s3, v4;
	[tilespmem:v45+s15+$0x0] =	vst.idx.add.f32.msk $0xffff, v3  }
0x562: {  	[tilespmem:v44+s15+$0x0] =	vst.idx.add.f32.msk $0xffff, v3;
	v48 =	vadd.s32 s19, v4  }
0x563: {  	s0 =	sadd.s32 $0x1, s19;
	[tilespmem:v43+s15+$0x0] =	vst.idx.add.f32.msk $0xffff, v3;
	v40 =	vadd.s32 v31, v40  }
0x564: {  	s25 =	sadd.s32 $0x2, s19;
	[tilespmem:v41+s15+$0x0] =	vst.idx.add.f32.msk $0xffff, v3;
	v51 =	vadd.s32 s0, v4  }
0x565: {  	s26 =	sadd.s32 $0x3, s19;
	s20 =	simm.s32 $0x0;
	[tilespmem:v42+s15+$0x0] =	vst.idx.add.f32.msk $0xffff, v3;
	v52 =	vadd.s32 s25, v4  }
0x566: {  	s29 =	sadd.s32 $0x4, s19;
	v53 =	vadd.s32 s26, v4;
	v46 =	vld.idx.msk [tilespmem:v46+s20+$0x0], $0xffff  }
0x567: {  	s30 =	sadd.s32 $0x5, s19;
	v54 =	vadd.s32 s29, v4;
	v48 =	vld.idx.msk [tilespmem:v48+s20+$0x0], $0xffff  }
0x568: {  	s31 =	sadd.s32 $0x6, s19;
	v55 =	vadd.s32 s30, v4;
	[tilespmem:v40+s15+$0x0] =	vst.idx.add.f32.msk $0xffff, v3  }
0x569: {  	v47 =	vadd.s32 s31, v4;
	v45 =	vld.idx.msk [tilespmem:v51+s20+$0x0], $0xffff  }
0x56a: {  	v38 =	vadd.s32 v31, v38;
	v44 =	vld.idx.msk [tilespmem:v52+s20+$0x0], $0xffff  }
0x56b: {  	v39 =	vadd.s32 v31, v39;
	v43 =	vld.idx.msk [tilespmem:v53+s20+$0x0], $0xffff  }
0x56c: {  	v41 =	vld.idx.msk [tilespmem:v54+s20+$0x0], $0xffff;
	v46 =	vadd.s32 v31, v46  }
0x56d: {  	v42 =	vld.idx.msk [tilespmem:v55+s20+$0x0], $0xffff;
	v60 =	vadd.s32 v31, v48  }
0x56e: {  	v47 =	vld.idx.msk [tilespmem:v47+s20+$0x0], $0xffff;
	v45 =	vadd.s32 v31, v45  }
0x56f: {  	[tilespmem:v38+s15+$0x0] =	vst.idx.add.f32.msk $0xffff, v3;
	v44 =	vadd.s32 v31, v44  }
0x570: {  	[tilespmem:v39+s15+$0x0] =	vst.idx.add.f32.msk $0xffff, v3;
	v56 =	vadd.s32 v31, v43  }
0x571: {  	v57 =	vadd.s32 v31, v41;
	[tilespmem:v46+s15+$0x0] =	vst.idx.add.f32.msk $0xffff, v3  }
0x572: {  	v58 =	vadd.s32 v31, v42;
	[tilespmem:v60+s15+$0x0] =	vst.idx.add.f32.msk $0xffff, v3  }
0x573: {  	v59 =	vadd.s32 v31, v47;
	[tilespmem:v45+s15+$0x0] =	vst.idx.add.f32.msk $0xffff, v3  }
0x574: {  	s21 =	simm.s32 $0x7;
	v61 =	vadd.s32 s20, v6;
	[tilespmem:v44+s15+$0x0] =	vst.idx.add.f32.msk $0xffff, v3  }
0x575: {  	s22 =	simm.s32 $0x6;
	v62 =	vadd.s32 s21, v6;
	[tilespmem:v56+s15+$0x0] =	vst.idx.add.f32.msk $0xffff, v3  }
0x576: {  	p1 =	por $0x1, $0x1;
	v63 =	vadd.s32 s22, v6;
	[tilespmem:v57+s15+$0x0] =	vst.idx.add.f32.msk $0xffff, v3  }
.Ltmp39:
0x577: {  	[tilespmem:v58+s15+$0x0] =	vst.idx.add.f32.msk $0xffff, v3;
	(pc) =	sbr.rel @!p1 .LBB2_68-.Ltmp39, $4  }
0x578: {  	[tilespmem:v59+s15+$0x0] =	vst.idx.add.f32.msk $0xffff, v3  }
0x579: {  	s23 =	simm.s32 $0x5;
	v40 =	vld.idx.msk [tilespmem:v61+s20+$0x0], $0xffff  }
0x57a: {  	s24 =	simm.s32 $0x4;
	s25 =	simm.s32 $0x3;
	s26 =	simm.s32 $0x2;
	v41 =	vadd.s32 s23, v6;
	v38 =	vld.idx.msk [tilespmem:v62+s20+$0x0], $0xffff  }
0x57b: {  	s19 =	simm.s32 $0x1;
	s28 =	simm.s32 $0x8;
	p0 =	por $0x0, $0x0;
	v42 =	vadd.s32 s24, v6;
	v43 =	vadd.s32 s25, v6;
	v44 =	vadd.s32 s26, v6;
	v39 =	vld.idx.msk [tilespmem:v63+s20+$0x0], $0xffff  }
0x57c: {  	_ =	sdelay $0x2  }
0x57d: {  	v45 =	vadd.s32 s19, v6  }
0x57e: {  	v46 =	vadd.s32 s28, v6;
	v41 =	vld.idx.msk [tilespmem:v41+s20+$0x0], $0xffff;
	s0 =	simm.s32 $0xF  }
0x57f: {  	v42 =	vld.idx.msk [tilespmem:v42+s20+$0x0], $0xffff;
	s29 =	simm.s32 $0xE;
	v48 =	vadd.s32 s0, v6  }
0x580: {  	v43 =	vld.idx.msk [tilespmem:v43+s20+$0x0], $0xffff;
	v50 =	vadd.s32 s29, v6  }
0x581: {  	v44 =	vld.idx.msk [tilespmem:v44+s20+$0x0], $0xffff;
	v47 =	vadd.s32 v32, v40  }
0x582: {  	v49 =	vadd.s32 v32, v38;
	v45 =	vld.idx.msk [tilespmem:v45+s20+$0x0], $0xffff  }
0x583: {  	v62 =	vadd.s32 v32, v39;
	v40 =	vld.idx.msk [tilespmem:v46+s20+$0x0], $0xffff  }
0x584: {  	v41 =	vadd.s32 v32, v41;
	v38 =	vld.idx.msk [tilespmem:v48+s20+$0x0], $0xffff  }
0x585: {  	v42 =	vadd.s32 v32, v42;
	v39 =	vld.idx.msk [tilespmem:v50+s20+$0x0], $0xffff  }
0x586: {  	v43 =	vadd.s32 v32, v43;
	[tilespmem:v47+s15+$0x0] =	vst.idx.add.f32.msk $0xffff, v3  }
0x587: {  	p3 =	por $0x1, $0x1;
	v63 =	vadd.s32 v32, v44;
	[tilespmem:v49+s15+$0x0] =	vst.idx.add.f32.msk $0xffff, v3  }
.Ltmp40:
0x588: {  	s30 =	simm.s32 $0xD;
	[tilespmem:v62+s15+$0x0] =	vst.idx.add.f32.msk $0xffff, v3;
	v45 =	vadd.s32 v32, v45;
	(pc) =	sbr.rel @!p3 .LBB2_71-.Ltmp40, $4  }
0x589: {  	s1 =	simm.s32 $0xC;
	[tilespmem:v41+s15+$0x0] =	vst.idx.add.f32.msk $0xffff, v3;
	v41 =	vadd.s32 s30, v6  }
0x58a: {  	s31 =	simm.s32 $0xB;
	[tilespmem:v42+s15+$0x0] =	vst.idx.add.f32.msk $0xffff, v3;
	v42 =	vadd.s32 s1, v6  }
0x58b: {  	s3 =	simm.s32 $0xA;
	[tilespmem:v43+s15+$0x0] =	vst.idx.add.f32.msk $0xffff, v3;
	v43 =	vadd.s32 s31, v6  }
0x58c: {  	p2 =	por $0x1, $0x1;
	s0 =	simm.s32 $0x10;
	v44 =	vadd.s32 s3, v6;
	s1 =	simm.s32 $0x9;
	[tilespmem:v63+s15+$0x0] =	vst.idx.add.f32.msk $0xffff, v3  }
.LBB2_70:
0x58d: {  	p3 =	slt.u32 s0, $0xC0;
	v46 =	vadd.s32 s1, v6;
	[tilespmem:v45+s15+$0x0] =	vst.idx.add.f32.msk $0xffff, v3  }
0x58e: {  	v45 =	vadd.s32 s0, v6;
	v41 =	vld.idx.msk [tilespmem:v41+s20+$0x0], $0xffff  }
0x58f: {  	s1 =	sadd.s32 $0x7, s0;
	v47 =	vadd.s32 v32, v40;
	v42 =	vld.idx.msk [tilespmem:v42+s20+$0x0], $0xffff  }
0x590: {  	v48 =	vadd.s32 s1, v6;
	v43 =	vld.idx.msk [tilespmem:v43+s20+$0x0], $0xffff  }
0x591: {  	v49 =	vadd.s32 v32, v38;
	s1 =	sadd.s32 $0x6, s0;
	v44 =	vld.idx.msk [tilespmem:v44+s20+$0x0], $0xffff  }
0x592: {  	v50 =	vadd.s32 s1, v6;
	v46 =	vld.idx.msk [tilespmem:v46+s20+$0x0], $0xffff  }
0x593: {  	v51 =	vadd.s32 v32, v39;
	v40 =	vld.idx.msk [tilespmem:v45+s20+$0x0], $0xffff  }
0x594: {  	[tilespmem:v47+s15+$0x0] =	vst.idx.add.f32.msk $0xffff, v3;
	v47 =	vadd.s32 v32, v41  }
0x595: {  	v38 =	vld.idx.msk [tilespmem:v48+s20+$0x0], $0xffff;
	v48 =	vadd.s32 v32, v42  }
0x596: {  	v52 =	vadd.s32 v32, v43;
	[tilespmem:v49+s15+$0x0] =	vst.idx.add.f32.msk $0xffff, v3  }
0x597: {  	v49 =	vadd.s32 v32, v44;
	v39 =	vld.idx.msk [tilespmem:v50+s20+$0x0], $0xffff  }
.Ltmp41:
0x598: {  	s1 =	sadd.s32 $0x5, s0;
	v45 =	vadd.s32 v32, v46;
	[tilespmem:v51+s15+$0x0] =	vst.idx.add.f32.msk $0xffff, v3;
	(pc) =	sbr.rel @p3 .LBB2_70-.Ltmp41, $4  }
0x599: {  	s3 =	sadd.s32 $0x4, s0;
	v41 =	vadd.s32 s1, v6;
	[tilespmem:v47+s15+$0x0] =	vst.idx.add.f32.msk $0xffff, v3  }
0x59a: {  	s1 =	sadd.s32 $0x3, s0;
	v42 =	vadd.s32 s3, v6;
	[tilespmem:v48+s15+$0x0] =	vst.idx.add.f32.msk $0xffff, v3  }
0x59b: {  	s3 =	sadd.s32 $0x2, s0;
	v43 =	vadd.s32 s1, v6;
	[tilespmem:v52+s15+$0x0] =	vst.idx.add.f32.msk $0xffff, v3  }
0x59c: {  	s1 =	sadd.s32 $0x1, s0;
	s0 =	sadd.s32 $0x8, s0;
	v44 =	vadd.s32 s3, v6;
	[tilespmem:v49+s15+$0x0] =	vst.idx.add.f32.msk $0xffff, v3  }
.LBB2_71:
0x59d: {  	_ =	sdelay $0x2  }
0x59e: {  	v46 =	vadd.s32 s1, v6  }
0x59f: {  	v41 =	vld.idx.msk [tilespmem:v41+s20+$0x0], $0xffff  }
0x5a0: {  	v42 =	vld.idx.msk [tilespmem:v42+s20+$0x0], $0xffff  }
0x5a1: {  	v40 =	vadd.s32 v32, v40;
	v43 =	vld.idx.msk [tilespmem:v43+s20+$0x0], $0xffff  }
0x5a2: {  	v44 =	vld.idx.msk [tilespmem:v44+s20+$0x0], $0xffff;
	v38 =	vadd.s32 v32, v38  }
0x5a3: {  	v39 =	vadd.s32 v32, v39;
	v46 =	vld.idx.msk [tilespmem:v46+s20+$0x0], $0xffff  }
0x5a4: {  	v41 =	vadd.s32 v32, v41  }
0x5a5: {  	[tilespmem:v45+s15+$0x0] =	vst.idx.add.f32.msk @p2 $0xffff, v3;
	v42 =	vadd.s32 v32, v42  }
0x5a6: {  	[tilespmem:v40+s15+$0x0] =	vst.idx.add.f32.msk $0xffff, v3;
	v58 =	vadd.s32 v32, v43  }
0x5a7: {  	[tilespmem:v38+s15+$0x0] =	vst.idx.add.f32.msk $0xffff, v3;
	v59 =	vadd.s32 v32, v44  }
0x5a8: {  	[tilespmem:v39+s15+$0x0] =	vst.idx.add.f32.msk $0xffff, v3;
	v60 =	vadd.s32 v32, v46  }
0x5a9: {  	v61 =	vadd.s32 s20, v8;
	[tilespmem:v41+s15+$0x0] =	vst.idx.add.f32.msk $0xffff, v3  }
0x5aa: {  	v62 =	vadd.s32 s21, v8;
	[tilespmem:v42+s15+$0x0] =	vst.idx.add.f32.msk $0xffff, v3  }
0x5ab: {  	v63 =	vadd.s32 s22, v8;
	[tilespmem:v58+s15+$0x0] =	vst.idx.add.f32.msk $0xffff, v3  }
.Ltmp42:
0x5ac: {  	[tilespmem:v59+s15+$0x0] =	vst.idx.add.f32.msk $0xffff, v3;
	(pc) =	sbr.rel @!p1 .LBB2_72-.Ltmp42, $4  }
0x5ad: {  	[tilespmem:v60+s15+$0x0] =	vst.idx.add.f32.msk $0xffff, v3  }
0x5ae: {  	v40 =	vld.idx.msk [tilespmem:v61+s2+$0x0], $0xffff  }
0x5af: {  	v43 =	vadd.s32 s25, v8;
	v38 =	vld.idx.msk [tilespmem:v62+s2+$0x0], $0xffff  }
0x5b0: {  	v44 =	vadd.s32 s26, v8;
	v41 =	vadd.s32 s23, v8;
	v42 =	vadd.s32 s24, v8;
	v39 =	vld.idx.msk [tilespmem:v63+s2+$0x0], $0xffff  }
0x5b1: {  	_ =	sdelay $0x2  }
0x5b2: {  	v45 =	vadd.s32 s19, v8  }
0x5b3: {  	v46 =	vadd.s32 s28, v8;
	v41 =	vld.idx.msk [tilespmem:v41+s2+$0x0], $0xffff;
	s0 =	simm.s32 $0xF  }
0x5b4: {  	v42 =	vld.idx.msk [tilespmem:v42+s2+$0x0], $0xffff;
	s28 =	simm.s32 $0xE;
	v48 =	vadd.s32 s0, v8  }
0x5b5: {  	v43 =	vld.idx.msk [tilespmem:v43+s2+$0x0], $0xffff;
	v50 =	vadd.s32 s28, v8  }
0x5b6: {  	v44 =	vld.idx.msk [tilespmem:v44+s2+$0x0], $0xffff;
	v47 =	vadd.s32 v33, v40  }
0x5b7: {  	v49 =	vadd.s32 v33, v38;
	v45 =	vld.idx.msk [tilespmem:v45+s2+$0x0], $0xffff  }
0x5b8: {  	v62 =	vadd.s32 v33, v39;
	v40 =	vld.idx.msk [tilespmem:v46+s2+$0x0], $0xffff  }
0x5b9: {  	v41 =	vadd.s32 v33, v41;
	v38 =	vld.idx.msk [tilespmem:v48+s2+$0x0], $0xffff  }
0x5ba: {  	v42 =	vadd.s32 v33, v42;
	v39 =	vld.idx.msk [tilespmem:v50+s2+$0x0], $0xffff  }
0x5bb: {  	v43 =	vadd.s32 v33, v43;
	[tilespmem:v47+s15+$0x0] =	vst.idx.add.f32.msk $0xffff, v3  }
0x5bc: {  	p1 =	por $0x1, $0x1;
	v63 =	vadd.s32 v33, v44;
	[tilespmem:v49+s15+$0x0] =	vst.idx.add.f32.msk $0xffff, v3  }
.Ltmp43:
0x5bd: {  	s29 =	simm.s32 $0xD;
	[tilespmem:v62+s15+$0x0] =	vst.idx.add.f32.msk $0xffff, v3;
	v45 =	vadd.s32 v33, v45;
	(pc) =	sbr.rel @!p1 .LBB2_75-.Ltmp43, $4  }
0x5be: {  	s1 =	simm.s32 $0xC;
	[tilespmem:v41+s15+$0x0] =	vst.idx.add.f32.msk $0xffff, v3;
	v41 =	vadd.s32 s29, v8  }
0x5bf: {  	s30 =	simm.s32 $0xB;
	[tilespmem:v42+s15+$0x0] =	vst.idx.add.f32.msk $0xffff, v3;
	v42 =	vadd.s32 s1, v8  }
0x5c0: {  	s31 =	simm.s32 $0xA;
	[tilespmem:v43+s15+$0x0] =	vst.idx.add.f32.msk $0xffff, v3;
	v43 =	vadd.s32 s30, v8  }
0x5c1: {  	s19 =	simm.s32 $0x9;
	p0 =	por $0x1, $0x1;
	s0 =	simm.s32 $0x10;
	v44 =	vadd.s32 s31, v8;
	[tilespmem:v63+s15+$0x0] =	vst.idx.add.f32.msk $0xffff, v3  }
.LBB2_74:
0x5c2: {  	p1 =	slt.u32 s0, $0xC0;
	v46 =	vadd.s32 s19, v8;
	[tilespmem:v45+s15+$0x0] =	vst.idx.add.f32.msk $0xffff, v3  }
0x5c3: {  	v45 =	vadd.s32 s0, v8;
	v41 =	vld.idx.msk [tilespmem:v41+s2+$0x0], $0xffff  }
0x5c4: {  	s1 =	sadd.s32 $0x7, s0;
	v47 =	vadd.s32 v33, v40;
	v42 =	vld.idx.msk [tilespmem:v42+s2+$0x0], $0xffff  }
0x5c5: {  	v48 =	vadd.s32 s1, v8;
	v43 =	vld.idx.msk [tilespmem:v43+s2+$0x0], $0xffff  }
0x5c6: {  	v49 =	vadd.s32 v33, v38;
	s1 =	sadd.s32 $0x6, s0;
	v44 =	vld.idx.msk [tilespmem:v44+s2+$0x0], $0xffff  }
0x5c7: {  	v50 =	vadd.s32 s1, v8;
	v46 =	vld.idx.msk [tilespmem:v46+s2+$0x0], $0xffff  }
0x5c8: {  	v51 =	vadd.s32 v33, v39;
	v40 =	vld.idx.msk [tilespmem:v45+s2+$0x0], $0xffff  }
0x5c9: {  	[tilespmem:v47+s15+$0x0] =	vst.idx.add.f32.msk $0xffff, v3;
	v47 =	vadd.s32 v33, v41  }
0x5ca: {  	v38 =	vld.idx.msk [tilespmem:v48+s2+$0x0], $0xffff;
	v48 =	vadd.s32 v33, v42  }
0x5cb: {  	v52 =	vadd.s32 v33, v43;
	[tilespmem:v49+s15+$0x0] =	vst.idx.add.f32.msk $0xffff, v3  }
0x5cc: {  	v49 =	vadd.s32 v33, v44;
	v39 =	vld.idx.msk [tilespmem:v50+s2+$0x0], $0xffff  }
.Ltmp44:
0x5cd: {  	s1 =	sadd.s32 $0x5, s0;
	v45 =	vadd.s32 v33, v46;
	[tilespmem:v51+s15+$0x0] =	vst.idx.add.f32.msk $0xffff, v3;
	(pc) =	sbr.rel @p1 .LBB2_74-.Ltmp44, $4  }
0x5ce: {  	s3 =	sadd.s32 $0x4, s0;
	v41 =	vadd.s32 s1, v8;
	[tilespmem:v47+s15+$0x0] =	vst.idx.add.f32.msk $0xffff, v3  }
0x5cf: {  	s1 =	sadd.s32 $0x3, s0;
	v42 =	vadd.s32 s3, v8;
	[tilespmem:v48+s15+$0x0] =	vst.idx.add.f32.msk $0xffff, v3  }
0x5d0: {  	s3 =	sadd.s32 $0x2, s0;
	v43 =	vadd.s32 s1, v8;
	[tilespmem:v52+s15+$0x0] =	vst.idx.add.f32.msk $0xffff, v3  }
0x5d1: {  	s19 =	sadd.s32 $0x1, s0;
	s0 =	sadd.s32 $0x8, s0;
	v44 =	vadd.s32 s3, v8;
	[tilespmem:v49+s15+$0x0] =	vst.idx.add.f32.msk $0xffff, v3  }
.LBB2_75:
0x5d2: {  	_ =	sdelay $0x2  }
0x5d3: {  	v46 =	vadd.s32 s19, v8  }
0x5d4: {  	v41 =	vld.idx.msk [tilespmem:v41+s2+$0x0], $0xffff  }
0x5d5: {  	v42 =	vld.idx.msk [tilespmem:v42+s2+$0x0], $0xffff  }
0x5d6: {  	v40 =	vadd.s32 v33, v40;
	v43 =	vld.idx.msk [tilespmem:v43+s2+$0x0], $0xffff  }
0x5d7: {  	v44 =	vld.idx.msk [tilespmem:v44+s2+$0x0], $0xffff;
	v38 =	vadd.s32 v33, v38  }
0x5d8: {  	v39 =	vadd.s32 v33, v39;
	v46 =	vld.idx.msk [tilespmem:v46+s2+$0x0], $0xffff  }
0x5d9: {  	v41 =	vadd.s32 v33, v41  }
0x5da: {  	[tilespmem:v45+s15+$0x0] =	vst.idx.add.f32.msk @p0 $0xffff, v3;
	v42 =	vadd.s32 v33, v42  }
0x5db: {  	[tilespmem:v40+s15+$0x0] =	vst.idx.add.f32.msk $0xffff, v3;
	v50 =	vadd.s32 v33, v43  }
0x5dc: {  	[tilespmem:v38+s15+$0x0] =	vst.idx.add.f32.msk $0xffff, v3;
	v51 =	vadd.s32 v33, v44  }
0x5dd: {  	[tilespmem:v39+s15+$0x0] =	vst.idx.add.f32.msk $0xffff, v3;
	v52 =	vadd.s32 v33, v46  }
0x5de: {  	[tilespmem:v41+s15+$0x0] =	vst.idx.add.f32.msk $0xffff, v3  }
0x5df: {  	[tilespmem:v42+s15+$0x0] =	vst.idx.add.f32.msk $0xffff, v3  }
0x5e0: {  	s19 =	simm.s32 $0x0;
	[tilespmem:v50+s15+$0x0] =	vst.idx.add.f32.msk $0xffff, v3  }
0x5e1: {  	s20 =	simm.s32 $0x7;
	v53 =	vadd.s32 s19, v0;
	[tilespmem:v51+s15+$0x0] =	vst.idx.add.f32.msk $0xffff, v3  }
0x5e2: {  	s21 =	simm.s32 $0x6;
	v54 =	vadd.s32 s20, v0;
	[tilespmem:v52+s15+$0x0] =	vst.idx.add.f32.msk $0xffff, v3  }
0x5e3: {  	s22 =	simm.s32 $0x5;
	v55 =	vadd.s32 s21, v0;
	_ =	swait.ge [sflag:s16], $0x3200  }
0x5e4: {  	s23 =	simm.s32 $0x4;
	v56 =	vadd.s32 s22, v0;
	[sflag:s16] =	ssyncset.done $0x0  }
0x5e5: {  	s24 =	simm.s32 $0x3;
	v57 =	vadd.s32 s23, v0;
	[sflag:s16] =	ssyncadd.s32 $0xFFFFCE00  }
0x5e6: {  	s25 =	simm.s32 $0x2;
	v58 =	vadd.s32 s24, v0;
	v38 =	vld.idx.msk [tilespmem:v53+s14+$0x0], $0xffff  }
0x5e7: {  	s26 =	simm.s32 $0x1;
	v59 =	vadd.s32 s25, v0;
	v39 =	vld.idx.msk [tilespmem:v54+s14+$0x0], $0xffff  }
0x5e8: {  	s28 =	simm.s32 $0x8;
	v60 =	vadd.s32 s26, v0;
	v40 =	vld.idx.msk [tilespmem:v55+s14+$0x0], $0xffff  }
0x5e9: {  	s30 =	simm.s32 $0xE;
	v61 =	vadd.s32 s28, v0;
	v41 =	vld.idx.msk [tilespmem:v56+s14+$0x0], $0xffff  }
0x5ea: {  	v49 =	vadd.s32 s30, v0;
	v42 =	vld.idx.msk [tilespmem:v57+s14+$0x0], $0xffff  }
0x5eb: {  	s29 =	simm.s32 $0xF;
	v43 =	vld.idx.msk [tilespmem:v58+s14+$0x0], $0xffff;
	v38 =	vadd.s32 v34, v38  }
0x5ec: {  	v47 =	vadd.s32 s29, v0;
	v44 =	vld.idx.msk [tilespmem:v59+s14+$0x0], $0xffff  }
0x5ed: {  	v45 =	vld.idx.msk [tilespmem:v60+s14+$0x0], $0xffff;
	v48 =	vadd.s32 v34, v39  }
0x5ee: {  	v39 =	vld.idx.msk [tilespmem:v61+s14+$0x0], $0xffff;
	v41 =	vadd.s32 v34, v41  }
0x5ef: {  	v62 =	vadd.s32 v34, v40;
	v42 =	vadd.s32 v34, v42;
	v40 =	vld.idx.msk [tilespmem:v49+s14+$0x0], $0xffff  }
0x5f0: {  	v43 =	vadd.s32 v34, v43;
	[tilespmem:v38+s15+$0x0] =	vst.idx.add.f32.msk $0xffff, v3  }
0x5f1: {  	v38 =	vld.idx.msk [tilespmem:v47+s14+$0x0], $0xffff  }
0x5f2: {  	v63 =	vadd.s32 v34, v44;
	[tilespmem:v48+s15+$0x0] =	vst.idx.add.f32.msk $0xffff, v3  }
0x5f3: {  	s31 =	simm.s32 $0xD;
	[tilespmem:v41+s15+$0x0] =	vst.idx.add.f32.msk $0xffff, v3;
	v41 =	vadd.s32 v34, v45  }
0x5f4: {  	s0 =	simm.s32 $0xC;
	[tilespmem:v42+s15+$0x0] =	vst.idx.add.f32.msk $0xffff, v3;
	v42 =	vadd.s32 s31, v0  }
0x5f5: {  	s3 =	simm.s32 $0xB;
	[tilespmem:v43+s15+$0x0] =	vst.idx.add.f32.msk $0xffff, v3;
	v43 =	vadd.s32 s0, v0  }
0x5f6: {  	s1 =	simm.s32 $0xA;
	v44 =	vadd.s32 s3, v0;
	[tilespmem:v62+s15+$0x0] =	vst.idx.add.f32.msk $0xffff, v3  }
0x5f7: {  	s5 =	simm.s32 $0x9;
	s4 =	simm.s32 $0x10;
	v45 =	vadd.s32 s1, v0;
	[tilespmem:v63+s15+$0x0] =	vst.idx.add.f32.msk $0xffff, v3  }
.LBB2_76:
0x5f8: {  	p0 =	slt.u32 s4, $0xC0;
	v46 =	vadd.s32 s5, v0;
	[tilespmem:v41+s15+$0x0] =	vst.idx.add.f32.msk $0xffff, v3  }
0x5f9: {  	v41 =	vadd.s32 s4, v0;
	v42 =	vld.idx.msk [tilespmem:v42+s14+$0x0], $0xffff  }
0x5fa: {  	s5 =	sadd.s32 $0x7, s4;
	v47 =	vadd.s32 v34, v39;
	v43 =	vld.idx.msk [tilespmem:v43+s14+$0x0], $0xffff  }
0x5fb: {  	v48 =	vadd.s32 s5, v0;
	v44 =	vld.idx.msk [tilespmem:v44+s14+$0x0], $0xffff  }
0x5fc: {  	v49 =	vadd.s32 v34, v38;
	s5 =	sadd.s32 $0x6, s4;
	v45 =	vld.idx.msk [tilespmem:v45+s14+$0x0], $0xffff  }
0x5fd: {  	v50 =	vadd.s32 s5, v0;
	v46 =	vld.idx.msk [tilespmem:v46+s14+$0x0], $0xffff  }
0x5fe: {  	v51 =	vadd.s32 v34, v40;
	v39 =	vld.idx.msk [tilespmem:v41+s14+$0x0], $0xffff  }
0x5ff: {  	[tilespmem:v47+s15+$0x0] =	vst.idx.add.f32.msk $0xffff, v3;
	v47 =	vadd.s32 v34, v42  }
0x600: {  	v38 =	vld.idx.msk [tilespmem:v48+s14+$0x0], $0xffff;
	v48 =	vadd.s32 v34, v43  }
0x601: {  	v52 =	vadd.s32 v34, v44;
	[tilespmem:v49+s15+$0x0] =	vst.idx.add.f32.msk $0xffff, v3  }
0x602: {  	v49 =	vadd.s32 v34, v45;
	v40 =	vld.idx.msk [tilespmem:v50+s14+$0x0], $0xffff  }
.Ltmp45:
0x603: {  	s5 =	sadd.s32 $0x5, s4;
	v41 =	vadd.s32 v34, v46;
	[tilespmem:v51+s15+$0x0] =	vst.idx.add.f32.msk $0xffff, v3;
	(pc) =	sbr.rel @p0 .LBB2_76-.Ltmp45, $4  }
0x604: {  	s6 =	sadd.s32 $0x4, s4;
	v42 =	vadd.s32 s5, v0;
	[tilespmem:v47+s15+$0x0] =	vst.idx.add.f32.msk $0xffff, v3  }
0x605: {  	s5 =	sadd.s32 $0x3, s4;
	v43 =	vadd.s32 s6, v0;
	[tilespmem:v48+s15+$0x0] =	vst.idx.add.f32.msk $0xffff, v3  }
0x606: {  	s6 =	sadd.s32 $0x2, s4;
	v44 =	vadd.s32 s5, v0;
	[tilespmem:v52+s15+$0x0] =	vst.idx.add.f32.msk $0xffff, v3  }
0x607: {  	s5 =	sadd.s32 $0x1, s4;
	s4 =	sadd.s32 $0x8, s4;
	v45 =	vadd.s32 s6, v0;
	[tilespmem:v49+s15+$0x0] =	vst.idx.add.f32.msk $0xffff, v3  }
0x608: {  	_ =	sdelay $0x2  }
0x609: {  	v46 =	vadd.s32 s5, v0  }
0x60a: {  	v42 =	vld.idx.msk [tilespmem:v42+s14+$0x0], $0xffff  }
0x60b: {  	v43 =	vld.idx.msk [tilespmem:v43+s14+$0x0], $0xffff  }
0x60c: {  	v39 =	vadd.s32 v34, v39;
	v44 =	vld.idx.msk [tilespmem:v44+s14+$0x0], $0xffff  }
0x60d: {  	v45 =	vld.idx.msk [tilespmem:v45+s14+$0x0], $0xffff;
	v38 =	vadd.s32 v34, v38  }
0x60e: {  	v40 =	vadd.s32 v34, v40;
	v46 =	vld.idx.msk [tilespmem:v46+s14+$0x0], $0xffff  }
0x60f: {  	v42 =	vadd.s32 v34, v42  }
0x610: {  	[tilespmem:v41+s15+$0x0] =	vst.idx.add.f32.msk $0xffff, v3;
	v49 =	vadd.s32 v34, v43  }
0x611: {  	[tilespmem:v39+s15+$0x0] =	vst.idx.add.f32.msk $0xffff, v3;
	v50 =	vadd.s32 v34, v44  }
0x612: {  	[tilespmem:v38+s15+$0x0] =	vst.idx.add.f32.msk $0xffff, v3;
	v51 =	vadd.s32 v34, v45  }
0x613: {  	[tilespmem:v40+s15+$0x0] =	vst.idx.add.f32.msk $0xffff, v3;
	v52 =	vadd.s32 v34, v46  }
0x614: {  	v53 =	vadd.s32 s19, v4;
	[tilespmem:v42+s15+$0x0] =	vst.idx.add.f32.msk $0xffff, v3  }
0x615: {  	v54 =	vadd.s32 s20, v4;
	[tilespmem:v49+s15+$0x0] =	vst.idx.add.f32.msk $0xffff, v3  }
0x616: {  	v55 =	vadd.s32 s21, v4;
	[tilespmem:v50+s15+$0x0] =	vst.idx.add.f32.msk $0xffff, v3  }
0x617: {  	v56 =	vadd.s32 s22, v4;
	[tilespmem:v51+s15+$0x0] =	vst.idx.add.f32.msk $0xffff, v3  }
0x618: {  	v57 =	vadd.s32 s23, v4;
	[tilespmem:v52+s15+$0x0] =	vst.idx.add.f32.msk $0xffff, v3  }
0x619: {  	v58 =	vadd.s32 s24, v4;
	v40 =	vld.idx.msk [tilespmem:v53+s14+$0x0], $0xffff  }
0x61a: {  	v59 =	vadd.s32 s25, v4;
	v39 =	vld.idx.msk [tilespmem:v54+s14+$0x0], $0xffff  }
0x61b: {  	v60 =	vadd.s32 s26, v4;
	v38 =	vld.idx.msk [tilespmem:v55+s14+$0x0], $0xffff  }
0x61c: {  	v61 =	vadd.s32 s28, v4;
	v41 =	vld.idx.msk [tilespmem:v56+s14+$0x0], $0xffff  }
0x61d: {  	v47 =	vadd.s32 s29, v4;
	v42 =	vld.idx.msk [tilespmem:v57+s14+$0x0], $0xffff  }
0x61e: {  	v43 =	vld.idx.msk [tilespmem:v58+s14+$0x0], $0xffff;
	v40 =	vadd.s32 v35, v40  }
0x61f: {  	v44 =	vld.idx.msk [tilespmem:v59+s14+$0x0], $0xffff;
	v48 =	vadd.s32 v35, v39  }
0x620: {  	v49 =	vadd.s32 s30, v4;
	v45 =	vld.idx.msk [tilespmem:v60+s14+$0x0], $0xffff  }
0x621: {  	v39 =	vld.idx.msk [tilespmem:v61+s14+$0x0], $0xffff;
	v41 =	vadd.s32 v35, v41  }
0x622: {  	v62 =	vadd.s32 v35, v38;
	v38 =	vld.idx.msk [tilespmem:v47+s14+$0x0], $0xffff;
	v42 =	vadd.s32 v35, v42  }
0x623: {  	v43 =	vadd.s32 v35, v43;
	[tilespmem:v40+s15+$0x0] =	vst.idx.add.f32.msk $0xffff, v3  }
0x624: {  	[tilespmem:v48+s15+$0x0] =	vst.idx.add.f32.msk $0xffff, v3  }
0x625: {  	v63 =	vadd.s32 v35, v44;
	v40 =	vld.idx.msk [tilespmem:v49+s14+$0x0], $0xffff  }
0x626: {  	[tilespmem:v41+s15+$0x0] =	vst.idx.add.f32.msk $0xffff, v3;
	v41 =	vadd.s32 v35, v45  }
0x627: {  	[tilespmem:v42+s15+$0x0] =	vst.idx.add.f32.msk $0xffff, v3;
	v42 =	vadd.s32 s31, v4  }
0x628: {  	[tilespmem:v43+s15+$0x0] =	vst.idx.add.f32.msk $0xffff, v3;
	v43 =	vadd.s32 s0, v4  }
0x629: {  	v44 =	vadd.s32 s3, v4;
	[tilespmem:v62+s15+$0x0] =	vst.idx.add.f32.msk $0xffff, v3  }
0x62a: {  	s3 =	simm.s32 $0x9;
	v45 =	vadd.s32 s1, v4;
	s0 =	simm.s32 $0x10;
	[tilespmem:v63+s15+$0x0] =	vst.idx.add.f32.msk $0xffff, v3  }
.LBB2_78:
0x62b: {  	p0 =	slt.u32 s0, $0xC0;
	v46 =	vadd.s32 s3, v4;
	[tilespmem:v41+s15+$0x0] =	vst.idx.add.f32.msk $0xffff, v3  }
0x62c: {  	v41 =	vadd.s32 s0, v4;
	v42 =	vld.idx.msk [tilespmem:v42+s14+$0x0], $0xffff  }
0x62d: {  	s1 =	sadd.s32 $0x7, s0;
	v47 =	vadd.s32 v35, v39;
	v43 =	vld.idx.msk [tilespmem:v43+s14+$0x0], $0xffff  }
0x62e: {  	v48 =	vadd.s32 s1, v4;
	v44 =	vld.idx.msk [tilespmem:v44+s14+$0x0], $0xffff  }
0x62f: {  	v49 =	vadd.s32 v35, v38;
	s1 =	sadd.s32 $0x6, s0;
	v45 =	vld.idx.msk [tilespmem:v45+s14+$0x0], $0xffff  }
0x630: {  	v50 =	vadd.s32 s1, v4;
	v46 =	vld.idx.msk [tilespmem:v46+s14+$0x0], $0xffff  }
0x631: {  	v51 =	vadd.s32 v35, v40;
	v39 =	vld.idx.msk [tilespmem:v41+s14+$0x0], $0xffff  }
0x632: {  	[tilespmem:v47+s15+$0x0] =	vst.idx.add.f32.msk $0xffff, v3;
	v47 =	vadd.s32 v35, v42  }
0x633: {  	v38 =	vld.idx.msk [tilespmem:v48+s14+$0x0], $0xffff;
	v48 =	vadd.s32 v35, v43  }
0x634: {  	v52 =	vadd.s32 v35, v44;
	[tilespmem:v49+s15+$0x0] =	vst.idx.add.f32.msk $0xffff, v3  }
0x635: {  	v49 =	vadd.s32 v35, v45;
	v40 =	vld.idx.msk [tilespmem:v50+s14+$0x0], $0xffff  }
.Ltmp46:
0x636: {  	s1 =	sadd.s32 $0x5, s0;
	v41 =	vadd.s32 v35, v46;
	[tilespmem:v51+s15+$0x0] =	vst.idx.add.f32.msk $0xffff, v3;
	(pc) =	sbr.rel @p0 .LBB2_78-.Ltmp46, $4  }
0x637: {  	s3 =	sadd.s32 $0x4, s0;
	v42 =	vadd.s32 s1, v4;
	[tilespmem:v47+s15+$0x0] =	vst.idx.add.f32.msk $0xffff, v3  }
0x638: {  	s1 =	sadd.s32 $0x3, s0;
	v43 =	vadd.s32 s3, v4;
	[tilespmem:v48+s15+$0x0] =	vst.idx.add.f32.msk $0xffff, v3  }
0x639: {  	s4 =	sadd.s32 $0x2, s0;
	v44 =	vadd.s32 s1, v4;
	[tilespmem:v52+s15+$0x0] =	vst.idx.add.f32.msk $0xffff, v3  }
0x63a: {  	s3 =	sadd.s32 $0x1, s0;
	s0 =	sadd.s32 $0x8, s0;
	v45 =	vadd.s32 s4, v4;
	[tilespmem:v49+s15+$0x0] =	vst.idx.add.f32.msk $0xffff, v3  }
0x63b: {  	_ =	sdelay $0x2  }
0x63c: {  	v46 =	vadd.s32 s3, v4  }
0x63d: {  	v42 =	vld.idx.msk [tilespmem:v42+s14+$0x0], $0xffff  }
0x63e: {  	v43 =	vld.idx.msk [tilespmem:v43+s14+$0x0], $0xffff  }
0x63f: {  	v39 =	vadd.s32 v35, v39;
	v44 =	vld.idx.msk [tilespmem:v44+s14+$0x0], $0xffff  }
0x640: {  	v45 =	vld.idx.msk [tilespmem:v45+s14+$0x0], $0xffff;
	v38 =	vadd.s32 v35, v38  }
0x641: {  	v40 =	vadd.s32 v35, v40;
	v46 =	vld.idx.msk [tilespmem:v46+s14+$0x0], $0xffff  }
0x642: {  	v42 =	vadd.s32 v35, v42  }
0x643: {  	[tilespmem:v41+s15+$0x0] =	vst.idx.add.f32.msk $0xffff, v3;
	v49 =	vadd.s32 v35, v43  }
0x644: {  	[tilespmem:v39+s15+$0x0] =	vst.idx.add.f32.msk $0xffff, v3;
	v50 =	vadd.s32 v35, v44  }
0x645: {  	[tilespmem:v38+s15+$0x0] =	vst.idx.add.f32.msk $0xffff, v3;
	v51 =	vadd.s32 v35, v45  }
0x646: {  	s19 =	simm.s32 $0x0;
	[tilespmem:v40+s15+$0x0] =	vst.idx.add.f32.msk $0xffff, v3;
	v52 =	vadd.s32 v35, v46  }
0x647: {  	s20 =	simm.s32 $0x7;
	v53 =	vadd.s32 s19, v6;
	[tilespmem:v42+s15+$0x0] =	vst.idx.add.f32.msk $0xffff, v3  }
0x648: {  	s21 =	simm.s32 $0x6;
	v54 =	vadd.s32 s20, v6;
	[tilespmem:v49+s15+$0x0] =	vst.idx.add.f32.msk $0xffff, v3  }
0x649: {  	s22 =	simm.s32 $0x5;
	v55 =	vadd.s32 s21, v6;
	[tilespmem:v50+s15+$0x0] =	vst.idx.add.f32.msk $0xffff, v3  }
0x64a: {  	s23 =	simm.s32 $0x4;
	v56 =	vadd.s32 s22, v6;
	[tilespmem:v51+s15+$0x0] =	vst.idx.add.f32.msk $0xffff, v3  }
0x64b: {  	s24 =	simm.s32 $0x3;
	v57 =	vadd.s32 s23, v6;
	[tilespmem:v52+s15+$0x0] =	vst.idx.add.f32.msk $0xffff, v3  }
0x64c: {  	s25 =	simm.s32 $0x2;
	v58 =	vadd.s32 s24, v6;
	v40 =	vld.idx.msk [tilespmem:v53+s14+$0x0], $0xffff  }
0x64d: {  	s26 =	simm.s32 $0x1;
	v59 =	vadd.s32 s25, v6;
	v39 =	vld.idx.msk [tilespmem:v54+s14+$0x0], $0xffff  }
0x64e: {  	s28 =	simm.s32 $0x8;
	v60 =	vadd.s32 s26, v6;
	v38 =	vld.idx.msk [tilespmem:v55+s14+$0x0], $0xffff  }
0x64f: {  	s29 =	simm.s32 $0xF;
	v61 =	vadd.s32 s28, v6;
	v41 =	vld.idx.msk [tilespmem:v56+s14+$0x0], $0xffff  }
0x650: {  	v47 =	vadd.s32 s29, v6;
	v42 =	vld.idx.msk [tilespmem:v57+s14+$0x0], $0xffff  }
0x651: {  	v43 =	vld.idx.msk [tilespmem:v58+s14+$0x0], $0xffff;
	v40 =	vadd.s32 v36, v40  }
0x652: {  	s30 =	simm.s32 $0xE;
	v44 =	vld.idx.msk [tilespmem:v59+s14+$0x0], $0xffff;
	v48 =	vadd.s32 v36, v39  }
0x653: {  	v49 =	vadd.s32 s30, v6;
	v45 =	vld.idx.msk [tilespmem:v60+s14+$0x0], $0xffff  }
0x654: {  	v39 =	vld.idx.msk [tilespmem:v61+s14+$0x0], $0xffff;
	v41 =	vadd.s32 v36, v41  }
0x655: {  	v62 =	vadd.s32 v36, v38;
	v38 =	vld.idx.msk [tilespmem:v47+s14+$0x0], $0xffff;
	v42 =	vadd.s32 v36, v42  }
0x656: {  	v43 =	vadd.s32 v36, v43;
	[tilespmem:v40+s15+$0x0] =	vst.idx.add.f32.msk $0xffff, v3  }
0x657: {  	[tilespmem:v48+s15+$0x0] =	vst.idx.add.f32.msk $0xffff, v3  }
0x658: {  	v63 =	vadd.s32 v36, v44;
	v40 =	vld.idx.msk [tilespmem:v49+s14+$0x0], $0xffff  }
0x659: {  	s31 =	simm.s32 $0xD;
	[tilespmem:v41+s15+$0x0] =	vst.idx.add.f32.msk $0xffff, v3;
	v41 =	vadd.s32 v36, v45  }
0x65a: {  	s0 =	simm.s32 $0xC;
	[tilespmem:v42+s15+$0x0] =	vst.idx.add.f32.msk $0xffff, v3;
	v42 =	vadd.s32 s31, v6  }
0x65b: {  	s3 =	simm.s32 $0xB;
	[tilespmem:v43+s15+$0x0] =	vst.idx.add.f32.msk $0xffff, v3;
	v43 =	vadd.s32 s0, v6  }
0x65c: {  	s1 =	simm.s32 $0xA;
	v44 =	vadd.s32 s3, v6;
	[tilespmem:v62+s15+$0x0] =	vst.idx.add.f32.msk $0xffff, v3  }
0x65d: {  	s5 =	simm.s32 $0x9;
	s4 =	simm.s32 $0x10;
	v45 =	vadd.s32 s1, v6;
	[tilespmem:v63+s15+$0x0] =	vst.idx.add.f32.msk $0xffff, v3  }
.LBB2_80:
0x65e: {  	p0 =	slt.u32 s4, $0xC0;
	v46 =	vadd.s32 s5, v6;
	[tilespmem:v41+s15+$0x0] =	vst.idx.add.f32.msk $0xffff, v3  }
0x65f: {  	v41 =	vadd.s32 s4, v6;
	v42 =	vld.idx.msk [tilespmem:v42+s14+$0x0], $0xffff  }
0x660: {  	s5 =	sadd.s32 $0x7, s4;
	v47 =	vadd.s32 v36, v39;
	v43 =	vld.idx.msk [tilespmem:v43+s14+$0x0], $0xffff  }
0x661: {  	v48 =	vadd.s32 s5, v6;
	v44 =	vld.idx.msk [tilespmem:v44+s14+$0x0], $0xffff  }
0x662: {  	v49 =	vadd.s32 v36, v38;
	s5 =	sadd.s32 $0x6, s4;
	v45 =	vld.idx.msk [tilespmem:v45+s14+$0x0], $0xffff  }
0x663: {  	v50 =	vadd.s32 s5, v6;
	v46 =	vld.idx.msk [tilespmem:v46+s14+$0x0], $0xffff  }
0x664: {  	v51 =	vadd.s32 v36, v40;
	v39 =	vld.idx.msk [tilespmem:v41+s14+$0x0], $0xffff  }
0x665: {  	[tilespmem:v47+s15+$0x0] =	vst.idx.add.f32.msk $0xffff, v3;
	v47 =	vadd.s32 v36, v42  }
0x666: {  	v38 =	vld.idx.msk [tilespmem:v48+s14+$0x0], $0xffff;
	v48 =	vadd.s32 v36, v43  }
0x667: {  	v52 =	vadd.s32 v36, v44;
	[tilespmem:v49+s15+$0x0] =	vst.idx.add.f32.msk $0xffff, v3  }
0x668: {  	v49 =	vadd.s32 v36, v45;
	v40 =	vld.idx.msk [tilespmem:v50+s14+$0x0], $0xffff  }
.Ltmp47:
0x669: {  	s5 =	sadd.s32 $0x5, s4;
	v41 =	vadd.s32 v36, v46;
	[tilespmem:v51+s15+$0x0] =	vst.idx.add.f32.msk $0xffff, v3;
	(pc) =	sbr.rel @p0 .LBB2_80-.Ltmp47, $4  }
0x66a: {  	s6 =	sadd.s32 $0x4, s4;
	v42 =	vadd.s32 s5, v6;
	[tilespmem:v47+s15+$0x0] =	vst.idx.add.f32.msk $0xffff, v3  }
0x66b: {  	s5 =	sadd.s32 $0x3, s4;
	v43 =	vadd.s32 s6, v6;
	[tilespmem:v48+s15+$0x0] =	vst.idx.add.f32.msk $0xffff, v3  }
0x66c: {  	s6 =	sadd.s32 $0x2, s4;
	v44 =	vadd.s32 s5, v6;
	[tilespmem:v52+s15+$0x0] =	vst.idx.add.f32.msk $0xffff, v3  }
0x66d: {  	s5 =	sadd.s32 $0x1, s4;
	s4 =	sadd.s32 $0x8, s4;
	v45 =	vadd.s32 s6, v6;
	[tilespmem:v49+s15+$0x0] =	vst.idx.add.f32.msk $0xffff, v3  }
0x66e: {  	_ =	sdelay $0x2  }
0x66f: {  	v46 =	vadd.s32 s5, v6  }
0x670: {  	v42 =	vld.idx.msk [tilespmem:v42+s14+$0x0], $0xffff  }
0x671: {  	v43 =	vld.idx.msk [tilespmem:v43+s14+$0x0], $0xffff  }
0x672: {  	v39 =	vadd.s32 v36, v39;
	v44 =	vld.idx.msk [tilespmem:v44+s14+$0x0], $0xffff  }
0x673: {  	v45 =	vld.idx.msk [tilespmem:v45+s14+$0x0], $0xffff;
	v38 =	vadd.s32 v36, v38  }
0x674: {  	v40 =	vadd.s32 v36, v40;
	v46 =	vld.idx.msk [tilespmem:v46+s14+$0x0], $0xffff  }
0x675: {  	v42 =	vadd.s32 v36, v42  }
0x676: {  	[tilespmem:v41+s15+$0x0] =	vst.idx.add.f32.msk $0xffff, v3;
	v49 =	vadd.s32 v36, v43  }
0x677: {  	[tilespmem:v39+s15+$0x0] =	vst.idx.add.f32.msk $0xffff, v3;
	v50 =	vadd.s32 v36, v44  }
0x678: {  	[tilespmem:v38+s15+$0x0] =	vst.idx.add.f32.msk $0xffff, v3;
	v51 =	vadd.s32 v36, v45  }
0x679: {  	[tilespmem:v40+s15+$0x0] =	vst.idx.add.f32.msk $0xffff, v3;
	v52 =	vadd.s32 v36, v46  }
0x67a: {  	v53 =	vadd.s32 s19, v8;
	[tilespmem:v42+s15+$0x0] =	vst.idx.add.f32.msk $0xffff, v3  }
0x67b: {  	v54 =	vadd.s32 s20, v8;
	[tilespmem:v49+s15+$0x0] =	vst.idx.add.f32.msk $0xffff, v3  }
0x67c: {  	v55 =	vadd.s32 s21, v8;
	[tilespmem:v50+s15+$0x0] =	vst.idx.add.f32.msk $0xffff, v3  }
0x67d: {  	v56 =	vadd.s32 s22, v8;
	[tilespmem:v51+s15+$0x0] =	vst.idx.add.f32.msk $0xffff, v3  }
0x67e: {  	v57 =	vadd.s32 s23, v8;
	[tilespmem:v52+s15+$0x0] =	vst.idx.add.f32.msk $0xffff, v3  }
0x67f: {  	v58 =	vadd.s32 s24, v8;
	v40 =	vld.idx.msk [tilespmem:v53+s14+$0x0], $0xffff  }
0x680: {  	v59 =	vadd.s32 s25, v8;
	v39 =	vld.idx.msk [tilespmem:v54+s14+$0x0], $0xffff  }
0x681: {  	v60 =	vadd.s32 s26, v8;
	v38 =	vld.idx.msk [tilespmem:v55+s14+$0x0], $0xffff  }
0x682: {  	v61 =	vadd.s32 s28, v8;
	v41 =	vld.idx.msk [tilespmem:v56+s14+$0x0], $0xffff  }
0x683: {  	v47 =	vadd.s32 s29, v8;
	v42 =	vld.idx.msk [tilespmem:v57+s14+$0x0], $0xffff  }
0x684: {  	v43 =	vld.idx.msk [tilespmem:v58+s14+$0x0], $0xffff;
	v40 =	vadd.s32 v37, v40  }
0x685: {  	v44 =	vld.idx.msk [tilespmem:v59+s14+$0x0], $0xffff;
	v48 =	vadd.s32 v37, v39  }
0x686: {  	v49 =	vadd.s32 s30, v8;
	v45 =	vld.idx.msk [tilespmem:v60+s14+$0x0], $0xffff  }
0x687: {  	v39 =	vld.idx.msk [tilespmem:v61+s14+$0x0], $0xffff;
	v41 =	vadd.s32 v37, v41  }
0x688: {  	v62 =	vadd.s32 v37, v38;
	v38 =	vld.idx.msk [tilespmem:v47+s14+$0x0], $0xffff;
	v42 =	vadd.s32 v37, v42  }
0x689: {  	v43 =	vadd.s32 v37, v43;
	[tilespmem:v40+s15+$0x0] =	vst.idx.add.f32.msk $0xffff, v3  }
0x68a: {  	[tilespmem:v48+s15+$0x0] =	vst.idx.add.f32.msk $0xffff, v3  }
0x68b: {  	v63 =	vadd.s32 v37, v44;
	v40 =	vld.idx.msk [tilespmem:v49+s14+$0x0], $0xffff  }
0x68c: {  	[tilespmem:v41+s15+$0x0] =	vst.idx.add.f32.msk $0xffff, v3;
	v41 =	vadd.s32 v37, v45  }
0x68d: {  	[tilespmem:v42+s15+$0x0] =	vst.idx.add.f32.msk $0xffff, v3;
	v42 =	vadd.s32 s31, v8  }
0x68e: {  	[tilespmem:v43+s15+$0x0] =	vst.idx.add.f32.msk $0xffff, v3;
	v43 =	vadd.s32 s0, v8  }
0x68f: {  	v44 =	vadd.s32 s3, v8;
	[tilespmem:v62+s15+$0x0] =	vst.idx.add.f32.msk $0xffff, v3  }
0x690: {  	s3 =	simm.s32 $0x9;
	v45 =	vadd.s32 s1, v8;
	s0 =	simm.s32 $0x10;
	[tilespmem:v63+s15+$0x0] =	vst.idx.add.f32.msk $0xffff, v3  }
.LBB2_82:
0x691: {  	p0 =	slt.u32 s0, $0xC0;
	v46 =	vadd.s32 s3, v8;
	[tilespmem:v41+s15+$0x0] =	vst.idx.add.f32.msk $0xffff, v3  }
0x692: {  	v41 =	vadd.s32 s0, v8;
	v42 =	vld.idx.msk [tilespmem:v42+s14+$0x0], $0xffff  }
0x693: {  	s1 =	sadd.s32 $0x7, s0;
	v47 =	vadd.s32 v37, v39;
	v43 =	vld.idx.msk [tilespmem:v43+s14+$0x0], $0xffff  }
0x694: {  	v48 =	vadd.s32 s1, v8;
	v44 =	vld.idx.msk [tilespmem:v44+s14+$0x0], $0xffff  }
0x695: {  	v49 =	vadd.s32 v37, v38;
	s1 =	sadd.s32 $0x6, s0;
	v45 =	vld.idx.msk [tilespmem:v45+s14+$0x0], $0xffff  }
0x696: {  	v50 =	vadd.s32 s1, v8;
	v46 =	vld.idx.msk [tilespmem:v46+s14+$0x0], $0xffff  }
0x697: {  	v51 =	vadd.s32 v37, v40;
	v39 =	vld.idx.msk [tilespmem:v41+s14+$0x0], $0xffff  }
0x698: {  	[tilespmem:v47+s15+$0x0] =	vst.idx.add.f32.msk $0xffff, v3;
	v47 =	vadd.s32 v37, v42  }
0x699: {  	v38 =	vld.idx.msk [tilespmem:v48+s14+$0x0], $0xffff;
	v48 =	vadd.s32 v37, v43  }
0x69a: {  	v52 =	vadd.s32 v37, v44;
	[tilespmem:v49+s15+$0x0] =	vst.idx.add.f32.msk $0xffff, v3  }
0x69b: {  	v49 =	vadd.s32 v37, v45;
	v40 =	vld.idx.msk [tilespmem:v50+s14+$0x0], $0xffff  }
.Ltmp48:
0x69c: {  	s1 =	sadd.s32 $0x5, s0;
	v41 =	vadd.s32 v37, v46;
	[tilespmem:v51+s15+$0x0] =	vst.idx.add.f32.msk $0xffff, v3;
	(pc) =	sbr.rel @p0 .LBB2_82-.Ltmp48, $4  }
0x69d: {  	s3 =	sadd.s32 $0x4, s0;
	v42 =	vadd.s32 s1, v8;
	[tilespmem:v47+s15+$0x0] =	vst.idx.add.f32.msk $0xffff, v3  }
0x69e: {  	s1 =	sadd.s32 $0x3, s0;
	v43 =	vadd.s32 s3, v8;
	[tilespmem:v48+s15+$0x0] =	vst.idx.add.f32.msk $0xffff, v3  }
0x69f: {  	s4 =	sadd.s32 $0x2, s0;
	v44 =	vadd.s32 s1, v8;
	[tilespmem:v52+s15+$0x0] =	vst.idx.add.f32.msk $0xffff, v3  }
0x6a0: {  	s3 =	sadd.s32 $0x1, s0;
	s0 =	sadd.s32 $0x8, s0;
	v45 =	vadd.s32 s4, v8;
	[tilespmem:v49+s15+$0x0] =	vst.idx.add.f32.msk $0xffff, v3  }
0x6a1: {  	_ =	sdelay $0x2  }
0x6a2: {  	v46 =	vadd.s32 s3, v8  }
0x6a3: {  	v42 =	vld.idx.msk [tilespmem:v42+s14+$0x0], $0xffff  }
0x6a4: {  	v43 =	vld.idx.msk [tilespmem:v43+s14+$0x0], $0xffff  }
0x6a5: {  	v39 =	vadd.s32 v37, v39;
	v44 =	vld.idx.msk [tilespmem:v44+s14+$0x0], $0xffff  }
0x6a6: {  	v45 =	vld.idx.msk [tilespmem:v45+s14+$0x0], $0xffff;
	v38 =	vadd.s32 v37, v38  }
0x6a7: {  	v40 =	vadd.s32 v37, v40;
	v46 =	vld.idx.msk [tilespmem:v46+s14+$0x0], $0xffff  }
0x6a8: {  	v42 =	vadd.s32 v37, v42  }
0x6a9: {  	[tilespmem:v41+s15+$0x0] =	vst.idx.add.f32.msk $0xffff, v3;
	v60 =	vadd.s32 v37, v43  }
0x6aa: {  	[tilespmem:v39+s15+$0x0] =	vst.idx.add.f32.msk $0xffff, v3;
	v61 =	vadd.s32 v37, v44  }
0x6ab: {  	[tilespmem:v38+s15+$0x0] =	vst.idx.add.f32.msk $0xffff, v3;
	v62 =	vadd.s32 v37, v45  }
0x6ac: {  	[tilespmem:v40+s15+$0x0] =	vst.idx.add.f32.msk $0xffff, v3;
	v63 =	vadd.s32 v37, v46  }
0x6ad: {  	[tilespmem:v42+s15+$0x0] =	vst.idx.add.f32.msk $0xffff, v3  }
0x6ae: {  	[tilespmem:v60+s15+$0x0] =	vst.idx.add.f32.msk $0xffff, v3  }
0x6af: {  	[tilespmem:v61+s15+$0x0] =	vst.idx.add.f32.msk $0xffff, v3  }
0x6b0: {  	s18 =	sadd.s32 $0x1, s18;
	[tilespmem:v62+s15+$0x0] =	vst.idx.add.f32.msk $0xffff, v3  }
0x6b1: {  	p0 =	sne.s32 s18, s12;
	[tilespmem:v63+s15+$0x0] =	vst.idx.add.f32.msk $0xffff, v3  }
0x6b2: {  	[hbm4b:s11+s2] =	stream.linear.scatter [tilespmem:s15], [sflag:$0x3], $0x8000, $0x38;
	[tilespmem:$0xE400] =	vst v63  }
.Ltmp49:
0x6b3: {  	_ = 	snop;
	(pc) =	sbr.rel @p0 .LBB2_1-.Ltmp49, $4  }
.Ltmp50:
0x6b4: {  	_ = 	snop;
	(pc) =	sbr.rel @!p0 .LBB2_84-.Ltmp50, $4  }
0x6b5: {  	_ =	swait.ge [sflag:s17], $0x8000  }
0x6b6: {  	[sflag:s17] =	ssyncset.done $0x0  }
0x6b7: {  	[sflag:s17] =	ssyncadd.s32 $0xFFFF8000  }
0x6b8: {  	_ = 	snop  }
.LBB2_8:
.Ltmp51:
0x6b9: {  	(pc) =	sbr.rel .LBB2_11-.Ltmp51, $2  }
0x6ba: {  	_ =	sdelay $0x2  }
0x6bb: {  	s1 =	simm.s32 $0x1;
	p2 =	por $0x0, $0x0  }
.LBB2_12:
.Ltmp52:
0x6bc: {  	(pc) =	sbr.rel .LBB2_15-.Ltmp52, $2  }
0x6bd: {  	_ =	sdelay $0x2  }
0x6be: {  	_ = 	snop  }
.LBB2_28:
.Ltmp53:
0x6bf: {  	(pc) =	sbr.rel .LBB2_31-.Ltmp53, $2  }
0x6c0: {  	_ =	sdelay $0x2  }
0x6c1: {  	s1 =	simm.s32 $0x1;
	p2 =	por $0x0, $0x0  }
.LBB2_32:
.Ltmp54:
0x6c2: {  	(pc) =	sbr.rel .LBB2_35-.Ltmp54, $2  }
0x6c3: {  	_ =	sdelay $0x2  }
0x6c4: {  	_ = 	snop  }
.LBB2_48:
.Ltmp55:
0x6c5: {  	(pc) =	sbr.rel .LBB2_51-.Ltmp55, $2  }
0x6c6: {  	_ =	sdelay $0x2  }
0x6c7: {  	s1 =	simm.s32 $0x1;
	p2 =	por $0x0, $0x0  }
.LBB2_52:
.Ltmp56:
0x6c8: {  	(pc) =	sbr.rel .LBB2_55-.Ltmp56, $2  }
0x6c9: {  	_ =	sdelay $0x2  }
0x6ca: {  	_ = 	snop  }
.LBB2_68:
.Ltmp57:
0x6cb: {  	(pc) =	sbr.rel .LBB2_71-.Ltmp57, $2  }
0x6cc: {  	_ =	sdelay $0x2  }
0x6cd: {  	s1 =	simm.s32 $0x1;
	p2 =	por $0x0, $0x0  }
.LBB2_72:
.Ltmp58:
0x6ce: {  	(pc) =	sbr.rel .LBB2_75-.Ltmp58, $2  }
0x6cf: {  	_ =	sdelay $0x2  }
0x6d0: {  	_ = 	snop  }
.LBB2_84:
0x6d1: {  	_ =	sfence.sel $0x180000  }
0x6d2: {  	[bflag:$0x0] =	sbarrier.arrive $0xFFFF  }
0x6d3: {  	_ =	strace $0x90000047  }
0x6d4: {  	s0 =	stileid.u32;
	[bflag:$0x2] =	sbarrier.arrive $0xFFFF  }
0x6d5: {  	p0 =	sne.s32 s0, $0x0;
	s0 =	rddreg [dreg:$0x2]  }
0x6d6: {  	s0 =	sadd.s32 @!p0 $0x100000, s0  }
0x6d7: {  	[sflag:s0] =	ssyncadd.tile.s32 @!p0 $0x1;
	_ =	shalt  }
.Lfunc_end2:
_tile_overlayer_lowered:
.L_overlay_start_2:
0x6d8: {  	(tag) =	ssettag $0x2  }
0x6d9: {  	s0 =	rddreg [dreg:$0x0];
	s2 =	stileid.u32  }
0x6da: {  	s1 =	rddreg [dreg:$0x1];
	p0 =	sne.s32 s2, $0x0  }
0x6db: {  	s3 =	rddreg [dreg:$0x2];
	[bflag:$0x3] =	sbarrier.arrive $0xFFFF;
	s2 =	simm.s32 @!p0 $0x1C03  }
0x6dc: {  	[timem:s3], [sflag:s2] =	dma.local @!p0 [hbm:s0], s1  }
0x6dd: {  	s0 =	simm.s32 @!p0 $0x3  }
0x6de: {  	_ =	swait.ge @!p0 [sflag:s0], s1  }
0x6df: {  	s1 =	ssub.s32 @!p0 $0x0, s1;
	[sflag:s0] =	ssyncset.done @!p0 $0x0  }
0x6e0: {  	[sflag:s0] =	ssyncadd.s32 @!p0 s1  }
0x6e1: {  	[bflag:$0x3] =	sbarrier.arrive $0xFFFF  }
0x6e2: {  	_ =	shalt  }

</sc_bundles>
